<compile_context>
chip_gen: v7x
topology: tpu7x:2x2x1
jax: 0.10.2.dev20260603
libtpu: 0.0.44.dev20260713+nightly
codegen_flags: <defaults>
</compile_context>

<pallas_src>
import functools

import jax
import jax.numpy as jnp
from jax import lax
from jax.experimental import pallas as pl
from jax.experimental.pallas import tpu as pltpu
from jax.experimental.pallas import tpu_sc as plsc

N = 10000
E = 320000
DF = 128
NP = 10240
NCHUNK = 128
NWORKERS = 32
TOTAL_CHUNKS = 2560
EP = TOTAL_CHUNKS * NCHUNK
KPT = TOTAL_CHUNKS // NWORKERS
GC = 40
GROUPS = KPT // GC
RPT = NP // 16
RB = 2000
_BN_SCALE = 0.9999950000374996



DR = 128


def _sc_degree(dstp, mesh):

    @functools.partial(
        pl.kernel,
        out_type=jax.ShapeDtypeStruct((2, DR, 128), jnp.float32),
        mesh=mesh,
        compiler_params=pltpu.CompilerParams(needs_layout_passes=False),
        scratch_types=[
            pltpu.VMEM((KPT, NCHUNK), jnp.int32),
            pltpu.VMEM((DR, 128), jnp.float32),
            pltpu.VMEM((DR // 16, 128), jnp.float32),
            pltpu.VMEM((1, 128), jnp.int32),
            pltpu.VMEM_SHARED((DR, 128), jnp.float32),
        ],
    )
    def k(dstp_hbm, out_hbm, dbuf, hist, zbuf, idxrow, dacc):
        c = lax.axis_index("c")
        s = lax.axis_index("s")
        wid = s * 2 + c
        zrows = DR // 16
        lane16 = jax.lax.iota(jnp.int32, 16)

        pltpu.sync_copy(dstp_hbm.at[pl.ds(wid * KPT, KPT)], dbuf)

        def fill_zero(i, carry):
            r = i // 8
            k16 = i % 8
            hist[r, pl.ds(k16 * 16, 16)] = jnp.zeros((16,), jnp.float32)
            return carry

        lax.fori_loop(0, DR * 8, fill_zero, 0)

        def fill_zbuf(i, carry):
            zbuf[i // 8, pl.ds((i % 8) * 16, 16)] = jnp.zeros((16,), jnp.float32)
            return carry

        lax.fori_loop(0, zrows * 8, fill_zbuf, 0)

        for k16 in range(8):
            idxrow[0, pl.ds(k16 * 16, 16)] = lane16 + (16 * k16)

        pltpu.sync_copy(zbuf, dacc.at[pl.ds(s * zrows, zrows)])

        def count(i, carry):
            v = dbuf[i // 8, pl.ds((i % 8) * 16, 16)]
            cnt, is_last = plsc.scan_count(v)
            plsc.addupdate_scatter(
                hist,
                [lax.shift_right_logical(v, 7), lax.bitwise_and(v, 127)],
                cnt.astype(jnp.float32),
                mask=is_last,
            )
            return carry

        lax.fori_loop(0, KPT * 8, count, 0)
        plsc.subcore_barrier()
        pltpu.sync_copy(hist, dacc.at[idxrow.at[0]], add=True)
        plsc.subcore_barrier()
        pltpu.sync_copy(dacc.at[pl.ds(s * zrows, zrows)],
                        out_hbm.at[c, pl.ds(s * zrows, zrows)])

    return k(dstp)


def _sc_scatter(u, srcp, dstp, z128, mesh):

    @functools.partial(
        pl.kernel,
        out_type=jax.ShapeDtypeStruct((2, NP, DF), jnp.float32),
        mesh=mesh,
        scratch_types=[
            pltpu.VMEM((GC, NCHUNK), jnp.int32),
            pltpu.VMEM((GC, NCHUNK), jnp.int32),
            pltpu.VMEM((NCHUNK, DF), jnp.float32),
            pltpu.VMEM((NCHUNK, DF), jnp.float32),
            pltpu.VMEM_SHARED((NP, DF), jnp.float32),
            pltpu.SemaphoreType.DMA,
            pltpu.SemaphoreType.DMA,
            pltpu.SemaphoreType.DMA,
        ],
    )
    def k(u_hbm, srcp_hbm, dstp_hbm, z_hbm, out_hbm,
          sbuf, dbuf, rows0, rows1, acc, sem0, sem1, semz):
        c = lax.axis_index("c")
        s = lax.axis_index("s")
        wid = s * 2 + c

        def load_idx(gi):
            base = wid * KPT + gi * GC
            pltpu.sync_copy(srcp_hbm.at[pl.ds(base, GC)], sbuf)
            pltpu.sync_copy(dstp_hbm.at[pl.ds(base, GC)], dbuf)

        def gather(j, rows, sem):
            pltpu.async_copy(u_hbm.at[sbuf.at[j]], rows, sem)

        def gather_wait(j, rows, sem):
            pltpu.make_async_copy(u_hbm.at[sbuf.at[j]], rows, sem).wait()

        zc = pltpu.async_copy(z_hbm.at[pl.ds(s * RPT, RPT)],
                              acc.at[pl.ds(s * RPT, RPT)], semz)
        load_idx(0)
        gather(0, rows0, sem0)
        gather(1, rows1, sem1)
        zc.wait()
        plsc.subcore_barrier()

        def body(i, carry):
            j = 2 * i
            gather_wait(j, rows0, sem0)
            pltpu.sync_copy(rows0, acc.at[dbuf.at[j]], add=True)

            @pl.when(j + 2 < GC)
            def _():
                gather(j + 2, rows0, sem0)

            gather_wait(j + 1, rows1, sem1)
            pltpu.sync_copy(rows1, acc.at[dbuf.at[j + 1]], add=True)

            @pl.when(j + 3 < GC)
            def _():
                gather(j + 3, rows1, sem1)

            return carry

        lax.fori_loop(0, GC // 2, body, 0)
        for gi in range(1, GROUPS):
            load_idx(gi)
            gather(0, rows0, sem0)
            gather(1, rows1, sem1)
            lax.fori_loop(0, GC // 2, body, 0)
        plsc.subcore_barrier()
        pltpu.sync_copy(acc.at[pl.ds(s * RPT, RPT)],
                        out_hbm.at[c, pl.ds(s * RPT, RPT)])

    return k(u, srcp, dstp, z128)



def _tc_first_scale(dflat, x, W, Wm):

    def body(d_ref, x_ref, w_ref, wm_ref, dis_ref, u_ref):
        cnt = d_ref[0] + d_ref[1]
        dis = lax.rsqrt(1.0 + cnt)
        dis_ref[...] = dis
        mw = jnp.clip(wm_ref[...], 0.0, 1.0) * w_ref[...]
        u_ref[...] = jnp.dot(x_ref[...], mw,
                             preferred_element_type=jnp.float32) * dis

    return pl.pallas_call(
        body,
        grid=(N // RB,),
        in_specs=[
            pl.BlockSpec((2, RB, 1), lambda i: (0, i, 0)),
            pl.BlockSpec((RB, DF), lambda i: (i, 0)),
            pl.BlockSpec((DF, DF), lambda i: (0, 0)),
            pl.BlockSpec((DF, DF), lambda i: (0, 0)),
        ],
        out_specs=[
            pl.BlockSpec((RB, 1), lambda i: (i, 0)),
            pl.BlockSpec((RB, DF), lambda i: (i, 0)),
        ],
        out_shape=[
            jax.ShapeDtypeStruct((N, 1), jnp.float32),
            jax.ShapeDtypeStruct((N, DF), jnp.float32),
        ],
    )(dflat, x, W, Wm)


def _tc_layer(sacc, u, dis, b, bm, g, be, Wn, Wmn):

    def body(s_ref, u_ref, dis_ref, b_ref, bm_ref, g_ref, be_ref,
             w_ref, wm_ref, un_ref):
        dis_b = dis_ref[...]
        o = (s_ref[0] + s_ref[1] + u_ref[...]) * dis_b \
            + jnp.clip(bm_ref[...], 0.0, 1.0) * b_ref[...]
        a = jnp.maximum(o * _BN_SCALE * g_ref[...] + be_ref[...], 0.0)
        mw = jnp.clip(wm_ref[...], 0.0, 1.0) * w_ref[...]
        un_ref[...] = jnp.dot(a, mw, preferred_element_type=jnp.float32) * dis_b

    full = lambda i: (0, 0)
    return pl.pallas_call(
        body,
        grid=(N // RB,),
        in_specs=[
            pl.BlockSpec((2, RB, DF), lambda i: (0, i, 0)),
            pl.BlockSpec((RB, DF), lambda i: (i, 0)),
            pl.BlockSpec((RB, 1), lambda i: (i, 0)),
            pl.BlockSpec((1, DF), full),
            pl.BlockSpec((1, DF), full),
            pl.BlockSpec((1, DF), full),
            pl.BlockSpec((1, DF), full),
            pl.BlockSpec((DF, DF), full),
            pl.BlockSpec((DF, DF), full),
        ],
        out_specs=pl.BlockSpec((RB, DF), lambda i: (i, 0)),
        out_shape=jax.ShapeDtypeStruct((N, DF), jnp.float32),
    )(sacc, u, dis, b, bm, g, be, Wn, Wmn)


def _tc_final(sacc, u, dis, b, bm):

    def body(s_ref, u_ref, dis_ref, b_ref, bm_ref, out_ref):
        o = (s_ref[0] + s_ref[1] + u_ref[...]) * dis_ref[...] \
            + jnp.clip(bm_ref[...], 0.0, 1.0) * b_ref[...]
        m = jnp.max(o, axis=-1, keepdims=True)
        z = o - m
        lse = jnp.log(jnp.sum(jnp.exp(z), axis=-1, keepdims=True))
        out_ref[...] = z - lse

    full = lambda i: (0, 0)
    return pl.pallas_call(
        body,
        grid=(N // RB,),
        in_specs=[
            pl.BlockSpec((2, RB, DF), lambda i: (0, i, 0)),
            pl.BlockSpec((RB, DF), lambda i: (i, 0)),
            pl.BlockSpec((RB, 1), lambda i: (i, 0)),
            pl.BlockSpec((1, DF), full),
            pl.BlockSpec((1, DF), full),
        ],
        out_specs=pl.BlockSpec((RB, DF), lambda i: (i, 0)),
        out_shape=jax.ShapeDtypeStruct((N, DF), jnp.float32),
    )(sacc, u, dis, b, bm)



def kernel(x, edge_index, W1, Wm1, b1, bm1, g1, be1,
           W2, Wm2, b2, bm2, g2, be2, W3, Wm3, b3, bm3):
    src = edge_index[0]
    dst = edge_index[1]
    pad_i = jnp.arange(EP - E, dtype=jnp.int32)
    psrc = jnp.concatenate([src, pad_i % N])
    pdst = jnp.concatenate([dst, N + pad_i % (NP - N)])
    srcp = psrc.reshape(TOTAL_CHUNKS, NCHUNK)
    dstp = pdst.reshape(TOTAL_CHUNKS, NCHUNK)

    z128 = jnp.zeros((NP, DF), jnp.float32)

    b1r, bm1r = b1.reshape(1, DF), bm1.reshape(1, DF)
    b2r, bm2r = b2.reshape(1, DF), bm2.reshape(1, DF)
    b3r, bm3r = b3.reshape(1, DF), bm3.reshape(1, DF)
    g1r, be1r = g1.reshape(1, DF), be1.reshape(1, DF)
    g2r, be2r = g2.reshape(1, DF), be2.reshape(1, DF)

    mesh = plsc.VectorSubcoreMesh(core_axis_name="c", subcore_axis_name="s")

    dacc = _sc_degree(dstp, mesh)
    dflat = dacc.reshape(2, DR * 128, 1)
    dis, u1 = _tc_first_scale(dflat, x, W1, Wm1)
    s1 = _sc_scatter(u1, srcp, dstp, z128, mesh)
    u2 = _tc_layer(s1, u1, dis, b1r, bm1r, g1r, be1r, W2, Wm2)
    s2 = _sc_scatter(u2, srcp, dstp, z128, mesh)
    u3 = _tc_layer(s2, u2, dis, b2r, bm2r, g2r, be2r, W3, Wm3)
    s3 = _sc_scatter(u3, srcp, dstp, z128, mesh)
    return _tc_final(s3, u3, dis, b3r, bm3r)

# --- scband reference (transcript-rebuilt; emitter-appended) ---
"""Pipeline reference for scband-gcn-masked-46789373722952 (READ-ONLY COPY).

The authoritative reference and input builder live on the scoring server;
editing this copy changes nothing except your own understanding.
"""

import jax, jax.numpy as jnp
import numpy as np

N = 10000
E = 320000
D_IN = 128
D_HID = 128
D_OUT = 128


def setup_inputs(seed: int = 0) -> dict:
    key = jax.random.key(seed)
    ks = jax.random.split(key, 16)
    x = jax.random.normal(ks[0], (N, D_IN), dtype=jnp.float32)
    edge_index = jax.random.randint(ks[1], (2, E), 0, N, dtype=jnp.int32)

    def make_layer(k, din, dout):
        stdv = 1.0 / np.sqrt(dout)
        W = jax.random.uniform(k, (din, dout), minval=-stdv, maxval=stdv, dtype=jnp.float32)
        Wm = jnp.ones((din, dout), dtype=jnp.float32)
        b = jnp.zeros((dout,), dtype=jnp.float32)  # zeros(self.bias) in reset_parameters
        bm = jnp.ones((dout,), dtype=jnp.float32)
        return W, Wm, b, bm

    W1, Wm1, b1, bm1 = make_layer(ks[2], D_IN, D_HID)
    W2, Wm2, b2, bm2 = make_layer(ks[3], D_HID, D_HID)
    W3, Wm3, b3, bm3 = make_layer(ks[4], D_HID, D_OUT)
    g1 = jnp.ones((D_HID,), dtype=jnp.float32)
    be1 = jnp.zeros((D_HID,), dtype=jnp.float32)
    g2 = jnp.ones((D_HID,), dtype=jnp.float32)
    be2 = jnp.zeros((D_HID,), dtype=jnp.float32)
    return {
        'x': x, 'edge_index': edge_index,
        'W1': W1, 'Wm1': Wm1, 'b1': b1, 'bm1': bm1, 'g1': g1, 'be1': be1,
        'W2': W2, 'Wm2': Wm2, 'b2': b2, 'bm2': bm2, 'g2': g2, 'be2': be2,
        'W3': W3, 'Wm3': Wm3, 'b3': b3, 'bm3': bm3,
    }


def _gcn_norm(edge_index, num_nodes):
    # gcn_norm with add_self_loops=True, improved=False
    src = edge_index[0]
    dst = edge_index[1]
    loop = jnp.arange(num_nodes, dtype=src.dtype)
    src = jnp.concatenate([src, loop])
    dst = jnp.concatenate([dst, loop])
    w = jnp.ones(src.shape[0], dtype=jnp.float32)
    deg = jnp.zeros((num_nodes,), dtype=jnp.float32).at[dst].add(w)
    deg_inv_sqrt = jnp.where(deg > 0, jax.lax.rsqrt(jnp.maximum(deg, 1e-12)), 0.0)
    norm = deg_inv_sqrt[src] * w * deg_inv_sqrt[dst]
    return src, dst, norm


def _conv(x, src, dst, norm, W, Wm, b, bm):
    mw = jnp.clip(Wm, 0.0, 1.0) * W
    h = x @ mw
    out = jnp.zeros((x.shape[0], h.shape[1]), dtype=h.dtype).at[dst].add(norm[:, None] * h[src])
    return out + jnp.clip(bm, 0.0, 1.0) * b


def _bn_eval(x, g, be, eps=1e-5):
    # BatchNorm1d eval mode: running_mean=0, running_var=1
    return (x - 0.0) * jax.lax.rsqrt(jnp.array(1.0 + eps, x.dtype)) * g + be


def reference(x, edge_index, W1, Wm1, b1, bm1, g1, be1, W2, Wm2, b2, bm2, g2, be2, W3, Wm3, b3, bm3):
    src, dst, norm = _gcn_norm(edge_index, x.shape[0])
    h = _conv(x, src, dst, norm, W1, Wm1, b1, bm1)
    h = _bn_eval(h, g1, be1)
    h = jax.nn.relu(h)
    # dropout p=0.0 / eval mode -> identity
    h = _conv(h, src, dst, norm, W2, Wm2, b2, bm2)
    h = _bn_eval(h, g2, be2)
    h = jax.nn.relu(h)
    h = _conv(h, src, dst, norm, W3, Wm3, b3, bm3)
    return jax.nn.log_softmax(h, axis=-1)

if __name__ == "__main__":
    import jax
    _d = setup_inputs()
    print(jax.jit(kernel)(*tuple(_d.values())))

</pallas_src>

<mosaic_0001>
#map = affine_map<(d0, d1) -> (0, 0)>
#map1 = affine_map<(d0, d1) -> (0, 0, 0)>
module attributes {stable_mosaic.version = 14 : i64} {
  func.func @k(%arg0: i32, %arg1: i32, %arg2: memref<10000x128xf32, #tpu.memory_space<hbm>>, %arg3: memref<2560x128xi32, #tpu.memory_space<hbm>>, %arg4: memref<2560x128xi32, #tpu.memory_space<hbm>>, %arg5: memref<10240x128xf32, #tpu.memory_space<hbm>>, %arg6: memref<2x10240x128xf32, #tpu.memory_space<hbm>>, %arg7: memref<40x128xi32, #tpu.memory_space<vmem>>, %arg8: memref<40x128xi32, #tpu.memory_space<vmem>>, %arg9: memref<128x128xf32, #tpu.memory_space<vmem>>, %arg10: memref<128x128xf32, #tpu.memory_space<vmem>>, %arg11: memref<10240x128xf32, #tpu.memory_space<vmem_shared>>, %arg12: memref<!tpu.dma_semaphore, #tpu.memory_space<semaphore_mem>>, %arg13: memref<!tpu.dma_semaphore, #tpu.memory_space<semaphore_mem>>, %arg14: memref<!tpu.dma_semaphore, #tpu.memory_space<semaphore_mem>>) attributes {dimension_semantics = [#tpu.dimension_semantics<core_parallel>, #tpu.dimension_semantics<subcore_parallel>], iteration_bounds = array<i64: 2, 16>, scalar_prefetch = 0 : i64, scratch_operands = 8 : i64, tpu.core_type = #tpu.core_type<sc_vector_subcore>, window_params = [{transform_indices = #map}, {transform_indices = #map}, {transform_indices = #map}, {transform_indices = #map}, {transform_indices = #map1}]} {
    %mul3A = arith.constant 2 : i32
    %mul3A_0 = arith.muli %arg1, %mul3A : i32
    %add3A = arith.addi %mul3A_0, %arg0 : i32
    %mul3A_1 = arith.constant 640 : i32
    %mul3A_2 = arith.muli %arg1, %mul3A_1 : i32
    %mul3A_3 = arith.constant 640 : i32
    %mul3A_4 = arith.muli %arg1, %mul3A_3 : i32
    %dma_start3A = arith.constant 0 : i32
    %dma_start3A_5 = tpu.memref_slice %arg11[%mul3A_4, %dma_start3A] : memref<10240x128xf32, #tpu.memory_space<vmem_shared>> -> memref<640x128xf32, #tpu.memory_space<vmem_shared>>
    %dma_start3A_6 = arith.constant 0 : i32
    %dma_start3A_7 = tpu.memref_slice %arg5[%mul3A_2, %dma_start3A_6] : memref<10240x128xf32, #tpu.memory_space<hbm>> -> memref<640x128xf32, #tpu.memory_space<hbm>>
    tpu.enqueue_dma source(%dma_start3A_7 : memref<640x128xf32, #tpu.memory_space<hbm>>) target(%dma_start3A_5 : memref<640x128xf32, #tpu.memory_space<vmem_shared>>) target_semaphore(%arg14 : memref<!tpu.dma_semaphore, #tpu.memory_space<semaphore_mem>>)
    %mul3A_8 = arith.constant 80 : i32
    %mul3A_9 = arith.muli %add3A, %mul3A_8 : i32
    %add3A_10 = arith.constant 0 : i32
    %add3A_11 = arith.addi %mul3A_9, %add3A_10 : i32
    "tpu.region"() ({
      %run_scoped3A = tpu.sem_alloc : memref<!tpu.dma_semaphore, #tpu.memory_space<semaphore_mem>>
      %dma_start3A_63 = arith.constant 0 : i32
      %dma_start3A_64 = tpu.memref_slice %arg3[%add3A_11, %dma_start3A_63] : memref<2560x128xi32, #tpu.memory_space<hbm>> -> memref<40x128xi32, #tpu.memory_space<hbm>>
      %dma_start3A_65 = arith.constant 0 : i32
      %dma_start3A_66 = tpu.memref_slice %arg3[%add3A_11, %dma_start3A_65] : memref<2560x128xi32, #tpu.memory_space<hbm>> -> memref<40x128xi32, #tpu.memory_space<hbm>>
      tpu.enqueue_dma source(%dma_start3A_66 : memref<40x128xi32, #tpu.memory_space<hbm>>) target(%arg7 : memref<40x128xi32, #tpu.memory_space<vmem>>) target_semaphore(%run_scoped3A : memref<!tpu.dma_semaphore, #tpu.memory_space<semaphore_mem>>)
      %dma_wait3A_67 = arith.constant 0 : i32
      %dma_wait3A_68 = tpu.memref_slice %arg3[%add3A_11, %dma_wait3A_67] : memref<2560x128xi32, #tpu.memory_space<hbm>> -> memref<40x128xi32, #tpu.memory_space<hbm>>
      %dma_wait3A_69 = arith.constant 0 : i32
      %dma_wait3A_70 = tpu.memref_slice %arg3[%add3A_11, %dma_wait3A_69] : memref<2560x128xi32, #tpu.memory_space<hbm>> -> memref<40x128xi32, #tpu.memory_space<hbm>>
      tpu.wait_dma2 semaphore(%run_scoped3A : memref<!tpu.dma_semaphore, #tpu.memory_space<semaphore_mem>>) src(%dma_wait3A_70 : memref<40x128xi32, #tpu.memory_space<hbm>>) dst(%arg7 : memref<40x128xi32, #tpu.memory_space<vmem>>)
      tpu.yield
    }) : () -> ()
    "tpu.region"() ({
      %run_scoped3A = tpu.sem_alloc : memref<!tpu.dma_semaphore, #tpu.memory_space<semaphore_mem>>
      %dma_start3A_63 = arith.constant 0 : i32
      %dma_start3A_64 = tpu.memref_slice %arg4[%add3A_11, %dma_start3A_63] : memref<2560x128xi32, #tpu.memory_space<hbm>> -> memref<40x128xi32, #tpu.memory_space<hbm>>
      %dma_start3A_65 = arith.constant 0 : i32
      %dma_start3A_66 = tpu.memref_slice %arg4[%add3A_11, %dma_start3A_65] : memref<2560x128xi32, #tpu.memory_space<hbm>> -> memref<40x128xi32, #tpu.memory_space<hbm>>
      tpu.enqueue_dma source(%dma_start3A_66 : memref<40x128xi32, #tpu.memory_space<hbm>>) target(%arg8 : memref<40x128xi32, #tpu.memory_space<vmem>>) target_semaphore(%run_scoped3A : memref<!tpu.dma_semaphore, #tpu.memory_space<semaphore_mem>>)
      %dma_wait3A_67 = arith.constant 0 : i32
      %dma_wait3A_68 = tpu.memref_slice %arg4[%add3A_11, %dma_wait3A_67] : memref<2560x128xi32, #tpu.memory_space<hbm>> -> memref<40x128xi32, #tpu.memory_space<hbm>>
      %dma_wait3A_69 = arith.constant 0 : i32
      %dma_wait3A_70 = tpu.memref_slice %arg4[%add3A_11, %dma_wait3A_69] : memref<2560x128xi32, #tpu.memory_space<hbm>> -> memref<40x128xi32, #tpu.memory_space<hbm>>
      tpu.wait_dma2 semaphore(%run_scoped3A : memref<!tpu.dma_semaphore, #tpu.memory_space<semaphore_mem>>) src(%dma_wait3A_70 : memref<40x128xi32, #tpu.memory_space<hbm>>) dst(%arg8 : memref<40x128xi32, #tpu.memory_space<vmem>>)
      tpu.yield
    }) : () -> ()
    %dma_start3A_12 = arith.constant 0 : i32
    %dma_start3A_13 = arith.constant 0 : i32
    %dma_start3A_14 = tpu.memref_slice %arg7[%dma_start3A_12, %dma_start3A_13] : memref<40x128xi32, #tpu.memory_space<vmem>> -> memref<1x128xi32, #tpu.memory_space<vmem>>
    %dma_start3A_15 = tpu.memref_squeeze %dma_start3A_14 : memref<1x128xi32, #tpu.memory_space<vmem>> -> memref<128xi32, #tpu.memory_space<vmem>>
    %dma_start3A_16 = arith.constant 0 : i32
    %dma_start3A_17 = arith.constant 0 : i32
    %dma_start3A_18 = tpu.memref_slice %arg2[%dma_start3A_16, %dma_start3A_17] : memref<10000x128xf32, #tpu.memory_space<hbm>> -> memref<10000x128xf32, #tpu.memory_space<hbm>>
    tpu.enqueue_indirect_dma source(%dma_start3A_18 : memref<10000x128xf32, #tpu.memory_space<hbm>>) target(%arg9 : memref<128x128xf32, #tpu.memory_space<vmem>>) offsets(%dma_start3A_15 : memref<128xi32, #tpu.memory_space<vmem>>) semaphore(%arg12 : memref<!tpu.dma_semaphore, #tpu.memory_space<semaphore_mem>>)
    %dma_start3A_19 = arith.constant 1 : i32
    %dma_start3A_20 = arith.constant 0 : i32
    %dma_start3A_21 = tpu.memref_slice %arg7[%dma_start3A_19, %dma_start3A_20] : memref<40x128xi32, #tpu.memory_space<vmem>> -> memref<1x128xi32, #tpu.memory_space<vmem>>
    %dma_start3A_22 = tpu.memref_squeeze %dma_start3A_21 : memref<1x128xi32, #tpu.memory_space<vmem>> -> memref<128xi32, #tpu.memory_space<vmem>>
    %dma_start3A_23 = arith.constant 0 : i32
    %dma_start3A_24 = arith.constant 0 : i32
    %dma_start3A_25 = tpu.memref_slice %arg2[%dma_start3A_23, %dma_start3A_24] : memref<10000x128xf32, #tpu.memory_space<hbm>> -> memref<10000x128xf32, #tpu.memory_space<hbm>>
    tpu.enqueue_indirect_dma source(%dma_start3A_25 : memref<10000x128xf32, #tpu.memory_space<hbm>>) target(%arg10 : memref<128x128xf32, #tpu.memory_space<vmem>>) offsets(%dma_start3A_22 : memref<128xi32, #tpu.memory_space<vmem>>) semaphore(%arg13 : memref<!tpu.dma_semaphore, #tpu.memory_space<semaphore_mem>>)
    %dma_wait3A = arith.constant 0 : i32
    %dma_wait3A_26 = tpu.memref_slice %arg11[%mul3A_4, %dma_wait3A] : memref<10240x128xf32, #tpu.memory_space<vmem_shared>> -> memref<640x128xf32, #tpu.memory_space<vmem_shared>>
    %dma_wait3A_27 = arith.constant 0 : i32
    %dma_wait3A_28 = tpu.memref_slice %arg5[%mul3A_2, %dma_wait3A_27] : memref<10240x128xf32, #tpu.memory_space<hbm>> -> memref<640x128xf32, #tpu.memory_space<hbm>>
    tpu.wait_dma2 semaphore(%arg14 : memref<!tpu.dma_semaphore, #tpu.memory_space<semaphore_mem>>) src(%dma_wait3A_28 : memref<640x128xf32, #tpu.memory_space<hbm>>) dst(%dma_wait3A_26 : memref<640x128xf32, #tpu.memory_space<vmem_shared>>)
    %barrier3A = arith.constant 0 : index
    tpu.barrier barrier_id(%barrier3A)
    %scan3A = arith.constant 0 : i32
    %scan3A_29 = arith.constant 0 : i32
    %scan3A_30 = arith.constant 20 : i32
    %scan3A_31 = arith.addi %scan3A_29, %scan3A_30 : i32
    %scan3A_32 = arith.constant 1 : i32
    scf.for %scan3A_63 = %scan3A_29 to %scan3A_31 step %scan3A_32  : i32 {
      %mul3A_64 = arith.constant 2 : i32
      %mul3A_65 = arith.muli %mul3A_64, %scan3A_63 : i32
      %dma_wait3A_66 = arith.constant 0 : i32
      %dma_wait3A_67 = tpu.memref_slice %arg7[%mul3A_65, %dma_wait3A_66] : memref<40x128xi32, #tpu.memory_space<vmem>> -> memref<1x128xi32, #tpu.memory_space<vmem>>
      %dma_wait3A_68 = tpu.memref_squeeze %dma_wait3A_67 : memref<1x128xi32, #tpu.memory_space<vmem>> -> memref<128xi32, #tpu.memory_space<vmem>>
      %dma_wait3A_69 = arith.constant 0 : i32
      %dma_wait3A_70 = arith.constant 0 : i32
      %dma_wait3A_71 = tpu.memref_slice %arg2[%dma_wait3A_69, %dma_wait3A_70] : memref<10000x128xf32, #tpu.memory_space<hbm>> -> memref<10000x128xf32, #tpu.memory_space<hbm>>
      tpu.wait_indirect_dma semaphore(%arg12 : memref<!tpu.dma_semaphore, #tpu.memory_space<semaphore_mem>>) src(%dma_wait3A_71 : memref<10000x128xf32, #tpu.memory_space<hbm>>) dst(%arg9 : memref<128x128xf32, #tpu.memory_space<vmem>>)
      "tpu.region"() ({
        %run_scoped3A = tpu.sem_alloc : memref<!tpu.dma_semaphore, #tpu.memory_space<semaphore_mem>>
        %dma_start3A_93 = arith.constant 0 : i32
        %dma_start3A_94 = tpu.memref_slice %arg8[%mul3A_65, %dma_start3A_93] : memref<40x128xi32, #tpu.memory_space<vmem>> -> memref<1x128xi32, #tpu.memory_space<vmem>>
        %dma_start3A_95 = tpu.memref_squeeze %dma_start3A_94 : memref<1x128xi32, #tpu.memory_space<vmem>> -> memref<128xi32, #tpu.memory_space<vmem>>
        %dma_start3A_96 = arith.constant 0 : i32
        %dma_start3A_97 = arith.constant 0 : i32
        %dma_start3A_98 = tpu.memref_slice %arg11[%dma_start3A_96, %dma_start3A_97] : memref<10240x128xf32, #tpu.memory_space<vmem_shared>> -> memref<10240x128xf32, #tpu.memory_space<vmem_shared>>
        tpu.enqueue_indirect_dma source(%arg9 : memref<128x128xf32, #tpu.memory_space<vmem>>) target(%dma_start3A_98 : memref<10240x128xf32, #tpu.memory_space<vmem_shared>>) offsets(%dma_start3A_95 : memref<128xi32, #tpu.memory_space<vmem>>) semaphore(%run_scoped3A : memref<!tpu.dma_semaphore, #tpu.memory_space<semaphore_mem>>) {add = true}
        %dma_wait3A_99 = arith.constant 0 : i32
        %dma_wait3A_100 = tpu.memref_slice %arg8[%mul3A_65, %dma_wait3A_99] : memref<40x128xi32, #tpu.memory_space<vmem>> -> memref<1x128xi32, #tpu.memory_space<vmem>>
        %dma_wait3A_101 = tpu.memref_squeeze %dma_wait3A_100 : memref<1x128xi32, #tpu.memory_space<vmem>> -> memref<128xi32, #tpu.memory_space<vmem>>
        %dma_wait3A_102 = arith.constant 0 : i32
        %dma_wait3A_103 = arith.constant 0 : i32
        %dma_wait3A_104 = tpu.memref_slice %arg11[%dma_wait3A_102, %dma_wait3A_103] : memref<10240x128xf32, #tpu.memory_space<vmem_shared>> -> memref<10240x128xf32, #tpu.memory_space<vmem_shared>>
        tpu.wait_indirect_dma semaphore(%run_scoped3A : memref<!tpu.dma_semaphore, #tpu.memory_space<semaphore_mem>>) src(%arg9 : memref<128x128xf32, #tpu.memory_space<vmem>>) dst(%dma_wait3A_104 : memref<10240x128xf32, #tpu.memory_space<vmem_shared>>)
        tpu.yield
      }) : () -> ()
      %add3A_72 = arith.constant 2 : i32
      %add3A_73 = arith.addi %mul3A_65, %add3A_72 : i32
      %lt3A = arith.constant 40 : i32
      %lt3A_74 = arith.cmpi slt, %add3A_73, %lt3A : i32
      %convert_element_type3A = arith.extui %lt3A_74 : i1 to i32
      %cond3A = arith.constant 0 : i32
      %cond3A_75 = arith.cmpi ne, %convert_element_type3A, %cond3A : i32
      scf.if %cond3A_75 {
        %add3A_93 = arith.constant 2 : i32
        %add3A_94 = arith.addi %mul3A_65, %add3A_93 : i32
        %dma_start3A_95 = arith.constant 0 : i32
        %dma_start3A_96 = tpu.memref_slice %arg7[%add3A_94, %dma_start3A_95] : memref<40x128xi32, #tpu.memory_space<vmem>> -> memref<1x128xi32, #tpu.memory_space<vmem>>
        %dma_start3A_97 = tpu.memref_squeeze %dma_start3A_96 : memref<1x128xi32, #tpu.memory_space<vmem>> -> memref<128xi32, #tpu.memory_space<vmem>>
        %dma_start3A_98 = arith.constant 0 : i32
        %dma_start3A_99 = arith.constant 0 : i32
        %dma_start3A_100 = tpu.memref_slice %arg2[%dma_start3A_98, %dma_start3A_99] : memref<10000x128xf32, #tpu.memory_space<hbm>> -> memref<10000x128xf32, #tpu.memory_space<hbm>>
        tpu.enqueue_indirect_dma source(%dma_start3A_100 : memref<10000x128xf32, #tpu.memory_space<hbm>>) target(%arg9 : memref<128x128xf32, #tpu.memory_space<vmem>>) offsets(%dma_start3A_97 : memref<128xi32, #tpu.memory_space<vmem>>) semaphore(%arg12 : memref<!tpu.dma_semaphore, #tpu.memory_space<semaphore_mem>>)
      } else {
      }
      %add3A_76 = arith.constant 1 : i32
      %add3A_77 = arith.addi %mul3A_65, %add3A_76 : i32
      %dma_wait3A_78 = arith.constant 0 : i32
      %dma_wait3A_79 = tpu.memref_slice %arg7[%add3A_77, %dma_wait3A_78] : memref<40x128xi32, #tpu.memory_space<vmem>> -> memref<1x128xi32, #tpu.memory_space<vmem>>
      %dma_wait3A_80 = tpu.memref_squeeze %dma_wait3A_79 : memref<1x128xi32, #tpu.memory_space<vmem>> -> memref<128xi32, #tpu.memory_space<vmem>>
      %dma_wait3A_81 = arith.constant 0 : i32
      %dma_wait3A_82 = arith.constant 0 : i32
      %dma_wait3A_83 = tpu.memref_slice %arg2[%dma_wait3A_81, %dma_wait3A_82] : memref<10000x128xf32, #tpu.memory_space<hbm>> -> memref<10000x128xf32, #tpu.memory_space<hbm>>
      tpu.wait_indirect_dma semaphore(%arg13 : memref<!tpu.dma_semaphore, #tpu.memory_space<semaphore_mem>>) src(%dma_wait3A_83 : memref<10000x128xf32, #tpu.memory_space<hbm>>) dst(%arg10 : memref<128x128xf32, #tpu.memory_space<vmem>>)
      %add3A_84 = arith.constant 1 : i32
      %add3A_85 = arith.addi %mul3A_65, %add3A_84 : i32
      "tpu.region"() ({
        %run_scoped3A = tpu.sem_alloc : memref<!tpu.dma_semaphore, #tpu.memory_space<semaphore_mem>>
        %dma_start3A_93 = arith.constant 0 : i32
        %dma_start3A_94 = tpu.memref_slice %arg8[%add3A_85, %dma_start3A_93] : memref<40x128xi32, #tpu.memory_space<vmem>> -> memref<1x128xi32, #tpu.memory_space<vmem>>
        %dma_start3A_95 = tpu.memref_squeeze %dma_start3A_94 : memref<1x128xi32, #tpu.memory_space<vmem>> -> memref<128xi32, #tpu.memory_space<vmem>>
        %dma_start3A_96 = arith.constant 0 : i32
        %dma_start3A_97 = arith.constant 0 : i32
        %dma_start3A_98 = tpu.memref_slice %arg11[%dma_start3A_96, %dma_start3A_97] : memref<10240x128xf32, #tpu.memory_space<vmem_shared>> -> memref<10240x128xf32, #tpu.memory_space<vmem_shared>>
        tpu.enqueue_indirect_dma source(%arg10 : memref<128x128xf32, #tpu.memory_space<vmem>>) target(%dma_start3A_98 : memref<10240x128xf32, #tpu.memory_space<vmem_shared>>) offsets(%dma_start3A_95 : memref<128xi32, #tpu.memory_space<vmem>>) semaphore(%run_scoped3A : memref<!tpu.dma_semaphore, #tpu.memory_space<semaphore_mem>>) {add = true}
        %dma_wait3A_99 = arith.constant 0 : i32
        %dma_wait3A_100 = tpu.memref_slice %arg8[%add3A_85, %dma_wait3A_99] : memref<40x128xi32, #tpu.memory_space<vmem>> -> memref<1x128xi32, #tpu.memory_space<vmem>>
        %dma_wait3A_101 = tpu.memref_squeeze %dma_wait3A_100 : memref<1x128xi32, #tpu.memory_space<vmem>> -> memref<128xi32, #tpu.memory_space<vmem>>
        %dma_wait3A_102 = arith.constant 0 : i32
        %dma_wait3A_103 = arith.constant 0 : i32
        %dma_wait3A_104 = tpu.memref_slice %arg11[%dma_wait3A_102, %dma_wait3A_103] : memref<10240x128xf32, #tpu.memory_space<vmem_shared>> -> memref<10240x128xf32, #tpu.memory_space<vmem_shared>>
        tpu.wait_indirect_dma semaphore(%run_scoped3A : memref<!tpu.dma_semaphore, #tpu.memory_space<semaphore_mem>>) src(%arg10 : memref<128x128xf32, #tpu.memory_space<vmem>>) dst(%dma_wait3A_104 : memref<10240x128xf32, #tpu.memory_space<vmem_shared>>)
        tpu.yield
      }) : () -> ()
      %add3A_86 = arith.constant 3 : i32
      %add3A_87 = arith.addi %mul3A_65, %add3A_86 : i32
      %lt3A_88 = arith.constant 40 : i32
      %lt3A_89 = arith.cmpi slt, %add3A_87, %lt3A_88 : i32
      %convert_element_type3A_90 = arith.extui %lt3A_89 : i1 to i32
      %cond3A_91 = arith.constant 0 : i32
      %cond3A_92 = arith.cmpi ne, %convert_element_type3A_90, %cond3A_91 : i32
      scf.if %cond3A_92 {
        %add3A_93 = arith.constant 3 : i32
        %add3A_94 = arith.addi %mul3A_65, %add3A_93 : i32
        %dma_start3A_95 = arith.constant 0 : i32
        %dma_start3A_96 = tpu.memref_slice %arg7[%add3A_94, %dma_start3A_95] : memref<40x128xi32, #tpu.memory_space<vmem>> -> memref<1x128xi32, #tpu.memory_space<vmem>>
        %dma_start3A_97 = tpu.memref_squeeze %dma_start3A_96 : memref<1x128xi32, #tpu.memory_space<vmem>> -> memref<128xi32, #tpu.memory_space<vmem>>
        %dma_start3A_98 = arith.constant 0 : i32
        %dma_start3A_99 = arith.constant 0 : i32
        %dma_start3A_100 = tpu.memref_slice %arg2[%dma_start3A_98, %dma_start3A_99] : memref<10000x128xf32, #tpu.memory_space<hbm>> -> memref<10000x128xf32, #tpu.memory_space<hbm>>
        tpu.enqueue_indirect_dma source(%dma_start3A_100 : memref<10000x128xf32, #tpu.memory_space<hbm>>) target(%arg10 : memref<128x128xf32, #tpu.memory_space<vmem>>) offsets(%dma_start3A_97 : memref<128xi32, #tpu.memory_space<vmem>>) semaphore(%arg13 : memref<!tpu.dma_semaphore, #tpu.memory_space<semaphore_mem>>)
      } else {
      }
    }
    %scan3A_33 = arith.constant 20 : i32
    %mul3A_34 = arith.constant 80 : i32
    %mul3A_35 = arith.muli %add3A, %mul3A_34 : i32
    %add3A_36 = arith.constant 40 : i32
    %add3A_37 = arith.addi %mul3A_35, %add3A_36 : i32
    "tpu.region"() ({
      %run_scoped3A = tpu.sem_alloc : memref<!tpu.dma_semaphore, #tpu.memory_space<semaphore_mem>>
      %dma_start3A_63 = arith.constant 0 : i32
      %dma_start3A_64 = tpu.memref_slice %arg3[%add3A_37, %dma_start3A_63] : memref<2560x128xi32, #tpu.memory_space<hbm>> -> memref<40x128xi32, #tpu.memory_space<hbm>>
      %dma_start3A_65 = arith.constant 0 : i32
      %dma_start3A_66 = tpu.memref_slice %arg3[%add3A_37, %dma_start3A_65] : memref<2560x128xi32, #tpu.memory_space<hbm>> -> memref<40x128xi32, #tpu.memory_space<hbm>>
      tpu.enqueue_dma source(%dma_start3A_66 : memref<40x128xi32, #tpu.memory_space<hbm>>) target(%arg7 : memref<40x128xi32, #tpu.memory_space<vmem>>) target_semaphore(%run_scoped3A : memref<!tpu.dma_semaphore, #tpu.memory_space<semaphore_mem>>)
      %dma_wait3A_67 = arith.constant 0 : i32
      %dma_wait3A_68 = tpu.memref_slice %arg3[%add3A_37, %dma_wait3A_67] : memref<2560x128xi32, #tpu.memory_space<hbm>> -> memref<40x128xi32, #tpu.memory_space<hbm>>
      %dma_wait3A_69 = arith.constant 0 : i32
      %dma_wait3A_70 = tpu.memref_slice %arg3[%add3A_37, %dma_wait3A_69] : memref<2560x128xi32, #tpu.memory_space<hbm>> -> memref<40x128xi32, #tpu.memory_space<hbm>>
      tpu.wait_dma2 semaphore(%run_scoped3A : memref<!tpu.dma_semaphore, #tpu.memory_space<semaphore_mem>>) src(%dma_wait3A_70 : memref<40x128xi32, #tpu.memory_space<hbm>>) dst(%arg7 : memref<40x128xi32, #tpu.memory_space<vmem>>)
      tpu.yield
    }) : () -> ()
    "tpu.region"() ({
      %run_scoped3A = tpu.sem_alloc : memref<!tpu.dma_semaphore, #tpu.memory_space<semaphore_mem>>
      %dma_start3A_63 = arith.constant 0 : i32
      %dma_start3A_64 = tpu.memref_slice %arg4[%add3A_37, %dma_start3A_63] : memref<2560x128xi32, #tpu.memory_space<hbm>> -> memref<40x128xi32, #tpu.memory_space<hbm>>
      %dma_start3A_65 = arith.constant 0 : i32
      %dma_start3A_66 = tpu.memref_slice %arg4[%add3A_37, %dma_start3A_65] : memref<2560x128xi32, #tpu.memory_space<hbm>> -> memref<40x128xi32, #tpu.memory_space<hbm>>
      tpu.enqueue_dma source(%dma_start3A_66 : memref<40x128xi32, #tpu.memory_space<hbm>>) target(%arg8 : memref<40x128xi32, #tpu.memory_space<vmem>>) target_semaphore(%run_scoped3A : memref<!tpu.dma_semaphore, #tpu.memory_space<semaphore_mem>>)
      %dma_wait3A_67 = arith.constant 0 : i32
      %dma_wait3A_68 = tpu.memref_slice %arg4[%add3A_37, %dma_wait3A_67] : memref<2560x128xi32, #tpu.memory_space<hbm>> -> memref<40x128xi32, #tpu.memory_space<hbm>>
      %dma_wait3A_69 = arith.constant 0 : i32
      %dma_wait3A_70 = tpu.memref_slice %arg4[%add3A_37, %dma_wait3A_69] : memref<2560x128xi32, #tpu.memory_space<hbm>> -> memref<40x128xi32, #tpu.memory_space<hbm>>
      tpu.wait_dma2 semaphore(%run_scoped3A : memref<!tpu.dma_semaphore, #tpu.memory_space<semaphore_mem>>) src(%dma_wait3A_70 : memref<40x128xi32, #tpu.memory_space<hbm>>) dst(%arg8 : memref<40x128xi32, #tpu.memory_space<vmem>>)
      tpu.yield
    }) : () -> ()
    %dma_start3A_38 = arith.constant 0 : i32
    %dma_start3A_39 = arith.constant 0 : i32
    %dma_start3A_40 = tpu.memref_slice %arg7[%dma_start3A_38, %dma_start3A_39] : memref<40x128xi32, #tpu.memory_space<vmem>> -> memref<1x128xi32, #tpu.memory_space<vmem>>
    %dma_start3A_41 = tpu.memref_squeeze %dma_start3A_40 : memref<1x128xi32, #tpu.memory_space<vmem>> -> memref<128xi32, #tpu.memory_space<vmem>>
    %dma_start3A_42 = arith.constant 0 : i32
    %dma_start3A_43 = arith.constant 0 : i32
    %dma_start3A_44 = tpu.memref_slice %arg2[%dma_start3A_42, %dma_start3A_43] : memref<10000x128xf32, #tpu.memory_space<hbm>> -> memref<10000x128xf32, #tpu.memory_space<hbm>>
    tpu.enqueue_indirect_dma source(%dma_start3A_44 : memref<10000x128xf32, #tpu.memory_space<hbm>>) target(%arg9 : memref<128x128xf32, #tpu.memory_space<vmem>>) offsets(%dma_start3A_41 : memref<128xi32, #tpu.memory_space<vmem>>) semaphore(%arg12 : memref<!tpu.dma_semaphore, #tpu.memory_space<semaphore_mem>>)
    %dma_start3A_45 = arith.constant 1 : i32
    %dma_start3A_46 = arith.constant 0 : i32
    %dma_start3A_47 = tpu.memref_slice %arg7[%dma_start3A_45, %dma_start3A_46] : memref<40x128xi32, #tpu.memory_space<vmem>> -> memref<1x128xi32, #tpu.memory_space<vmem>>
    %dma_start3A_48 = tpu.memref_squeeze %dma_start3A_47 : memref<1x128xi32, #tpu.memory_space<vmem>> -> memref<128xi32, #tpu.memory_space<vmem>>
    %dma_start3A_49 = arith.constant 0 : i32
    %dma_start3A_50 = arith.constant 0 : i32
    %dma_start3A_51 = tpu.memref_slice %arg2[%dma_start3A_49, %dma_start3A_50] : memref<10000x128xf32, #tpu.memory_space<hbm>> -> memref<10000x128xf32, #tpu.memory_space<hbm>>
    tpu.enqueue_indirect_dma source(%dma_start3A_51 : memref<10000x128xf32, #tpu.memory_space<hbm>>) target(%arg10 : memref<128x128xf32, #tpu.memory_space<vmem>>) offsets(%dma_start3A_48 : memref<128xi32, #tpu.memory_space<vmem>>) semaphore(%arg13 : memref<!tpu.dma_semaphore, #tpu.memory_space<semaphore_mem>>)
    %scan3A_52 = arith.constant 0 : i32
    %scan3A_53 = arith.constant 0 : i32
    %scan3A_54 = arith.constant 20 : i32
    %scan3A_55 = arith.addi %scan3A_53, %scan3A_54 : i32
    %scan3A_56 = arith.constant 1 : i32
    scf.for %scan3A_63 = %scan3A_53 to %scan3A_55 step %scan3A_56  : i32 {
      %mul3A_64 = arith.constant 2 : i32
      %mul3A_65 = arith.muli %mul3A_64, %scan3A_63 : i32
      %dma_wait3A_66 = arith.constant 0 : i32
      %dma_wait3A_67 = tpu.memref_slice %arg7[%mul3A_65, %dma_wait3A_66] : memref<40x128xi32, #tpu.memory_space<vmem>> -> memref<1x128xi32, #tpu.memory_space<vmem>>
      %dma_wait3A_68 = tpu.memref_squeeze %dma_wait3A_67 : memref<1x128xi32, #tpu.memory_space<vmem>> -> memref<128xi32, #tpu.memory_space<vmem>>
      %dma_wait3A_69 = arith.constant 0 : i32
      %dma_wait3A_70 = arith.constant 0 : i32
      %dma_wait3A_71 = tpu.memref_slice %arg2[%dma_wait3A_69, %dma_wait3A_70] : memref<10000x128xf32, #tpu.memory_space<hbm>> -> memref<10000x128xf32, #tpu.memory_space<hbm>>
      tpu.wait_indirect_dma semaphore(%arg12 : memref<!tpu.dma_semaphore, #tpu.memory_space<semaphore_mem>>) src(%dma_wait3A_71 : memref<10000x128xf32, #tpu.memory_space<hbm>>) dst(%arg9 : memref<128x128xf32, #tpu.memory_space<vmem>>)
      "tpu.region"() ({
        %run_scoped3A = tpu.sem_alloc : memref<!tpu.dma_semaphore, #tpu.memory_space<semaphore_mem>>
        %dma_start3A_93 = arith.constant 0 : i32
        %dma_start3A_94 = tpu.memref_slice %arg8[%mul3A_65, %dma_start3A_93] : memref<40x128xi32, #tpu.memory_space<vmem>> -> memref<1x128xi32, #tpu.memory_space<vmem>>
        %dma_start3A_95 = tpu.memref_squeeze %dma_start3A_94 : memref<1x128xi32, #tpu.memory_space<vmem>> -> memref<128xi32, #tpu.memory_space<vmem>>
        %dma_start3A_96 = arith.constant 0 : i32
        %dma_start3A_97 = arith.constant 0 : i32
        %dma_start3A_98 = tpu.memref_slice %arg11[%dma_start3A_96, %dma_start3A_97] : memref<10240x128xf32, #tpu.memory_space<vmem_shared>> -> memref<10240x128xf32, #tpu.memory_space<vmem_shared>>
        tpu.enqueue_indirect_dma source(%arg9 : memref<128x128xf32, #tpu.memory_space<vmem>>) target(%dma_start3A_98 : memref<10240x128xf32, #tpu.memory_space<vmem_shared>>) offsets(%dma_start3A_95 : memref<128xi32, #tpu.memory_space<vmem>>) semaphore(%run_scoped3A : memref<!tpu.dma_semaphore, #tpu.memory_space<semaphore_mem>>) {add = true}
        %dma_wait3A_99 = arith.constant 0 : i32
        %dma_wait3A_100 = tpu.memref_slice %arg8[%mul3A_65, %dma_wait3A_99] : memref<40x128xi32, #tpu.memory_space<vmem>> -> memref<1x128xi32, #tpu.memory_space<vmem>>
        %dma_wait3A_101 = tpu.memref_squeeze %dma_wait3A_100 : memref<1x128xi32, #tpu.memory_space<vmem>> -> memref<128xi32, #tpu.memory_space<vmem>>
        %dma_wait3A_102 = arith.constant 0 : i32
        %dma_wait3A_103 = arith.constant 0 : i32
        %dma_wait3A_104 = tpu.memref_slice %arg11[%dma_wait3A_102, %dma_wait3A_103] : memref<10240x128xf32, #tpu.memory_space<vmem_shared>> -> memref<10240x128xf32, #tpu.memory_space<vmem_shared>>
        tpu.wait_indirect_dma semaphore(%run_scoped3A : memref<!tpu.dma_semaphore, #tpu.memory_space<semaphore_mem>>) src(%arg9 : memref<128x128xf32, #tpu.memory_space<vmem>>) dst(%dma_wait3A_104 : memref<10240x128xf32, #tpu.memory_space<vmem_shared>>)
        tpu.yield
      }) : () -> ()
      %add3A_72 = arith.constant 2 : i32
      %add3A_73 = arith.addi %mul3A_65, %add3A_72 : i32
      %lt3A = arith.constant 40 : i32
      %lt3A_74 = arith.cmpi slt, %add3A_73, %lt3A : i32
      %convert_element_type3A = arith.extui %lt3A_74 : i1 to i32
      %cond3A = arith.constant 0 : i32
      %cond3A_75 = arith.cmpi ne, %convert_element_type3A, %cond3A : i32
      scf.if %cond3A_75 {
        %add3A_93 = arith.constant 2 : i32
        %add3A_94 = arith.addi %mul3A_65, %add3A_93 : i32
        %dma_start3A_95 = arith.constant 0 : i32
        %dma_start3A_96 = tpu.memref_slice %arg7[%add3A_94, %dma_start3A_95] : memref<40x128xi32, #tpu.memory_space<vmem>> -> memref<1x128xi32, #tpu.memory_space<vmem>>
        %dma_start3A_97 = tpu.memref_squeeze %dma_start3A_96 : memref<1x128xi32, #tpu.memory_space<vmem>> -> memref<128xi32, #tpu.memory_space<vmem>>
        %dma_start3A_98 = arith.constant 0 : i32
        %dma_start3A_99 = arith.constant 0 : i32
        %dma_start3A_100 = tpu.memref_slice %arg2[%dma_start3A_98, %dma_start3A_99] : memref<10000x128xf32, #tpu.memory_space<hbm>> -> memref<10000x128xf32, #tpu.memory_space<hbm>>
        tpu.enqueue_indirect_dma source(%dma_start3A_100 : memref<10000x128xf32, #tpu.memory_space<hbm>>) target(%arg9 : memref<128x128xf32, #tpu.memory_space<vmem>>) offsets(%dma_start3A_97 : memref<128xi32, #tpu.memory_space<vmem>>) semaphore(%arg12 : memref<!tpu.dma_semaphore, #tpu.memory_space<semaphore_mem>>)
      } else {
      }
      %add3A_76 = arith.constant 1 : i32
      %add3A_77 = arith.addi %mul3A_65, %add3A_76 : i32
      %dma_wait3A_78 = arith.constant 0 : i32
      %dma_wait3A_79 = tpu.memref_slice %arg7[%add3A_77, %dma_wait3A_78] : memref<40x128xi32, #tpu.memory_space<vmem>> -> memref<1x128xi32, #tpu.memory_space<vmem>>
      %dma_wait3A_80 = tpu.memref_squeeze %dma_wait3A_79 : memref<1x128xi32, #tpu.memory_space<vmem>> -> memref<128xi32, #tpu.memory_space<vmem>>
      %dma_wait3A_81 = arith.constant 0 : i32
      %dma_wait3A_82 = arith.constant 0 : i32
      %dma_wait3A_83 = tpu.memref_slice %arg2[%dma_wait3A_81, %dma_wait3A_82] : memref<10000x128xf32, #tpu.memory_space<hbm>> -> memref<10000x128xf32, #tpu.memory_space<hbm>>
      tpu.wait_indirect_dma semaphore(%arg13 : memref<!tpu.dma_semaphore, #tpu.memory_space<semaphore_mem>>) src(%dma_wait3A_83 : memref<10000x128xf32, #tpu.memory_space<hbm>>) dst(%arg10 : memref<128x128xf32, #tpu.memory_space<vmem>>)
      %add3A_84 = arith.constant 1 : i32
      %add3A_85 = arith.addi %mul3A_65, %add3A_84 : i32
      "tpu.region"() ({
        %run_scoped3A = tpu.sem_alloc : memref<!tpu.dma_semaphore, #tpu.memory_space<semaphore_mem>>
        %dma_start3A_93 = arith.constant 0 : i32
        %dma_start3A_94 = tpu.memref_slice %arg8[%add3A_85, %dma_start3A_93] : memref<40x128xi32, #tpu.memory_space<vmem>> -> memref<1x128xi32, #tpu.memory_space<vmem>>
        %dma_start3A_95 = tpu.memref_squeeze %dma_start3A_94 : memref<1x128xi32, #tpu.memory_space<vmem>> -> memref<128xi32, #tpu.memory_space<vmem>>
        %dma_start3A_96 = arith.constant 0 : i32
        %dma_start3A_97 = arith.constant 0 : i32
        %dma_start3A_98 = tpu.memref_slice %arg11[%dma_start3A_96, %dma_start3A_97] : memref<10240x128xf32, #tpu.memory_space<vmem_shared>> -> memref<10240x128xf32, #tpu.memory_space<vmem_shared>>
        tpu.enqueue_indirect_dma source(%arg10 : memref<128x128xf32, #tpu.memory_space<vmem>>) target(%dma_start3A_98 : memref<10240x128xf32, #tpu.memory_space<vmem_shared>>) offsets(%dma_start3A_95 : memref<128xi32, #tpu.memory_space<vmem>>) semaphore(%run_scoped3A : memref<!tpu.dma_semaphore, #tpu.memory_space<semaphore_mem>>) {add = true}
        %dma_wait3A_99 = arith.constant 0 : i32
        %dma_wait3A_100 = tpu.memref_slice %arg8[%add3A_85, %dma_wait3A_99] : memref<40x128xi32, #tpu.memory_space<vmem>> -> memref<1x128xi32, #tpu.memory_space<vmem>>
        %dma_wait3A_101 = tpu.memref_squeeze %dma_wait3A_100 : memref<1x128xi32, #tpu.memory_space<vmem>> -> memref<128xi32, #tpu.memory_space<vmem>>
        %dma_wait3A_102 = arith.constant 0 : i32
        %dma_wait3A_103 = arith.constant 0 : i32
        %dma_wait3A_104 = tpu.memref_slice %arg11[%dma_wait3A_102, %dma_wait3A_103] : memref<10240x128xf32, #tpu.memory_space<vmem_shared>> -> memref<10240x128xf32, #tpu.memory_space<vmem_shared>>
        tpu.wait_indirect_dma semaphore(%run_scoped3A : memref<!tpu.dma_semaphore, #tpu.memory_space<semaphore_mem>>) src(%arg10 : memref<128x128xf32, #tpu.memory_space<vmem>>) dst(%dma_wait3A_104 : memref<10240x128xf32, #tpu.memory_space<vmem_shared>>)
        tpu.yield
      }) : () -> ()
      %add3A_86 = arith.constant 3 : i32
      %add3A_87 = arith.addi %mul3A_65, %add3A_86 : i32
      %lt3A_88 = arith.constant 40 : i32
      %lt3A_89 = arith.cmpi slt, %add3A_87, %lt3A_88 : i32
      %convert_element_type3A_90 = arith.extui %lt3A_89 : i1 to i32
      %cond3A_91 = arith.constant 0 : i32
      %cond3A_92 = arith.cmpi ne, %convert_element_type3A_90, %cond3A_91 : i32
      scf.if %cond3A_92 {
        %add3A_93 = arith.constant 3 : i32
        %add3A_94 = arith.addi %mul3A_65, %add3A_93 : i32
        %dma_start3A_95 = arith.constant 0 : i32
        %dma_start3A_96 = tpu.memref_slice %arg7[%add3A_94, %dma_start3A_95] : memref<40x128xi32, #tpu.memory_space<vmem>> -> memref<1x128xi32, #tpu.memory_space<vmem>>
        %dma_start3A_97 = tpu.memref_squeeze %dma_start3A_96 : memref<1x128xi32, #tpu.memory_space<vmem>> -> memref<128xi32, #tpu.memory_space<vmem>>
        %dma_start3A_98 = arith.constant 0 : i32
        %dma_start3A_99 = arith.constant 0 : i32
        %dma_start3A_100 = tpu.memref_slice %arg2[%dma_start3A_98, %dma_start3A_99] : memref<10000x128xf32, #tpu.memory_space<hbm>> -> memref<10000x128xf32, #tpu.memory_space<hbm>>
        tpu.enqueue_indirect_dma source(%dma_start3A_100 : memref<10000x128xf32, #tpu.memory_space<hbm>>) target(%arg10 : memref<128x128xf32, #tpu.memory_space<vmem>>) offsets(%dma_start3A_97 : memref<128xi32, #tpu.memory_space<vmem>>) semaphore(%arg13 : memref<!tpu.dma_semaphore, #tpu.memory_space<semaphore_mem>>)
      } else {
      }
    }
    %scan3A_57 = arith.constant 20 : i32
    %barrier3A_58 = arith.constant 0 : index
    tpu.barrier barrier_id(%barrier3A_58)
    %mul3A_59 = arith.constant 640 : i32
    %mul3A_60 = arith.muli %arg1, %mul3A_59 : i32
    %mul3A_61 = arith.constant 640 : i32
    %mul3A_62 = arith.muli %arg1, %mul3A_61 : i32
    "tpu.region"() ({
      %run_scoped3A = tpu.sem_alloc : memref<!tpu.dma_semaphore, #tpu.memory_space<semaphore_mem>>
      %dma_start3A_63 = arith.constant 0 : i32
      %dma_start3A_64 = tpu.memref_slice %arg6[%arg0, %mul3A_62, %dma_start3A_63] : memref<2x10240x128xf32, #tpu.memory_space<hbm>> -> memref<1x640x128xf32, #tpu.memory_space<hbm>>
      %dma_start3A_65 = tpu.memref_squeeze %dma_start3A_64 : memref<1x640x128xf32, #tpu.memory_space<hbm>> -> memref<640x128xf32, #tpu.memory_space<hbm>>
      %dma_start3A_66 = arith.constant 0 : i32
      %dma_start3A_67 = tpu.memref_slice %arg11[%mul3A_60, %dma_start3A_66] : memref<10240x128xf32, #tpu.memory_space<vmem_shared>> -> memref<640x128xf32, #tpu.memory_space<vmem_shared>>
      tpu.enqueue_dma source(%dma_start3A_67 : memref<640x128xf32, #tpu.memory_space<vmem_shared>>) target(%dma_start3A_65 : memref<640x128xf32, #tpu.memory_space<hbm>>) target_semaphore(%run_scoped3A : memref<!tpu.dma_semaphore, #tpu.memory_space<semaphore_mem>>)
      %dma_wait3A_68 = arith.constant 0 : i32
      %dma_wait3A_69 = tpu.memref_slice %arg6[%arg0, %mul3A_62, %dma_wait3A_68] : memref<2x10240x128xf32, #tpu.memory_space<hbm>> -> memref<1x640x128xf32, #tpu.memory_space<hbm>>
      %dma_wait3A_70 = tpu.memref_squeeze %dma_wait3A_69 : memref<1x640x128xf32, #tpu.memory_space<hbm>> -> memref<640x128xf32, #tpu.memory_space<hbm>>
      %dma_wait3A_71 = arith.constant 0 : i32
      %dma_wait3A_72 = tpu.memref_slice %arg11[%mul3A_60, %dma_wait3A_71] : memref<10240x128xf32, #tpu.memory_space<vmem_shared>> -> memref<640x128xf32, #tpu.memory_space<vmem_shared>>
      tpu.wait_dma2 semaphore(%run_scoped3A : memref<!tpu.dma_semaphore, #tpu.memory_space<semaphore_mem>>) src(%dma_wait3A_72 : memref<640x128xf32, #tpu.memory_space<vmem_shared>>) dst(%dma_wait3A_70 : memref<640x128xf32, #tpu.memory_space<hbm>>)
      tpu.yield
    }) : () -> ()
    return
  }
}

#map = affine_map<(d0, d1) -> (0, 0)>
#map1 = affine_map<(d0, d1) -> (0, 0, 0)>
module attributes {stable_mosaic.version = 14 : i64} {
  func.func @k(%arg0: i32, %arg1: i32, %arg2: memref<2560x128xi32, #tpu.memory_space<hbm>>, %arg3: memref<2x128x128xf32, #tpu.memory_space<hbm>>, %arg4: memref<80x128xi32, #tpu.memory_space<vmem>>, %arg5: memref<128x128xf32, #tpu.memory_space<vmem>>, %arg6: memref<8x128xf32, #tpu.memory_space<vmem>>, %arg7: memref<1x128xi32, #tpu.memory_space<vmem>>, %arg8: memref<128x128xf32, #tpu.memory_space<vmem_shared>>) attributes {dimension_semantics = [#tpu.dimension_semantics<core_parallel>, #tpu.dimension_semantics<subcore_parallel>], iteration_bounds = array<i64: 2, 16>, scalar_prefetch = 0 : i64, scratch_operands = 5 : i64, tpu.core_type = #tpu.core_type<sc_vector_subcore>, window_params = [{transform_indices = #map}, {transform_indices = #map1}]} {
    %mul3A = arith.constant 2 : i32
    %mul3A_0 = arith.muli %arg1, %mul3A : i32
    %add3A = arith.addi %mul3A_0, %arg0 : i32
    %iota3A = tpu.iota {dimensions = array<i32: 0>} : vector<16xi32>
    %mul3A_1 = arith.constant 80 : i32
    %mul3A_2 = arith.muli %add3A, %mul3A_1 : i32
    "tpu.region"() ({
      %run_scoped3A_82 = tpu.sem_alloc : memref<!tpu.dma_semaphore, #tpu.memory_space<semaphore_mem>>
      %dma_start3A = arith.constant 0 : i32
      %dma_start3A_83 = tpu.memref_slice %arg2[%mul3A_2, %dma_start3A] : memref<2560x128xi32, #tpu.memory_space<hbm>> -> memref<80x128xi32, #tpu.memory_space<hbm>>
      %dma_start3A_84 = arith.constant 0 : i32
      %dma_start3A_85 = tpu.memref_slice %arg2[%mul3A_2, %dma_start3A_84] : memref<2560x128xi32, #tpu.memory_space<hbm>> -> memref<80x128xi32, #tpu.memory_space<hbm>>
      tpu.enqueue_dma source(%dma_start3A_85 : memref<80x128xi32, #tpu.memory_space<hbm>>) target(%arg4 : memref<80x128xi32, #tpu.memory_space<vmem>>) target_semaphore(%run_scoped3A_82 : memref<!tpu.dma_semaphore, #tpu.memory_space<semaphore_mem>>)
      %dma_wait3A = arith.constant 0 : i32
      %dma_wait3A_86 = tpu.memref_slice %arg2[%mul3A_2, %dma_wait3A] : memref<2560x128xi32, #tpu.memory_space<hbm>> -> memref<80x128xi32, #tpu.memory_space<hbm>>
      %dma_wait3A_87 = arith.constant 0 : i32
      %dma_wait3A_88 = tpu.memref_slice %arg2[%mul3A_2, %dma_wait3A_87] : memref<2560x128xi32, #tpu.memory_space<hbm>> -> memref<80x128xi32, #tpu.memory_space<hbm>>
      tpu.wait_dma2 semaphore(%run_scoped3A_82 : memref<!tpu.dma_semaphore, #tpu.memory_space<semaphore_mem>>) src(%dma_wait3A_88 : memref<80x128xi32, #tpu.memory_space<hbm>>) dst(%arg4 : memref<80x128xi32, #tpu.memory_space<vmem>>)
      tpu.yield
    }) : () -> ()
    %scan3A = arith.constant 0 : i32
    %scan3A_3 = arith.constant 0 : i32
    %scan3A_4 = arith.constant 1024 : i32
    %scan3A_5 = arith.addi %scan3A_3, %scan3A_4 : i32
    %scan3A_6 = arith.constant 1 : i32
    scf.for %scan3A_82 = %scan3A_3 to %scan3A_5 step %scan3A_6  : i32 {
      %jit3A = arith.constant 8 : i32
      %div3A = arith.divsi %scan3A_82, %jit3A : i32
      %sign3A = arith.constant 0 : i32
      %sign3A_83 = arith.cmpi sgt, %scan3A_82, %sign3A : i32
      %sign3A_84 = arith.extui %sign3A_83 : i1 to i32
      %sign3A_85 = arith.constant 0 : i32
      %sign3A_86 = arith.cmpi slt, %scan3A_82, %sign3A_85 : i32
      %sign3A_87 = arith.extui %sign3A_86 : i1 to i32
      %sign3A_88 = arith.subi %sign3A_84, %sign3A_87 : i32
      %sign3A_89 = arith.constant 0 : i32
      %sign3A_90 = arith.cmpi sgt, %jit3A, %sign3A_89 : i32
      %sign3A_91 = arith.extui %sign3A_90 : i1 to i32
      %sign3A_92 = arith.constant 0 : i32
      %sign3A_93 = arith.cmpi slt, %jit3A, %sign3A_92 : i32
      %sign3A_94 = arith.extui %sign3A_93 : i1 to i32
      %sign3A_95 = arith.subi %sign3A_91, %sign3A_94 : i32
      %ne3A = arith.cmpi ne, %sign3A_88, %sign3A_95 : i32
      %rem3A = arith.remsi %scan3A_82, %jit3A : i32
      %ne3A_96 = arith.constant 0 : i32
      %ne3A_97 = arith.cmpi ne, %rem3A, %ne3A_96 : i32
      %and3A = arith.andi %ne3A, %ne3A_97 : i1
      %sub3A = arith.constant 1 : i32
      %sub3A_98 = arith.subi %div3A, %sub3A : i32
      %select_n3A = arith.select %and3A, %sub3A_98, %div3A : i32
      %jit3A_99 = arith.constant 8 : i32
      %eq3A = arith.constant 0 : i32
      %eq3A_100 = arith.cmpi eq, %jit3A_99, %eq3A : i32
      %jit3A_101 = arith.constant 1 : i32
      %select_n3A_102 = arith.select %eq3A_100, %jit3A_101, %jit3A_99 : i32
      %rem3A_103 = arith.remsi %scan3A_82, %select_n3A_102 : i32
      %ne3A_104 = arith.constant 0 : i32
      %ne3A_105 = arith.cmpi ne, %rem3A_103, %ne3A_104 : i32
      %lt3A = arith.constant 0 : i32
      %lt3A_106 = arith.cmpi slt, %rem3A_103, %lt3A : i32
      %lt3A_107 = arith.constant 0 : i32
      %lt3A_108 = arith.cmpi slt, %select_n3A_102, %lt3A_107 : i32
      %ne3A_109 = arith.xori %lt3A_106, %lt3A_108 : i1
      %and3A_110 = arith.andi %ne3A_109, %ne3A_105 : i1
      %add3A_111 = arith.addi %rem3A_103, %select_n3A_102 : i32
      %select_n3A_112 = arith.select %and3A_110, %add3A_111, %rem3A_103 : i32
      %broadcast_in_dim3A = arith.constant 0.000000e+00 : f32
      %broadcast_in_dim3A_113 = vector.broadcast %broadcast_in_dim3A : f32 to vector<16xf32>
      %mul3A_114 = arith.constant 16 : i32
      %mul3A_115 = arith.muli %select_n3A_112, %mul3A_114 : i32
      %swap3A_116 = arith.index_cast %select_n3A : i32 to index
      %swap3A_117 = arith.index_cast %mul3A_115 : i32 to index
      %swap3A_118 = tpu.vector_load %arg5[%swap3A_116, %swap3A_117] {strides = array<i32>} : memref<128x128xf32, #tpu.memory_space<vmem>>, vector<16xf32>,
      tpu.vector_store %arg5[%swap3A_116, %swap3A_117], %broadcast_in_dim3A_113 {strides = array<i32>} : memref<128x128xf32, #tpu.memory_space<vmem>>, vector<16xf32>,
    }
    %scan3A_7 = arith.constant 1024 : i32
    %scan3A_8 = arith.constant 0 : i32
    %scan3A_9 = arith.constant 0 : i32
    %scan3A_10 = arith.constant 64 : i32
    %scan3A_11 = arith.addi %scan3A_9, %scan3A_10 : i32
    %scan3A_12 = arith.constant 1 : i32
    scf.for %scan3A_82 = %scan3A_9 to %scan3A_11 step %scan3A_12  : i32 {
      %broadcast_in_dim3A = arith.constant 0.000000e+00 : f32
      %broadcast_in_dim3A_83 = vector.broadcast %broadcast_in_dim3A : f32 to vector<16xf32>
      %jit3A = arith.constant 8 : i32
      %div3A = arith.divsi %scan3A_82, %jit3A : i32
      %sign3A = arith.constant 0 : i32
      %sign3A_84 = arith.cmpi sgt, %scan3A_82, %sign3A : i32
      %sign3A_85 = arith.extui %sign3A_84 : i1 to i32
      %sign3A_86 = arith.constant 0 : i32
      %sign3A_87 = arith.cmpi slt, %scan3A_82, %sign3A_86 : i32
      %sign3A_88 = arith.extui %sign3A_87 : i1 to i32
      %sign3A_89 = arith.subi %sign3A_85, %sign3A_88 : i32
      %sign3A_90 = arith.constant 0 : i32
      %sign3A_91 = arith.cmpi sgt, %jit3A, %sign3A_90 : i32
      %sign3A_92 = arith.extui %sign3A_91 : i1 to i32
      %sign3A_93 = arith.constant 0 : i32
      %sign3A_94 = arith.cmpi slt, %jit3A, %sign3A_93 : i32
      %sign3A_95 = arith.extui %sign3A_94 : i1 to i32
      %sign3A_96 = arith.subi %sign3A_92, %sign3A_95 : i32
      %ne3A = arith.cmpi ne, %sign3A_89, %sign3A_96 : i32
      %rem3A = arith.remsi %scan3A_82, %jit3A : i32
      %ne3A_97 = arith.constant 0 : i32
      %ne3A_98 = arith.cmpi ne, %rem3A, %ne3A_97 : i32
      %and3A = arith.andi %ne3A, %ne3A_98 : i1
      %sub3A = arith.constant 1 : i32
      %sub3A_99 = arith.subi %div3A, %sub3A : i32
      %select_n3A = arith.select %and3A, %sub3A_99, %div3A : i32
      %jit3A_100 = arith.constant 8 : i32
      %eq3A = arith.constant 0 : i32
      %eq3A_101 = arith.cmpi eq, %jit3A_100, %eq3A : i32
      %jit3A_102 = arith.constant 1 : i32
      %select_n3A_103 = arith.select %eq3A_101, %jit3A_102, %jit3A_100 : i32
      %rem3A_104 = arith.remsi %scan3A_82, %select_n3A_103 : i32
      %ne3A_105 = arith.constant 0 : i32
      %ne3A_106 = arith.cmpi ne, %rem3A_104, %ne3A_105 : i32
      %lt3A = arith.constant 0 : i32
      %lt3A_107 = arith.cmpi slt, %rem3A_104, %lt3A : i32
      %lt3A_108 = arith.constant 0 : i32
      %lt3A_109 = arith.cmpi slt, %select_n3A_103, %lt3A_108 : i32
      %ne3A_110 = arith.xori %lt3A_107, %lt3A_109 : i1
      %and3A_111 = arith.andi %ne3A_110, %ne3A_106 : i1
      %add3A_112 = arith.addi %rem3A_104, %select_n3A_103 : i32
      %select_n3A_113 = arith.select %and3A_111, %add3A_112, %rem3A_104 : i32
      %mul3A_114 = arith.constant 16 : i32
      %mul3A_115 = arith.muli %select_n3A_113, %mul3A_114 : i32
      %swap3A_116 = arith.index_cast %select_n3A : i32 to index
      %swap3A_117 = arith.index_cast %mul3A_115 : i32 to index
      %swap3A_118 = tpu.vector_load %arg6[%swap3A_116, %swap3A_117] {strides = array<i32>} : memref<8x128xf32, #tpu.memory_space<vmem>>, vector<16xf32>,
      tpu.vector_store %arg6[%swap3A_116, %swap3A_117], %broadcast_in_dim3A_83 {strides = array<i32>} : memref<8x128xf32, #tpu.memory_space<vmem>>, vector<16xf32>,
    }
    %scan3A_13 = arith.constant 64 : i32
    %add3A_14 = arith.constant 0 : i32
    %add3A_15 = vector.broadcast %add3A_14 : i32 to vector<16xi32>
    %add3A_16 = arith.addi %iota3A, %add3A_15 : vector<16xi32>
    %swap3A = arith.constant 0 : i32
    %swap3A_17 = arith.index_cast %swap3A : i32 to index
    %swap3A_18 = arith.constant 0 : index
    %swap3A_19 = tpu.vector_load %arg7[%swap3A_17, %swap3A_18] {strides = array<i32>} : memref<1x128xi32, #tpu.memory_space<vmem>>, vector<16xi32>,
    tpu.vector_store %arg7[%swap3A_17, %swap3A_18], %add3A_16 {strides = array<i32>} : memref<1x128xi32, #tpu.memory_space<vmem>>, vector<16xi32>,
    %add3A_20 = arith.constant 16 : i32
    %add3A_21 = vector.broadcast %add3A_20 : i32 to vector<16xi32>
    %add3A_22 = arith.addi %iota3A, %add3A_21 : vector<16xi32>
    %swap3A_23 = arith.constant 0 : i32
    %swap3A_24 = arith.index_cast %swap3A_23 : i32 to index
    %swap3A_25 = arith.constant 16 : index
    %swap3A_26 = tpu.vector_load %arg7[%swap3A_24, %swap3A_25] {strides = array<i32>} : memref<1x128xi32, #tpu.memory_space<vmem>>, vector<16xi32>,
    tpu.vector_store %arg7[%swap3A_24, %swap3A_25], %add3A_22 {strides = array<i32>} : memref<1x128xi32, #tpu.memory_space<vmem>>, vector<16xi32>,
    %add3A_27 = arith.constant 32 : i32
    %add3A_28 = vector.broadcast %add3A_27 : i32 to vector<16xi32>
    %add3A_29 = arith.addi %iota3A, %add3A_28 : vector<16xi32>
    %swap3A_30 = arith.constant 0 : i32
    %swap3A_31 = arith.index_cast %swap3A_30 : i32 to index
    %swap3A_32 = arith.constant 32 : index
    %swap3A_33 = tpu.vector_load %arg7[%swap3A_31, %swap3A_32] {strides = array<i32>} : memref<1x128xi32, #tpu.memory_space<vmem>>, vector<16xi32>,
    tpu.vector_store %arg7[%swap3A_31, %swap3A_32], %add3A_29 {strides = array<i32>} : memref<1x128xi32, #tpu.memory_space<vmem>>, vector<16xi32>,
    %add3A_34 = arith.constant 48 : i32
    %add3A_35 = vector.broadcast %add3A_34 : i32 to vector<16xi32>
    %add3A_36 = arith.addi %iota3A, %add3A_35 : vector<16xi32>
    %swap3A_37 = arith.constant 0 : i32
    %swap3A_38 = arith.index_cast %swap3A_37 : i32 to index
    %swap3A_39 = arith.constant 48 : index
    %swap3A_40 = tpu.vector_load %arg7[%swap3A_38, %swap3A_39] {strides = array<i32>} : memref<1x128xi32, #tpu.memory_space<vmem>>, vector<16xi32>,
    tpu.vector_store %arg7[%swap3A_38, %swap3A_39], %add3A_36 {strides = array<i32>} : memref<1x128xi32, #tpu.memory_space<vmem>>, vector<16xi32>,
    %add3A_41 = arith.constant 64 : i32
    %add3A_42 = vector.broadcast %add3A_41 : i32 to vector<16xi32>
    %add3A_43 = arith.addi %iota3A, %add3A_42 : vector<16xi32>
    %swap3A_44 = arith.constant 0 : i32
    %swap3A_45 = arith.index_cast %swap3A_44 : i32 to index
    %swap3A_46 = arith.constant 64 : index
    %swap3A_47 = tpu.vector_load %arg7[%swap3A_45, %swap3A_46] {strides = array<i32>} : memref<1x128xi32, #tpu.memory_space<vmem>>, vector<16xi32>,
    tpu.vector_store %arg7[%swap3A_45, %swap3A_46], %add3A_43 {strides = array<i32>} : memref<1x128xi32, #tpu.memory_space<vmem>>, vector<16xi32>,
    %add3A_48 = arith.constant 80 : i32
    %add3A_49 = vector.broadcast %add3A_48 : i32 to vector<16xi32>
    %add3A_50 = arith.addi %iota3A, %add3A_49 : vector<16xi32>
    %swap3A_51 = arith.constant 0 : i32
    %swap3A_52 = arith.index_cast %swap3A_51 : i32 to index
    %swap3A_53 = arith.constant 80 : index
    %swap3A_54 = tpu.vector_load %arg7[%swap3A_52, %swap3A_53] {strides = array<i32>} : memref<1x128xi32, #tpu.memory_space<vmem>>, vector<16xi32>,
    tpu.vector_store %arg7[%swap3A_52, %swap3A_53], %add3A_50 {strides = array<i32>} : memref<1x128xi32, #tpu.memory_space<vmem>>, vector<16xi32>,
    %add3A_55 = arith.constant 96 : i32
    %add3A_56 = vector.broadcast %add3A_55 : i32 to vector<16xi32>
    %add3A_57 = arith.addi %iota3A, %add3A_56 : vector<16xi32>
    %swap3A_58 = arith.constant 0 : i32
    %swap3A_59 = arith.index_cast %swap3A_58 : i32 to index
    %swap3A_60 = arith.constant 96 : index
    %swap3A_61 = tpu.vector_load %arg7[%swap3A_59, %swap3A_60] {strides = array<i32>} : memref<1x128xi32, #tpu.memory_space<vmem>>, vector<16xi32>,
    tpu.vector_store %arg7[%swap3A_59, %swap3A_60], %add3A_57 {strides = array<i32>} : memref<1x128xi32, #tpu.memory_space<vmem>>, vector<16xi32>,
    %add3A_62 = arith.constant 112 : i32
    %add3A_63 = vector.broadcast %add3A_62 : i32 to vector<16xi32>
    %add3A_64 = arith.addi %iota3A, %add3A_63 : vector<16xi32>
    %swap3A_65 = arith.constant 0 : i32
    %swap3A_66 = arith.index_cast %swap3A_65 : i32 to index
    %swap3A_67 = arith.constant 112 : index
    %swap3A_68 = tpu.vector_load %arg7[%swap3A_66, %swap3A_67] {strides = array<i32>} : memref<1x128xi32, #tpu.memory_space<vmem>>, vector<16xi32>,
    tpu.vector_store %arg7[%swap3A_66, %swap3A_67], %add3A_64 {strides = array<i32>} : memref<1x128xi32, #tpu.memory_space<vmem>>, vector<16xi32>,
    %mul3A_69 = arith.constant 8 : i32
    %mul3A_70 = arith.muli %arg1, %mul3A_69 : i32
    "tpu.region"() ({
      %run_scoped3A_82 = tpu.sem_alloc : memref<!tpu.dma_semaphore, #tpu.memory_space<semaphore_mem>>
      %dma_start3A = arith.constant 0 : i32
      %dma_start3A_83 = tpu.memref_slice %arg8[%mul3A_70, %dma_start3A] : memref<128x128xf32, #tpu.memory_space<vmem_shared>> -> memref<8x128xf32, #tpu.memory_space<vmem_shared>>
      %dma_start3A_84 = arith.constant 0 : i32
      %dma_start3A_85 = tpu.memref_slice %arg8[%mul3A_70, %dma_start3A_84] : memref<128x128xf32, #tpu.memory_space<vmem_shared>> -> memref<8x128xf32, #tpu.memory_space<vmem_shared>>
      tpu.enqueue_dma source(%arg6 : memref<8x128xf32, #tpu.memory_space<vmem>>) target(%dma_start3A_85 : memref<8x128xf32, #tpu.memory_space<vmem_shared>>) target_semaphore(%run_scoped3A_82 : memref<!tpu.dma_semaphore, #tpu.memory_space<semaphore_mem>>)
      %dma_wait3A = arith.constant 0 : i32
      %dma_wait3A_86 = tpu.memref_slice %arg8[%mul3A_70, %dma_wait3A] : memref<128x128xf32, #tpu.memory_space<vmem_shared>> -> memref<8x128xf32, #tpu.memory_space<vmem_shared>>
      %dma_wait3A_87 = arith.constant 0 : i32
      %dma_wait3A_88 = tpu.memref_slice %arg8[%mul3A_70, %dma_wait3A_87] : memref<128x128xf32, #tpu.memory_space<vmem_shared>> -> memref<8x128xf32, #tpu.memory_space<vmem_shared>>
      tpu.wait_dma2 semaphore(%run_scoped3A_82 : memref<!tpu.dma_semaphore, #tpu.memory_space<semaphore_mem>>) src(%arg6 : memref<8x128xf32, #tpu.memory_space<vmem>>) dst(%dma_wait3A_88 : memref<8x128xf32, #tpu.memory_space<vmem_shared>>)
      tpu.yield
    }) : () -> ()
    %scan3A_71 = arith.constant 0 : i32
    %scan3A_72 = arith.constant 0 : i32
    %scan3A_73 = arith.constant 640 : i32
    %scan3A_74 = arith.addi %scan3A_72, %scan3A_73 : i32
    %scan3A_75 = arith.constant 1 : i32
    scf.for %scan3A_82 = %scan3A_72 to %scan3A_74 step %scan3A_75  : i32 {
      %jit3A = arith.constant 8 : i32
      %div3A = arith.divsi %scan3A_82, %jit3A : i32
      %sign3A = arith.constant 0 : i32
      %sign3A_83 = arith.cmpi sgt, %scan3A_82, %sign3A : i32
      %sign3A_84 = arith.extui %sign3A_83 : i1 to i32
      %sign3A_85 = arith.constant 0 : i32
      %sign3A_86 = arith.cmpi slt, %scan3A_82, %sign3A_85 : i32
      %sign3A_87 = arith.extui %sign3A_86 : i1 to i32
      %sign3A_88 = arith.subi %sign3A_84, %sign3A_87 : i32
      %sign3A_89 = arith.constant 0 : i32
      %sign3A_90 = arith.cmpi sgt, %jit3A, %sign3A_89 : i32
      %sign3A_91 = arith.extui %sign3A_90 : i1 to i32
      %sign3A_92 = arith.constant 0 : i32
      %sign3A_93 = arith.cmpi slt, %jit3A, %sign3A_92 : i32
      %sign3A_94 = arith.extui %sign3A_93 : i1 to i32
      %sign3A_95 = arith.subi %sign3A_91, %sign3A_94 : i32
      %ne3A = arith.cmpi ne, %sign3A_88, %sign3A_95 : i32
      %rem3A = arith.remsi %scan3A_82, %jit3A : i32
      %ne3A_96 = arith.constant 0 : i32
      %ne3A_97 = arith.cmpi ne, %rem3A, %ne3A_96 : i32
      %and3A = arith.andi %ne3A, %ne3A_97 : i1
      %sub3A = arith.constant 1 : i32
      %sub3A_98 = arith.subi %div3A, %sub3A : i32
      %select_n3A = arith.select %and3A, %sub3A_98, %div3A : i32
      %jit3A_99 = arith.constant 8 : i32
      %eq3A = arith.constant 0 : i32
      %eq3A_100 = arith.cmpi eq, %jit3A_99, %eq3A : i32
      %jit3A_101 = arith.constant 1 : i32
      %select_n3A_102 = arith.select %eq3A_100, %jit3A_101, %jit3A_99 : i32
      %rem3A_103 = arith.remsi %scan3A_82, %select_n3A_102 : i32
      %ne3A_104 = arith.constant 0 : i32
      %ne3A_105 = arith.cmpi ne, %rem3A_103, %ne3A_104 : i32
      %lt3A = arith.constant 0 : i32
      %lt3A_106 = arith.cmpi slt, %rem3A_103, %lt3A : i32
      %lt3A_107 = arith.constant 0 : i32
      %lt3A_108 = arith.cmpi slt, %select_n3A_102, %lt3A_107 : i32
      %ne3A_109 = arith.xori %lt3A_106, %lt3A_108 : i1
      %and3A_110 = arith.andi %ne3A_109, %ne3A_105 : i1
      %add3A_111 = arith.addi %rem3A_103, %select_n3A_102 : i32
      %select_n3A_112 = arith.select %and3A_110, %add3A_111, %rem3A_103 : i32
      %mul3A_113 = arith.constant 16 : i32
      %mul3A_114 = arith.muli %select_n3A_112, %mul3A_113 : i32
      %get3A = arith.index_cast %select_n3A : i32 to index
      %get3A_115 = arith.index_cast %mul3A_114 : i32 to index
      %get3A_116 = tpu.vector_load %arg4[%get3A, %get3A_115] {strides = array<i32>} : memref<80x128xi32, #tpu.memory_space<vmem>>, vector<16xi32>,
      %broadcast_in_dim3A = arith.constant true
      %broadcast_in_dim3A_117 = vector.broadcast %broadcast_in_dim3A : i1 to vector<16xi1>
      %unique3A, %unique3A_118 = tpu.scan_count mask(%broadcast_in_dim3A_117 : vector<16xi1>) value(%get3A_116 : vector<16xi32>) : vector<16xi1>, vector<16xi32>
      %shift_right_logical3A = arith.constant 7 : i32
      %shift_right_logical3A_119 = vector.broadcast %shift_right_logical3A : i32 to vector<16xi32>
      %shift_right_logical3A_120 = arith.shrui %get3A_116, %shift_right_logical3A_119 : vector<16xi32>
      %and3A_121 = arith.constant 127 : i32
      %and3A_122 = vector.broadcast %and3A_121 : i32 to vector<16xi32>
      %and3A_123 = arith.andi %get3A_116, %and3A_122 : vector<16xi32>
      %convert_element_type3A = arith.sitofp %unique3A_118 : vector<16xi32> to vector<16xf32>
      tpu.vector_store_idx %arg5[%shift_right_logical3A_120, %and3A_123], %convert_element_type3A masked %unique3A {add = true} : memref<128x128xf32, #tpu.memory_space<vmem>>[vector<16xi32>, vector<16xi32>], vector<16xf32>, vector<16xi1>
    }
    %scan3A_76 = arith.constant 640 : i32
    %barrier3A = arith.constant 0 : index
    tpu.barrier barrier_id(%barrier3A)
    %run_scoped3A = arith.constant 0 : i32
    "tpu.region"() ({
      %run_scoped3A_82 = tpu.sem_alloc : memref<!tpu.dma_semaphore, #tpu.memory_space<semaphore_mem>>
      %dma_start3A = arith.constant 0 : i32
      %dma_start3A_83 = tpu.memref_slice %arg7[%run_scoped3A, %dma_start3A] : memref<1x128xi32, #tpu.memory_space<vmem>> -> memref<1x128xi32, #tpu.memory_space<vmem>>
      %dma_start3A_84 = tpu.memref_squeeze %dma_start3A_83 : memref<1x128xi32, #tpu.memory_space<vmem>> -> memref<128xi32, #tpu.memory_space<vmem>>
      %dma_start3A_85 = arith.constant 0 : i32
      %dma_start3A_86 = arith.constant 0 : i32
      %dma_start3A_87 = tpu.memref_slice %arg8[%dma_start3A_85, %dma_start3A_86] : memref<128x128xf32, #tpu.memory_space<vmem_shared>> -> memref<128x128xf32, #tpu.memory_space<vmem_shared>>
      tpu.enqueue_indirect_dma source(%arg5 : memref<128x128xf32, #tpu.memory_space<vmem>>) target(%dma_start3A_87 : memref<128x128xf32, #tpu.memory_space<vmem_shared>>) offsets(%dma_start3A_84 : memref<128xi32, #tpu.memory_space<vmem>>) semaphore(%run_scoped3A_82 : memref<!tpu.dma_semaphore, #tpu.memory_space<semaphore_mem>>) {add = true}
      %dma_wait3A = arith.constant 0 : i32
      %dma_wait3A_88 = tpu.memref_slice %arg7[%run_scoped3A, %dma_wait3A] : memref<1x128xi32, #tpu.memory_space<vmem>> -> memref<1x128xi32, #tpu.memory_space<vmem>>
      %dma_wait3A_89 = tpu.memref_squeeze %dma_wait3A_88 : memref<1x128xi32, #tpu.memory_space<vmem>> -> memref<128xi32, #tpu.memory_space<vmem>>
      %dma_wait3A_90 = arith.constant 0 : i32
      %dma_wait3A_91 = arith.constant 0 : i32
      %dma_wait3A_92 = tpu.memref_slice %arg8[%dma_wait3A_90, %dma_wait3A_91] : memref<128x128xf32, #tpu.memory_space<vmem_shared>> -> memref<128x128xf32, #tpu.memory_space<vmem_shared>>
      tpu.wait_indirect_dma semaphore(%run_scoped3A_82 : memref<!tpu.dma_semaphore, #tpu.memory_space<semaphore_mem>>) src(%arg5 : memref<128x128xf32, #tpu.memory_space<vmem>>) dst(%dma_wait3A_92 : memref<128x128xf32, #tpu.memory_space<vmem_shared>>)
      tpu.yield
    }) : () -> ()
    %barrier3A_77 = arith.constant 0 : index
    tpu.barrier barrier_id(%barrier3A_77)
    %mul3A_78 = arith.constant 8 : i32
    %mul3A_79 = arith.muli %arg1, %mul3A_78 : i32
    %mul3A_80 = arith.constant 8 : i32
    %mul3A_81 = arith.muli %arg1, %mul3A_80 : i32
    "tpu.region"() ({
      %run_scoped3A_82 = tpu.sem_alloc : memref<!tpu.dma_semaphore, #tpu.memory_space<semaphore_mem>>
      %dma_start3A = arith.constant 0 : i32
      %dma_start3A_83 = tpu.memref_slice %arg3[%arg0, %mul3A_81, %dma_start3A] : memref<2x128x128xf32, #tpu.memory_space<hbm>> -> memref<1x8x128xf32, #tpu.memory_space<hbm>>
      %dma_start3A_84 = tpu.memref_squeeze %dma_start3A_83 : memref<1x8x128xf32, #tpu.memory_space<hbm>> -> memref<8x128xf32, #tpu.memory_space<hbm>>
      %dma_start3A_85 = arith.constant 0 : i32
      %dma_start3A_86 = tpu.memref_slice %arg8[%mul3A_79, %dma_start3A_85] : memref<128x128xf32, #tpu.memory_space<vmem_shared>> -> memref<8x128xf32, #tpu.memory_space<vmem_shared>>
      tpu.enqueue_dma source(%dma_start3A_86 : memref<8x128xf32, #tpu.memory_space<vmem_shared>>) target(%dma_start3A_84 : memref<8x128xf32, #tpu.memory_space<hbm>>) target_semaphore(%run_scoped3A_82 : memref<!tpu.dma_semaphore, #tpu.memory_space<semaphore_mem>>)
      %dma_wait3A = arith.constant 0 : i32
      %dma_wait3A_87 = tpu.memref_slice %arg3[%arg0, %mul3A_81, %dma_wait3A] : memref<2x128x128xf32, #tpu.memory_space<hbm>> -> memref<1x8x128xf32, #tpu.memory_space<hbm>>
      %dma_wait3A_88 = tpu.memref_squeeze %dma_wait3A_87 : memref<1x8x128xf32, #tpu.memory_space<hbm>> -> memref<8x128xf32, #tpu.memory_space<hbm>>
      %dma_wait3A_89 = arith.constant 0 : i32
      %dma_wait3A_90 = tpu.memref_slice %arg8[%mul3A_79, %dma_wait3A_89] : memref<128x128xf32, #tpu.memory_space<vmem_shared>> -> memref<8x128xf32, #tpu.memory_space<vmem_shared>>
      tpu.wait_dma2 semaphore(%run_scoped3A_82 : memref<!tpu.dma_semaphore, #tpu.memory_space<semaphore_mem>>) src(%dma_wait3A_90 : memref<8x128xf32, #tpu.memory_space<vmem_shared>>) dst(%dma_wait3A_88 : memref<8x128xf32, #tpu.memory_space<hbm>>)
      tpu.yield
    }) : () -> ()
    return
  }
}

#map = affine_map<(d0, d1) -> (0, 0)>
#map1 = affine_map<(d0, d1) -> (0, 0, 0)>
module attributes {stable_mosaic.version = 14 : i64} {
  func.func @k(%arg0: i32, %arg1: i32, %arg2: memref<10000x128xf32, #tpu.memory_space<hbm>>, %arg3: memref<2560x128xi32, #tpu.memory_space<hbm>>, %arg4: memref<2560x128xi32, #tpu.memory_space<hbm>>, %arg5: memref<10240x128xf32, #tpu.memory_space<hbm>>, %arg6: memref<2x10240x128xf32, #tpu.memory_space<hbm>>, %arg7: memref<40x128xi32, #tpu.memory_space<vmem>>, %arg8: memref<40x128xi32, #tpu.memory_space<vmem>>, %arg9: memref<128x128xf32, #tpu.memory_space<vmem>>, %arg10: memref<128x128xf32, #tpu.memory_space<vmem>>, %arg11: memref<10240x128xf32, #tpu.memory_space<vmem_shared>>, %arg12: memref<!tpu.dma_semaphore, #tpu.memory_space<semaphore_mem>>, %arg13: memref<!tpu.dma_semaphore, #tpu.memory_space<semaphore_mem>>, %arg14: memref<!tpu.dma_semaphore, #tpu.memory_space<semaphore_mem>>) attributes {dimension_semantics = [#tpu.dimension_semantics<core_parallel>, #tpu.dimension_semantics<subcore_parallel>], iteration_bounds = array<i64: 2, 16>, scalar_prefetch = 0 : i64, scratch_operands = 8 : i64, tpu.core_type = #tpu.core_type<sc_vector_subcore>, window_params = [{transform_indices = #map}, {transform_indices = #map}, {transform_indices = #map}, {transform_indices = #map}, {transform_indices = #map1}]} {
    %mul3A = arith.constant 2 : i32
    %mul3A_0 = arith.muli %arg1, %mul3A : i32
    %add3A = arith.addi %mul3A_0, %arg0 : i32
    %mul3A_1 = arith.constant 640 : i32
    %mul3A_2 = arith.muli %arg1, %mul3A_1 : i32
    %mul3A_3 = arith.constant 640 : i32
    %mul3A_4 = arith.muli %arg1, %mul3A_3 : i32
    %dma_start3A = arith.constant 0 : i32
    %dma_start3A_5 = tpu.memref_slice %arg11[%mul3A_4, %dma_start3A] : memref<10240x128xf32, #tpu.memory_space<vmem_shared>> -> memref<640x128xf32, #tpu.memory_space<vmem_shared>>
    %dma_start3A_6 = arith.constant 0 : i32
    %dma_start3A_7 = tpu.memref_slice %arg5[%mul3A_2, %dma_start3A_6] : memref<10240x128xf32, #tpu.memory_space<hbm>> -> memref<640x128xf32, #tpu.memory_space<hbm>>
    tpu.enqueue_dma source(%dma_start3A_7 : memref<640x128xf32, #tpu.memory_space<hbm>>) target(%dma_start3A_5 : memref<640x128xf32, #tpu.memory_space<vmem_shared>>) target_semaphore(%arg14 : memref<!tpu.dma_semaphore, #tpu.memory_space<semaphore_mem>>)
    %mul3A_8 = arith.constant 80 : i32
    %mul3A_9 = arith.muli %add3A, %mul3A_8 : i32
    %add3A_10 = arith.constant 0 : i32
    %add3A_11 = arith.addi %mul3A_9, %add3A_10 : i32
    "tpu.region"() ({
      %run_scoped3A = tpu.sem_alloc : memref<!tpu.dma_semaphore, #tpu.memory_space<semaphore_mem>>
      %dma_start3A_63 = arith.constant 0 : i32
      %dma_start3A_64 = tpu.memref_slice %arg3[%add3A_11, %dma_start3A_63] : memref<2560x128xi32, #tpu.memory_space<hbm>> -> memref<40x128xi32, #tpu.memory_space<hbm>>
      %dma_start3A_65 = arith.constant 0 : i32
      %dma_start3A_66 = tpu.memref_slice %arg3[%add3A_11, %dma_start3A_65] : memref<2560x128xi32, #tpu.memory_space<hbm>> -> memref<40x128xi32, #tpu.memory_space<hbm>>
      tpu.enqueue_dma source(%dma_start3A_66 : memref<40x128xi32, #tpu.memory_space<hbm>>) target(%arg7 : memref<40x128xi32, #tpu.memory_space<vmem>>) target_semaphore(%run_scoped3A : memref<!tpu.dma_semaphore, #tpu.memory_space<semaphore_mem>>)
      %dma_wait3A_67 = arith.constant 0 : i32
      %dma_wait3A_68 = tpu.memref_slice %arg3[%add3A_11, %dma_wait3A_67] : memref<2560x128xi32, #tpu.memory_space<hbm>> -> memref<40x128xi32, #tpu.memory_space<hbm>>
      %dma_wait3A_69 = arith.constant 0 : i32
      %dma_wait3A_70 = tpu.memref_slice %arg3[%add3A_11, %dma_wait3A_69] : memref<2560x128xi32, #tpu.memory_space<hbm>> -> memref<40x128xi32, #tpu.memory_space<hbm>>
      tpu.wait_dma2 semaphore(%run_scoped3A : memref<!tpu.dma_semaphore, #tpu.memory_space<semaphore_mem>>) src(%dma_wait3A_70 : memref<40x128xi32, #tpu.memory_space<hbm>>) dst(%arg7 : memref<40x128xi32, #tpu.memory_space<vmem>>)
      tpu.yield
    }) : () -> ()
    "tpu.region"() ({
      %run_scoped3A = tpu.sem_alloc : memref<!tpu.dma_semaphore, #tpu.memory_space<semaphore_mem>>
      %dma_start3A_63 = arith.constant 0 : i32
      %dma_start3A_64 = tpu.memref_slice %arg4[%add3A_11, %dma_start3A_63] : memref<2560x128xi32, #tpu.memory_space<hbm>> -> memref<40x128xi32, #tpu.memory_space<hbm>>
      %dma_start3A_65 = arith.constant 0 : i32
      %dma_start3A_66 = tpu.memref_slice %arg4[%add3A_11, %dma_start3A_65] : memref<2560x128xi32, #tpu.memory_space<hbm>> -> memref<40x128xi32, #tpu.memory_space<hbm>>
      tpu.enqueue_dma source(%dma_start3A_66 : memref<40x128xi32, #tpu.memory_space<hbm>>) target(%arg8 : memref<40x128xi32, #tpu.memory_space<vmem>>) target_semaphore(%run_scoped3A : memref<!tpu.dma_semaphore, #tpu.memory_space<semaphore_mem>>)
      %dma_wait3A_67 = arith.constant 0 : i32
      %dma_wait3A_68 = tpu.memref_slice %arg4[%add3A_11, %dma_wait3A_67] : memref<2560x128xi32, #tpu.memory_space<hbm>> -> memref<40x128xi32, #tpu.memory_space<hbm>>
      %dma_wait3A_69 = arith.constant 0 : i32
      %dma_wait3A_70 = tpu.memref_slice %arg4[%add3A_11, %dma_wait3A_69] : memref<2560x128xi32, #tpu.memory_space<hbm>> -> memref<40x128xi32, #tpu.memory_space<hbm>>
      tpu.wait_dma2 semaphore(%run_scoped3A : memref<!tpu.dma_semaphore, #tpu.memory_space<semaphore_mem>>) src(%dma_wait3A_70 : memref<40x128xi32, #tpu.memory_space<hbm>>) dst(%arg8 : memref<40x128xi32, #tpu.memory_space<vmem>>)
      tpu.yield
    }) : () -> ()
    %dma_start3A_12 = arith.constant 0 : i32
    %dma_start3A_13 = arith.constant 0 : i32
    %dma_start3A_14 = tpu.memref_slice %arg7[%dma_start3A_12, %dma_start3A_13] : memref<40x128xi32, #tpu.memory_space<vmem>> -> memref<1x128xi32, #tpu.memory_space<vmem>>
    %dma_start3A_15 = tpu.memref_squeeze %dma_start3A_14 : memref<1x128xi32, #tpu.memory_space<vmem>> -> memref<128xi32, #tpu.memory_space<vmem>>
    %dma_start3A_16 = arith.constant 0 : i32
    %dma_start3A_17 = arith.constant 0 : i32
    %dma_start3A_18 = tpu.memref_slice %arg2[%dma_start3A_16, %dma_start3A_17] : memref<10000x128xf32, #tpu.memory_space<hbm>> -> memref<10000x128xf32, #tpu.memory_space<hbm>>
    tpu.enqueue_indirect_dma source(%dma_start3A_18 : memref<10000x128xf32, #tpu.memory_space<hbm>>) target(%arg9 : memref<128x128xf32, #tpu.memory_space<vmem>>) offsets(%dma_start3A_15 : memref<128xi32, #tpu.memory_space<vmem>>) semaphore(%arg12 : memref<!tpu.dma_semaphore, #tpu.memory_space<semaphore_mem>>)
    %dma_start3A_19 = arith.constant 1 : i32
    %dma_start3A_20 = arith.constant 0 : i32
    %dma_start3A_21 = tpu.memref_slice %arg7[%dma_start3A_19, %dma_start3A_20] : memref<40x128xi32, #tpu.memory_space<vmem>> -> memref<1x128xi32, #tpu.memory_space<vmem>>
    %dma_start3A_22 = tpu.memref_squeeze %dma_start3A_21 : memref<1x128xi32, #tpu.memory_space<vmem>> -> memref<128xi32, #tpu.memory_space<vmem>>
    %dma_start3A_23 = arith.constant 0 : i32
    %dma_start3A_24 = arith.constant 0 : i32
    %dma_start3A_25 = tpu.memref_slice %arg2[%dma_start3A_23, %dma_start3A_24] : memref<10000x128xf32, #tpu.memory_space<hbm>> -> memref<10000x128xf32, #tpu.memory_space<hbm>>
    tpu.enqueue_indirect_dma source(%dma_start3A_25 : memref<10000x128xf32, #tpu.memory_space<hbm>>) target(%arg10 : memref<128x128xf32, #tpu.memory_space<vmem>>) offsets(%dma_start3A_22 : memref<128xi32, #tpu.memory_space<vmem>>) semaphore(%arg13 : memref<!tpu.dma_semaphore, #tpu.memory_space<semaphore_mem>>)
    %dma_wait3A = arith.constant 0 : i32
    %dma_wait3A_26 = tpu.memref_slice %arg11[%mul3A_4, %dma_wait3A] : memref<10240x128xf32, #tpu.memory_space<vmem_shared>> -> memref<640x128xf32, #tpu.memory_space<vmem_shared>>
    %dma_wait3A_27 = arith.constant 0 : i32
    %dma_wait3A_28 = tpu.memref_slice %arg5[%mul3A_2, %dma_wait3A_27] : memref<10240x128xf32, #tpu.memory_space<hbm>> -> memref<640x128xf32, #tpu.memory_space<hbm>>
    tpu.wait_dma2 semaphore(%arg14 : memref<!tpu.dma_semaphore, #tpu.memory_space<semaphore_mem>>) src(%dma_wait3A_28 : memref<640x128xf32, #tpu.memory_space<hbm>>) dst(%dma_wait3A_26 : memref<640x128xf32, #tpu.memory_space<vmem_shared>>)
    %barrier3A = arith.constant 0 : index
    tpu.barrier barrier_id(%barrier3A)
    %scan3A = arith.constant 0 : i32
    %scan3A_29 = arith.constant 0 : i32
    %scan3A_30 = arith.constant 20 : i32
    %scan3A_31 = arith.addi %scan3A_29, %scan3A_30 : i32
    %scan3A_32 = arith.constant 1 : i32
    scf.for %scan3A_63 = %scan3A_29 to %scan3A_31 step %scan3A_32  : i32 {
      %mul3A_64 = arith.constant 2 : i32
      %mul3A_65 = arith.muli %mul3A_64, %scan3A_63 : i32
      %dma_wait3A_66 = arith.constant 0 : i32
      %dma_wait3A_67 = tpu.memref_slice %arg7[%mul3A_65, %dma_wait3A_66] : memref<40x128xi32, #tpu.memory_space<vmem>> -> memref<1x128xi32, #tpu.memory_space<vmem>>
      %dma_wait3A_68 = tpu.memref_squeeze %dma_wait3A_67 : memref<1x128xi32, #tpu.memory_space<vmem>> -> memref<128xi32, #tpu.memory_space<vmem>>
      %dma_wait3A_69 = arith.constant 0 : i32
      %dma_wait3A_70 = arith.constant 0 : i32
      %dma_wait3A_71 = tpu.memref_slice %arg2[%dma_wait3A_69, %dma_wait3A_70] : memref<10000x128xf32, #tpu.memory_space<hbm>> -> memref<10000x128xf32, #tpu.memory_space<hbm>>
      tpu.wait_indirect_dma semaphore(%arg12 : memref<!tpu.dma_semaphore, #tpu.memory_space<semaphore_mem>>) src(%dma_wait3A_71 : memref<10000x128xf32, #tpu.memory_space<hbm>>) dst(%arg9 : memref<128x128xf32, #tpu.memory_space<vmem>>)
      "tpu.region"() ({
        %run_scoped3A = tpu.sem_alloc : memref<!tpu.dma_semaphore, #tpu.memory_space<semaphore_mem>>
        %dma_start3A_93 = arith.constant 0 : i32
        %dma_start3A_94 = tpu.memref_slice %arg8[%mul3A_65, %dma_start3A_93] : memref<40x128xi32, #tpu.memory_space<vmem>> -> memref<1x128xi32, #tpu.memory_space<vmem>>
        %dma_start3A_95 = tpu.memref_squeeze %dma_start3A_94 : memref<1x128xi32, #tpu.memory_space<vmem>> -> memref<128xi32, #tpu.memory_space<vmem>>
        %dma_start3A_96 = arith.constant 0 : i32
        %dma_start3A_97 = arith.constant 0 : i32
        %dma_start3A_98 = tpu.memref_slice %arg11[%dma_start3A_96, %dma_start3A_97] : memref<10240x128xf32, #tpu.memory_space<vmem_shared>> -> memref<10240x128xf32, #tpu.memory_space<vmem_shared>>
        tpu.enqueue_indirect_dma source(%arg9 : memref<128x128xf32, #tpu.memory_space<vmem>>) target(%dma_start3A_98 : memref<10240x128xf32, #tpu.memory_space<vmem_shared>>) offsets(%dma_start3A_95 : memref<128xi32, #tpu.memory_space<vmem>>) semaphore(%run_scoped3A : memref<!tpu.dma_semaphore, #tpu.memory_space<semaphore_mem>>) {add = true}
        %dma_wait3A_99 = arith.constant 0 : i32
        %dma_wait3A_100 = tpu.memref_slice %arg8[%mul3A_65, %dma_wait3A_99] : memref<40x128xi32, #tpu.memory_space<vmem>> -> memref<1x128xi32, #tpu.memory_space<vmem>>
        %dma_wait3A_101 = tpu.memref_squeeze %dma_wait3A_100 : memref<1x128xi32, #tpu.memory_space<vmem>> -> memref<128xi32, #tpu.memory_space<vmem>>
        %dma_wait3A_102 = arith.constant 0 : i32
        %dma_wait3A_103 = arith.constant 0 : i32
        %dma_wait3A_104 = tpu.memref_slice %arg11[%dma_wait3A_102, %dma_wait3A_103] : memref<10240x128xf32, #tpu.memory_space<vmem_shared>> -> memref<10240x128xf32, #tpu.memory_space<vmem_shared>>
        tpu.wait_indirect_dma semaphore(%run_scoped3A : memref<!tpu.dma_semaphore, #tpu.memory_space<semaphore_mem>>) src(%arg9 : memref<128x128xf32, #tpu.memory_space<vmem>>) dst(%dma_wait3A_104 : memref<10240x128xf32, #tpu.memory_space<vmem_shared>>)
        tpu.yield
      }) : () -> ()
      %add3A_72 = arith.constant 2 : i32
      %add3A_73 = arith.addi %mul3A_65, %add3A_72 : i32
      %lt3A = arith.constant 40 : i32
      %lt3A_74 = arith.cmpi slt, %add3A_73, %lt3A : i32
      %convert_element_type3A = arith.extui %lt3A_74 : i1 to i32
      %cond3A = arith.constant 0 : i32
      %cond3A_75 = arith.cmpi ne, %convert_element_type3A, %cond3A : i32
      scf.if %cond3A_75 {
        %add3A_93 = arith.constant 2 : i32
        %add3A_94 = arith.addi %mul3A_65, %add3A_93 : i32
        %dma_start3A_95 = arith.constant 0 : i32
        %dma_start3A_96 = tpu.memref_slice %arg7[%add3A_94, %dma_start3A_95] : memref<40x128xi32, #tpu.memory_space<vmem>> -> memref<1x128xi32, #tpu.memory_space<vmem>>
        %dma_start3A_97 = tpu.memref_squeeze %dma_start3A_96 : memref<1x128xi32, #tpu.memory_space<vmem>> -> memref<128xi32, #tpu.memory_space<vmem>>
        %dma_start3A_98 = arith.constant 0 : i32
        %dma_start3A_99 = arith.constant 0 : i32
        %dma_start3A_100 = tpu.memref_slice %arg2[%dma_start3A_98, %dma_start3A_99] : memref<10000x128xf32, #tpu.memory_space<hbm>> -> memref<10000x128xf32, #tpu.memory_space<hbm>>
        tpu.enqueue_indirect_dma source(%dma_start3A_100 : memref<10000x128xf32, #tpu.memory_space<hbm>>) target(%arg9 : memref<128x128xf32, #tpu.memory_space<vmem>>) offsets(%dma_start3A_97 : memref<128xi32, #tpu.memory_space<vmem>>) semaphore(%arg12 : memref<!tpu.dma_semaphore, #tpu.memory_space<semaphore_mem>>)
      } else {
      }
      %add3A_76 = arith.constant 1 : i32
      %add3A_77 = arith.addi %mul3A_65, %add3A_76 : i32
      %dma_wait3A_78 = arith.constant 0 : i32
      %dma_wait3A_79 = tpu.memref_slice %arg7[%add3A_77, %dma_wait3A_78] : memref<40x128xi32, #tpu.memory_space<vmem>> -> memref<1x128xi32, #tpu.memory_space<vmem>>
      %dma_wait3A_80 = tpu.memref_squeeze %dma_wait3A_79 : memref<1x128xi32, #tpu.memory_space<vmem>> -> memref<128xi32, #tpu.memory_space<vmem>>
      %dma_wait3A_81 = arith.constant 0 : i32
      %dma_wait3A_82 = arith.constant 0 : i32
      %dma_wait3A_83 = tpu.memref_slice %arg2[%dma_wait3A_81, %dma_wait3A_82] : memref<10000x128xf32, #tpu.memory_space<hbm>> -> memref<10000x128xf32, #tpu.memory_space<hbm>>
      tpu.wait_indirect_dma semaphore(%arg13 : memref<!tpu.dma_semaphore, #tpu.memory_space<semaphore_mem>>) src(%dma_wait3A_83 : memref<10000x128xf32, #tpu.memory_space<hbm>>) dst(%arg10 : memref<128x128xf32, #tpu.memory_space<vmem>>)
      %add3A_84 = arith.constant 1 : i32
      %add3A_85 = arith.addi %mul3A_65, %add3A_84 : i32
      "tpu.region"() ({
        %run_scoped3A = tpu.sem_alloc : memref<!tpu.dma_semaphore, #tpu.memory_space<semaphore_mem>>
        %dma_start3A_93 = arith.constant 0 : i32
        %dma_start3A_94 = tpu.memref_slice %arg8[%add3A_85, %dma_start3A_93] : memref<40x128xi32, #tpu.memory_space<vmem>> -> memref<1x128xi32, #tpu.memory_space<vmem>>
        %dma_start3A_95 = tpu.memref_squeeze %dma_start3A_94 : memref<1x128xi32, #tpu.memory_space<vmem>> -> memref<128xi32, #tpu.memory_space<vmem>>
        %dma_start3A_96 = arith.constant 0 : i32
        %dma_start3A_97 = arith.constant 0 : i32
        %dma_start3A_98 = tpu.memref_slice %arg11[%dma_start3A_96, %dma_start3A_97] : memref<10240x128xf32, #tpu.memory_space<vmem_shared>> -> memref<10240x128xf32, #tpu.memory_space<vmem_shared>>
        tpu.enqueue_indirect_dma source(%arg10 : memref<128x128xf32, #tpu.memory_space<vmem>>) target(%dma_start3A_98 : memref<10240x128xf32, #tpu.memory_space<vmem_shared>>) offsets(%dma_start3A_95 : memref<128xi32, #tpu.memory_space<vmem>>) semaphore(%run_scoped3A : memref<!tpu.dma_semaphore, #tpu.memory_space<semaphore_mem>>) {add = true}
        %dma_wait3A_99 = arith.constant 0 : i32
        %dma_wait3A_100 = tpu.memref_slice %arg8[%add3A_85, %dma_wait3A_99] : memref<40x128xi32, #tpu.memory_space<vmem>> -> memref<1x128xi32, #tpu.memory_space<vmem>>
        %dma_wait3A_101 = tpu.memref_squeeze %dma_wait3A_100 : memref<1x128xi32, #tpu.memory_space<vmem>> -> memref<128xi32, #tpu.memory_space<vmem>>
        %dma_wait3A_102 = arith.constant 0 : i32
        %dma_wait3A_103 = arith.constant 0 : i32
        %dma_wait3A_104 = tpu.memref_slice %arg11[%dma_wait3A_102, %dma_wait3A_103] : memref<10240x128xf32, #tpu.memory_space<vmem_shared>> -> memref<10240x128xf32, #tpu.memory_space<vmem_shared>>
        tpu.wait_indirect_dma semaphore(%run_scoped3A : memref<!tpu.dma_semaphore, #tpu.memory_space<semaphore_mem>>) src(%arg10 : memref<128x128xf32, #tpu.memory_space<vmem>>) dst(%dma_wait3A_104 : memref<10240x128xf32, #tpu.memory_space<vmem_shared>>)
        tpu.yield
      }) : () -> ()
      %add3A_86 = arith.constant 3 : i32
      %add3A_87 = arith.addi %mul3A_65, %add3A_86 : i32
      %lt3A_88 = arith.constant 40 : i32
      %lt3A_89 = arith.cmpi slt, %add3A_87, %lt3A_88 : i32
      %convert_element_type3A_90 = arith.extui %lt3A_89 : i1 to i32
      %cond3A_91 = arith.constant 0 : i32
      %cond3A_92 = arith.cmpi ne, %convert_element_type3A_90, %cond3A_91 : i32
      scf.if %cond3A_92 {
        %add3A_93 = arith.constant 3 : i32
        %add3A_94 = arith.addi %mul3A_65, %add3A_93 : i32
        %dma_start3A_95 = arith.constant 0 : i32
        %dma_start3A_96 = tpu.memref_slice %arg7[%add3A_94, %dma_start3A_95] : memref<40x128xi32, #tpu.memory_space<vmem>> -> memref<1x128xi32, #tpu.memory_space<vmem>>
        %dma_start3A_97 = tpu.memref_squeeze %dma_start3A_96 : memref<1x128xi32, #tpu.memory_space<vmem>> -> memref<128xi32, #tpu.memory_space<vmem>>
        %dma_start3A_98 = arith.constant 0 : i32
        %dma_start3A_99 = arith.constant 0 : i32
        %dma_start3A_100 = tpu.memref_slice %arg2[%dma_start3A_98, %dma_start3A_99] : memref<10000x128xf32, #tpu.memory_space<hbm>> -> memref<10000x128xf32, #tpu.memory_space<hbm>>
        tpu.enqueue_indirect_dma source(%dma_start3A_100 : memref<10000x128xf32, #tpu.memory_space<hbm>>) target(%arg10 : memref<128x128xf32, #tpu.memory_space<vmem>>) offsets(%dma_start3A_97 : memref<128xi32, #tpu.memory_space<vmem>>) semaphore(%arg13 : memref<!tpu.dma_semaphore, #tpu.memory_space<semaphore_mem>>)
      } else {
      }
    }
    %scan3A_33 = arith.constant 20 : i32
    %mul3A_34 = arith.constant 80 : i32
    %mul3A_35 = arith.muli %add3A, %mul3A_34 : i32
    %add3A_36 = arith.constant 40 : i32
    %add3A_37 = arith.addi %mul3A_35, %add3A_36 : i32
    "tpu.region"() ({
      %run_scoped3A = tpu.sem_alloc : memref<!tpu.dma_semaphore, #tpu.memory_space<semaphore_mem>>
      %dma_start3A_63 = arith.constant 0 : i32
      %dma_start3A_64 = tpu.memref_slice %arg3[%add3A_37, %dma_start3A_63] : memref<2560x128xi32, #tpu.memory_space<hbm>> -> memref<40x128xi32, #tpu.memory_space<hbm>>
      %dma_start3A_65 = arith.constant 0 : i32
      %dma_start3A_66 = tpu.memref_slice %arg3[%add3A_37, %dma_start3A_65] : memref<2560x128xi32, #tpu.memory_space<hbm>> -> memref<40x128xi32, #tpu.memory_space<hbm>>
      tpu.enqueue_dma source(%dma_start3A_66 : memref<40x128xi32, #tpu.memory_space<hbm>>) target(%arg7 : memref<40x128xi32, #tpu.memory_space<vmem>>) target_semaphore(%run_scoped3A : memref<!tpu.dma_semaphore, #tpu.memory_space<semaphore_mem>>)
      %dma_wait3A_67 = arith.constant 0 : i32
      %dma_wait3A_68 = tpu.memref_slice %arg3[%add3A_37, %dma_wait3A_67] : memref<2560x128xi32, #tpu.memory_space<hbm>> -> memref<40x128xi32, #tpu.memory_space<hbm>>
      %dma_wait3A_69 = arith.constant 0 : i32
      %dma_wait3A_70 = tpu.memref_slice %arg3[%add3A_37, %dma_wait3A_69] : memref<2560x128xi32, #tpu.memory_space<hbm>> -> memref<40x128xi32, #tpu.memory_space<hbm>>
      tpu.wait_dma2 semaphore(%run_scoped3A : memref<!tpu.dma_semaphore, #tpu.memory_space<semaphore_mem>>) src(%dma_wait3A_70 : memref<40x128xi32, #tpu.memory_space<hbm>>) dst(%arg7 : memref<40x128xi32, #tpu.memory_space<vmem>>)
      tpu.yield
    }) : () -> ()
    "tpu.region"() ({
      %run_scoped3A = tpu.sem_alloc : memref<!tpu.dma_semaphore, #tpu.memory_space<semaphore_mem>>
      %dma_start3A_63 = arith.constant 0 : i32
      %dma_start3A_64 = tpu.memref_slice %arg4[%add3A_37, %dma_start3A_63] : memref<2560x128xi32, #tpu.memory_space<hbm>> -> memref<40x128xi32, #tpu.memory_space<hbm>>
      %dma_start3A_65 = arith.constant 0 : i32
      %dma_start3A_66 = tpu.memref_slice %arg4[%add3A_37, %dma_start3A_65] : memref<2560x128xi32, #tpu.memory_space<hbm>> -> memref<40x128xi32, #tpu.memory_space<hbm>>
      tpu.enqueue_dma source(%dma_start3A_66 : memref<40x128xi32, #tpu.memory_space<hbm>>) target(%arg8 : memref<40x128xi32, #tpu.memory_space<vmem>>) target_semaphore(%run_scoped3A : memref<!tpu.dma_semaphore, #tpu.memory_space<semaphore_mem>>)
      %dma_wait3A_67 = arith.constant 0 : i32
      %dma_wait3A_68 = tpu.memref_slice %arg4[%add3A_37, %dma_wait3A_67] : memref<2560x128xi32, #tpu.memory_space<hbm>> -> memref<40x128xi32, #tpu.memory_space<hbm>>
      %dma_wait3A_69 = arith.constant 0 : i32
      %dma_wait3A_70 = tpu.memref_slice %arg4[%add3A_37, %dma_wait3A_69] : memref<2560x128xi32, #tpu.memory_space<hbm>> -> memref<40x128xi32, #tpu.memory_space<hbm>>
      tpu.wait_dma2 semaphore(%run_scoped3A : memref<!tpu.dma_semaphore, #tpu.memory_space<semaphore_mem>>) src(%dma_wait3A_70 : memref<40x128xi32, #tpu.memory_space<hbm>>) dst(%arg8 : memref<40x128xi32, #tpu.memory_space<vmem>>)
      tpu.yield
    }) : () -> ()
    %dma_start3A_38 = arith.constant 0 : i32
    %dma_start3A_39 = arith.constant 0 : i32
    %dma_start3A_40 = tpu.memref_slice %arg7[%dma_start3A_38, %dma_start3A_39] : memref<40x128xi32, #tpu.memory_space<vmem>> -> memref<1x128xi32, #tpu.memory_space<vmem>>
    %dma_start3A_41 = tpu.memref_squeeze %dma_start3A_40 : memref<1x128xi32, #tpu.memory_space<vmem>> -> memref<128xi32, #tpu.memory_space<vmem>>
    %dma_start3A_42 = arith.constant 0 : i32
    %dma_start3A_43 = arith.constant 0 : i32
    %dma_start3A_44 = tpu.memref_slice %arg2[%dma_start3A_42, %dma_start3A_43] : memref<10000x128xf32, #tpu.memory_space<hbm>> -> memref<10000x128xf32, #tpu.memory_space<hbm>>
    tpu.enqueue_indirect_dma source(%dma_start3A_44 : memref<10000x128xf32, #tpu.memory_space<hbm>>) target(%arg9 : memref<128x128xf32, #tpu.memory_space<vmem>>) offsets(%dma_start3A_41 : memref<128xi32, #tpu.memory_space<vmem>>) semaphore(%arg12 : memref<!tpu.dma_semaphore, #tpu.memory_space<semaphore_mem>>)
    %dma_start3A_45 = arith.constant 1 : i32
    %dma_start3A_46 = arith.constant 0 : i32
    %dma_start3A_47 = tpu.memref_slice %arg7[%dma_start3A_45, %dma_start3A_46] : memref<40x128xi32, #tpu.memory_space<vmem>> -> memref<1x128xi32, #tpu.memory_space<vmem>>
    %dma_start3A_48 = tpu.memref_squeeze %dma_start3A_47 : memref<1x128xi32, #tpu.memory_space<vmem>> -> memref<128xi32, #tpu.memory_space<vmem>>
    %dma_start3A_49 = arith.constant 0 : i32
    %dma_start3A_50 = arith.constant 0 : i32
    %dma_start3A_51 = tpu.memref_slice %arg2[%dma_start3A_49, %dma_start3A_50] : memref<10000x128xf32, #tpu.memory_space<hbm>> -> memref<10000x128xf32, #tpu.memory_space<hbm>>
    tpu.enqueue_indirect_dma source(%dma_start3A_51 : memref<10000x128xf32, #tpu.memory_space<hbm>>) target(%arg10 : memref<128x128xf32, #tpu.memory_space<vmem>>) offsets(%dma_start3A_48 : memref<128xi32, #tpu.memory_space<vmem>>) semaphore(%arg13 : memref<!tpu.dma_semaphore, #tpu.memory_space<semaphore_mem>>)
    %scan3A_52 = arith.constant 0 : i32
    %scan3A_53 = arith.constant 0 : i32
    %scan3A_54 = arith.constant 20 : i32
    %scan3A_55 = arith.addi %scan3A_53, %scan3A_54 : i32
    %scan3A_56 = arith.constant 1 : i32
    scf.for %scan3A_63 = %scan3A_53 to %scan3A_55 step %scan3A_56  : i32 {
      %mul3A_64 = arith.constant 2 : i32
      %mul3A_65 = arith.muli %mul3A_64, %scan3A_63 : i32
      %dma_wait3A_66 = arith.constant 0 : i32
      %dma_wait3A_67 = tpu.memref_slice %arg7[%mul3A_65, %dma_wait3A_66] : memref<40x128xi32, #tpu.memory_space<vmem>> -> memref<1x128xi32, #tpu.memory_space<vmem>>
      %dma_wait3A_68 = tpu.memref_squeeze %dma_wait3A_67 : memref<1x128xi32, #tpu.memory_space<vmem>> -> memref<128xi32, #tpu.memory_space<vmem>>
      %dma_wait3A_69 = arith.constant 0 : i32
      %dma_wait3A_70 = arith.constant 0 : i32
      %dma_wait3A_71 = tpu.memref_slice %arg2[%dma_wait3A_69, %dma_wait3A_70] : memref<10000x128xf32, #tpu.memory_space<hbm>> -> memref<10000x128xf32, #tpu.memory_space<hbm>>
      tpu.wait_indirect_dma semaphore(%arg12 : memref<!tpu.dma_semaphore, #tpu.memory_space<semaphore_mem>>) src(%dma_wait3A_71 : memref<10000x128xf32, #tpu.memory_space<hbm>>) dst(%arg9 : memref<128x128xf32, #tpu.memory_space<vmem>>)
      "tpu.region"() ({
        %run_scoped3A = tpu.sem_alloc : memref<!tpu.dma_semaphore, #tpu.memory_space<semaphore_mem>>
        %dma_start3A_93 = arith.constant 0 : i32
        %dma_start3A_94 = tpu.memref_slice %arg8[%mul3A_65, %dma_start3A_93] : memref<40x128xi32, #tpu.memory_space<vmem>> -> memref<1x128xi32, #tpu.memory_space<vmem>>
        %dma_start3A_95 = tpu.memref_squeeze %dma_start3A_94 : memref<1x128xi32, #tpu.memory_space<vmem>> -> memref<128xi32, #tpu.memory_space<vmem>>
        %dma_start3A_96 = arith.constant 0 : i32
        %dma_start3A_97 = arith.constant 0 : i32
        %dma_start3A_98 = tpu.memref_slice %arg11[%dma_start3A_96, %dma_start3A_97] : memref<10240x128xf32, #tpu.memory_space<vmem_shared>> -> memref<10240x128xf32, #tpu.memory_space<vmem_shared>>
        tpu.enqueue_indirect_dma source(%arg9 : memref<128x128xf32, #tpu.memory_space<vmem>>) target(%dma_start3A_98 : memref<10240x128xf32, #tpu.memory_space<vmem_shared>>) offsets(%dma_start3A_95 : memref<128xi32, #tpu.memory_space<vmem>>) semaphore(%run_scoped3A : memref<!tpu.dma_semaphore, #tpu.memory_space<semaphore_mem>>) {add = true}
        %dma_wait3A_99 = arith.constant 0 : i32
        %dma_wait3A_100 = tpu.memref_slice %arg8[%mul3A_65, %dma_wait3A_99] : memref<40x128xi32, #tpu.memory_space<vmem>> -> memref<1x128xi32, #tpu.memory_space<vmem>>
        %dma_wait3A_101 = tpu.memref_squeeze %dma_wait3A_100 : memref<1x128xi32, #tpu.memory_space<vmem>> -> memref<128xi32, #tpu.memory_space<vmem>>
        %dma_wait3A_102 = arith.constant 0 : i32
        %dma_wait3A_103 = arith.constant 0 : i32
        %dma_wait3A_104 = tpu.memref_slice %arg11[%dma_wait3A_102, %dma_wait3A_103] : memref<10240x128xf32, #tpu.memory_space<vmem_shared>> -> memref<10240x128xf32, #tpu.memory_space<vmem_shared>>
        tpu.wait_indirect_dma semaphore(%run_scoped3A : memref<!tpu.dma_semaphore, #tpu.memory_space<semaphore_mem>>) src(%arg9 : memref<128x128xf32, #tpu.memory_space<vmem>>) dst(%dma_wait3A_104 : memref<10240x128xf32, #tpu.memory_space<vmem_shared>>)
        tpu.yield
      }) : () -> ()
      %add3A_72 = arith.constant 2 : i32
      %add3A_73 = arith.addi %mul3A_65, %add3A_72 : i32
      %lt3A = arith.constant 40 : i32
      %lt3A_74 = arith.cmpi slt, %add3A_73, %lt3A : i32
      %convert_element_type3A = arith.extui %lt3A_74 : i1 to i32
      %cond3A = arith.constant 0 : i32
      %cond3A_75 = arith.cmpi ne, %convert_element_type3A, %cond3A : i32
      scf.if %cond3A_75 {
        %add3A_93 = arith.constant 2 : i32
        %add3A_94 = arith.addi %mul3A_65, %add3A_93 : i32
        %dma_start3A_95 = arith.constant 0 : i32
        %dma_start3A_96 = tpu.memref_slice %arg7[%add3A_94, %dma_start3A_95] : memref<40x128xi32, #tpu.memory_space<vmem>> -> memref<1x128xi32, #tpu.memory_space<vmem>>
        %dma_start3A_97 = tpu.memref_squeeze %dma_start3A_96 : memref<1x128xi32, #tpu.memory_space<vmem>> -> memref<128xi32, #tpu.memory_space<vmem>>
        %dma_start3A_98 = arith.constant 0 : i32
        %dma_start3A_99 = arith.constant 0 : i32
        %dma_start3A_100 = tpu.memref_slice %arg2[%dma_start3A_98, %dma_start3A_99] : memref<10000x128xf32, #tpu.memory_space<hbm>> -> memref<10000x128xf32, #tpu.memory_space<hbm>>
        tpu.enqueue_indirect_dma source(%dma_start3A_100 : memref<10000x128xf32, #tpu.memory_space<hbm>>) target(%arg9 : memref<128x128xf32, #tpu.memory_space<vmem>>) offsets(%dma_start3A_97 : memref<128xi32, #tpu.memory_space<vmem>>) semaphore(%arg12 : memref<!tpu.dma_semaphore, #tpu.memory_space<semaphore_mem>>)
      } else {
      }
      %add3A_76 = arith.constant 1 : i32
      %add3A_77 = arith.addi %mul3A_65, %add3A_76 : i32
      %dma_wait3A_78 = arith.constant 0 : i32
      %dma_wait3A_79 = tpu.memref_slice %arg7[%add3A_77, %dma_wait3A_78] : memref<40x128xi32, #tpu.memory_space<vmem>> -> memref<1x128xi32, #tpu.memory_space<vmem>>
      %dma_wait3A_80 = tpu.memref_squeeze %dma_wait3A_79 : memref<1x128xi32, #tpu.memory_space<vmem>> -> memref<128xi32, #tpu.memory_space<vmem>>
      %dma_wait3A_81 = arith.constant 0 : i32
      %dma_wait3A_82 = arith.constant 0 : i32
      %dma_wait3A_83 = tpu.memref_slice %arg2[%dma_wait3A_81, %dma_wait3A_82] : memref<10000x128xf32, #tpu.memory_space<hbm>> -> memref<10000x128xf32, #tpu.memory_space<hbm>>
      tpu.wait_indirect_dma semaphore(%arg13 : memref<!tpu.dma_semaphore, #tpu.memory_space<semaphore_mem>>) src(%dma_wait3A_83 : memref<10000x128xf32, #tpu.memory_space<hbm>>) dst(%arg10 : memref<128x128xf32, #tpu.memory_space<vmem>>)
      %add3A_84 = arith.constant 1 : i32
      %add3A_85 = arith.addi %mul3A_65, %add3A_84 : i32
      "tpu.region"() ({
        %run_scoped3A = tpu.sem_alloc : memref<!tpu.dma_semaphore, #tpu.memory_space<semaphore_mem>>
        %dma_start3A_93 = arith.constant 0 : i32
        %dma_start3A_94 = tpu.memref_slice %arg8[%add3A_85, %dma_start3A_93] : memref<40x128xi32, #tpu.memory_space<vmem>> -> memref<1x128xi32, #tpu.memory_space<vmem>>
        %dma_start3A_95 = tpu.memref_squeeze %dma_start3A_94 : memref<1x128xi32, #tpu.memory_space<vmem>> -> memref<128xi32, #tpu.memory_space<vmem>>
        %dma_start3A_96 = arith.constant 0 : i32
        %dma_start3A_97 = arith.constant 0 : i32
        %dma_start3A_98 = tpu.memref_slice %arg11[%dma_start3A_96, %dma_start3A_97] : memref<10240x128xf32, #tpu.memory_space<vmem_shared>> -> memref<10240x128xf32, #tpu.memory_space<vmem_shared>>
        tpu.enqueue_indirect_dma source(%arg10 : memref<128x128xf32, #tpu.memory_space<vmem>>) target(%dma_start3A_98 : memref<10240x128xf32, #tpu.memory_space<vmem_shared>>) offsets(%dma_start3A_95 : memref<128xi32, #tpu.memory_space<vmem>>) semaphore(%run_scoped3A : memref<!tpu.dma_semaphore, #tpu.memory_space<semaphore_mem>>) {add = true}
        %dma_wait3A_99 = arith.constant 0 : i32
        %dma_wait3A_100 = tpu.memref_slice %arg8[%add3A_85, %dma_wait3A_99] : memref<40x128xi32, #tpu.memory_space<vmem>> -> memref<1x128xi32, #tpu.memory_space<vmem>>
        %dma_wait3A_101 = tpu.memref_squeeze %dma_wait3A_100 : memref<1x128xi32, #tpu.memory_space<vmem>> -> memref<128xi32, #tpu.memory_space<vmem>>
        %dma_wait3A_102 = arith.constant 0 : i32
        %dma_wait3A_103 = arith.constant 0 : i32
        %dma_wait3A_104 = tpu.memref_slice %arg11[%dma_wait3A_102, %dma_wait3A_103] : memref<10240x128xf32, #tpu.memory_space<vmem_shared>> -> memref<10240x128xf32, #tpu.memory_space<vmem_shared>>
        tpu.wait_indirect_dma semaphore(%run_scoped3A : memref<!tpu.dma_semaphore, #tpu.memory_space<semaphore_mem>>) src(%arg10 : memref<128x128xf32, #tpu.memory_space<vmem>>) dst(%dma_wait3A_104 : memref<10240x128xf32, #tpu.memory_space<vmem_shared>>)
        tpu.yield
      }) : () -> ()
      %add3A_86 = arith.constant 3 : i32
      %add3A_87 = arith.addi %mul3A_65, %add3A_86 : i32
      %lt3A_88 = arith.constant 40 : i32
      %lt3A_89 = arith.cmpi slt, %add3A_87, %lt3A_88 : i32
      %convert_element_type3A_90 = arith.extui %lt3A_89 : i1 to i32
      %cond3A_91 = arith.constant 0 : i32
      %cond3A_92 = arith.cmpi ne, %convert_element_type3A_90, %cond3A_91 : i32
      scf.if %cond3A_92 {
        %add3A_93 = arith.constant 3 : i32
        %add3A_94 = arith.addi %mul3A_65, %add3A_93 : i32
        %dma_start3A_95 = arith.constant 0 : i32
        %dma_start3A_96 = tpu.memref_slice %arg7[%add3A_94, %dma_start3A_95] : memref<40x128xi32, #tpu.memory_space<vmem>> -> memref<1x128xi32, #tpu.memory_space<vmem>>
        %dma_start3A_97 = tpu.memref_squeeze %dma_start3A_96 : memref<1x128xi32, #tpu.memory_space<vmem>> -> memref<128xi32, #tpu.memory_space<vmem>>
        %dma_start3A_98 = arith.constant 0 : i32
        %dma_start3A_99 = arith.constant 0 : i32
        %dma_start3A_100 = tpu.memref_slice %arg2[%dma_start3A_98, %dma_start3A_99] : memref<10000x128xf32, #tpu.memory_space<hbm>> -> memref<10000x128xf32, #tpu.memory_space<hbm>>
        tpu.enqueue_indirect_dma source(%dma_start3A_100 : memref<10000x128xf32, #tpu.memory_space<hbm>>) target(%arg10 : memref<128x128xf32, #tpu.memory_space<vmem>>) offsets(%dma_start3A_97 : memref<128xi32, #tpu.memory_space<vmem>>) semaphore(%arg13 : memref<!tpu.dma_semaphore, #tpu.memory_space<semaphore_mem>>)
      } else {
      }
    }
    %scan3A_57 = arith.constant 20 : i32
    %barrier3A_58 = arith.constant 0 : index
    tpu.barrier barrier_id(%barrier3A_58)
    %mul3A_59 = arith.constant 640 : i32
    %mul3A_60 = arith.muli %arg1, %mul3A_59 : i32
    %mul3A_61 = arith.constant 640 : i32
    %mul3A_62 = arith.muli %arg1, %mul3A_61 : i32
    "tpu.region"() ({
      %run_scoped3A = tpu.sem_alloc : memref<!tpu.dma_semaphore, #tpu.memory_space<semaphore_mem>>
      %dma_start3A_63 = arith.constant 0 : i32
      %dma_start3A_64 = tpu.memref_slice %arg6[%arg0, %mul3A_62, %dma_start3A_63] : memref<2x10240x128xf32, #tpu.memory_space<hbm>> -> memref<1x640x128xf32, #tpu.memory_space<hbm>>
      %dma_start3A_65 = tpu.memref_squeeze %dma_start3A_64 : memref<1x640x128xf32, #tpu.memory_space<hbm>> -> memref<640x128xf32, #tpu.memory_space<hbm>>
      %dma_start3A_66 = arith.constant 0 : i32
      %dma_start3A_67 = tpu.memref_slice %arg11[%mul3A_60, %dma_start3A_66] : memref<10240x128xf32, #tpu.memory_space<vmem_shared>> -> memref<640x128xf32, #tpu.memory_space<vmem_shared>>
      tpu.enqueue_dma source(%dma_start3A_67 : memref<640x128xf32, #tpu.memory_space<vmem_shared>>) target(%dma_start3A_65 : memref<640x128xf32, #tpu.memory_space<hbm>>) target_semaphore(%run_scoped3A : memref<!tpu.dma_semaphore, #tpu.memory_space<semaphore_mem>>)
      %dma_wait3A_68 = arith.constant 0 : i32
      %dma_wait3A_69 = tpu.memref_slice %arg6[%arg0, %mul3A_62, %dma_wait3A_68] : memref<2x10240x128xf32, #tpu.memory_space<hbm>> -> memref<1x640x128xf32, #tpu.memory_space<hbm>>
      %dma_wait3A_70 = tpu.memref_squeeze %dma_wait3A_69 : memref<1x640x128xf32, #tpu.memory_space<hbm>> -> memref<640x128xf32, #tpu.memory_space<hbm>>
      %dma_wait3A_71 = arith.constant 0 : i32
      %dma_wait3A_72 = tpu.memref_slice %arg11[%mul3A_60, %dma_wait3A_71] : memref<10240x128xf32, #tpu.memory_space<vmem_shared>> -> memref<640x128xf32, #tpu.memory_space<vmem_shared>>
      tpu.wait_dma2 semaphore(%run_scoped3A : memref<!tpu.dma_semaphore, #tpu.memory_space<semaphore_mem>>) src(%dma_wait3A_72 : memref<640x128xf32, #tpu.memory_space<vmem_shared>>) dst(%dma_wait3A_70 : memref<640x128xf32, #tpu.memory_space<hbm>>)
      tpu.yield
    }) : () -> ()
    return
  }
}

#map = affine_map<(d0, d1) -> (0, 0)>
#map1 = affine_map<(d0, d1) -> (0, 0, 0)>
module attributes {stable_mosaic.version = 14 : i64} {
  func.func @k(%arg0: i32, %arg1: i32, %arg2: memref<10000x128xf32, #tpu.memory_space<hbm>>, %arg3: memref<2560x128xi32, #tpu.memory_space<hbm>>, %arg4: memref<2560x128xi32, #tpu.memory_space<hbm>>, %arg5: memref<10240x128xf32, #tpu.memory_space<hbm>>, %arg6: memref<2x10240x128xf32, #tpu.memory_space<hbm>>, %arg7: memref<40x128xi32, #tpu.memory_space<vmem>>, %arg8: memref<40x128xi32, #tpu.memory_space<vmem>>, %arg9: memref<128x128xf32, #tpu.memory_space<vmem>>, %arg10: memref<128x128xf32, #tpu.memory_space<vmem>>, %arg11: memref<10240x128xf32, #tpu.memory_space<vmem_shared>>, %arg12: memref<!tpu.dma_semaphore, #tpu.memory_space<semaphore_mem>>, %arg13: memref<!tpu.dma_semaphore, #tpu.memory_space<semaphore_mem>>, %arg14: memref<!tpu.dma_semaphore, #tpu.memory_space<semaphore_mem>>) attributes {dimension_semantics = [#tpu.dimension_semantics<core_parallel>, #tpu.dimension_semantics<subcore_parallel>], iteration_bounds = array<i64: 2, 16>, scalar_prefetch = 0 : i64, scratch_operands = 8 : i64, tpu.core_type = #tpu.core_type<sc_vector_subcore>, window_params = [{transform_indices = #map}, {transform_indices = #map}, {transform_indices = #map}, {transform_indices = #map}, {transform_indices = #map1}]} {
    %mul3A = arith.constant 2 : i32
    %mul3A_0 = arith.muli %arg1, %mul3A : i32
    %add3A = arith.addi %mul3A_0, %arg0 : i32
    %mul3A_1 = arith.constant 640 : i32
    %mul3A_2 = arith.muli %arg1, %mul3A_1 : i32
    %mul3A_3 = arith.constant 640 : i32
    %mul3A_4 = arith.muli %arg1, %mul3A_3 : i32
    %dma_start3A = arith.constant 0 : i32
    %dma_start3A_5 = tpu.memref_slice %arg11[%mul3A_4, %dma_start3A] : memref<10240x128xf32, #tpu.memory_space<vmem_shared>> -> memref<640x128xf32, #tpu.memory_space<vmem_shared>>
    %dma_start3A_6 = arith.constant 0 : i32
    %dma_start3A_7 = tpu.memref_slice %arg5[%mul3A_2, %dma_start3A_6] : memref<10240x128xf32, #tpu.memory_space<hbm>> -> memref<640x128xf32, #tpu.memory_space<hbm>>
    tpu.enqueue_dma source(%dma_start3A_7 : memref<640x128xf32, #tpu.memory_space<hbm>>) target(%dma_start3A_5 : memref<640x128xf32, #tpu.memory_space<vmem_shared>>) target_semaphore(%arg14 : memref<!tpu.dma_semaphore, #tpu.memory_space<semaphore_mem>>)
    %mul3A_8 = arith.constant 80 : i32
    %mul3A_9 = arith.muli %add3A, %mul3A_8 : i32
    %add3A_10 = arith.constant 0 : i32
    %add3A_11 = arith.addi %mul3A_9, %add3A_10 : i32
    "tpu.region"() ({
      %run_scoped3A = tpu.sem_alloc : memref<!tpu.dma_semaphore, #tpu.memory_space<semaphore_mem>>
      %dma_start3A_63 = arith.constant 0 : i32
      %dma_start3A_64 = tpu.memref_slice %arg3[%add3A_11, %dma_start3A_63] : memref<2560x128xi32, #tpu.memory_space<hbm>> -> memref<40x128xi32, #tpu.memory_space<hbm>>
      %dma_start3A_65 = arith.constant 0 : i32
      %dma_start3A_66 = tpu.memref_slice %arg3[%add3A_11, %dma_start3A_65] : memref<2560x128xi32, #tpu.memory_space<hbm>> -> memref<40x128xi32, #tpu.memory_space<hbm>>
      tpu.enqueue_dma source(%dma_start3A_66 : memref<40x128xi32, #tpu.memory_space<hbm>>) target(%arg7 : memref<40x128xi32, #tpu.memory_space<vmem>>) target_semaphore(%run_scoped3A : memref<!tpu.dma_semaphore, #tpu.memory_space<semaphore_mem>>)
      %dma_wait3A_67 = arith.constant 0 : i32
      %dma_wait3A_68 = tpu.memref_slice %arg3[%add3A_11, %dma_wait3A_67] : memref<2560x128xi32, #tpu.memory_space<hbm>> -> memref<40x128xi32, #tpu.memory_space<hbm>>
      %dma_wait3A_69 = arith.constant 0 : i32
      %dma_wait3A_70 = tpu.memref_slice %arg3[%add3A_11, %dma_wait3A_69] : memref<2560x128xi32, #tpu.memory_space<hbm>> -> memref<40x128xi32, #tpu.memory_space<hbm>>
      tpu.wait_dma2 semaphore(%run_scoped3A : memref<!tpu.dma_semaphore, #tpu.memory_space<semaphore_mem>>) src(%dma_wait3A_70 : memref<40x128xi32, #tpu.memory_space<hbm>>) dst(%arg7 : memref<40x128xi32, #tpu.memory_space<vmem>>)
      tpu.yield
    }) : () -> ()
    "tpu.region"() ({
      %run_scoped3A = tpu.sem_alloc : memref<!tpu.dma_semaphore, #tpu.memory_space<semaphore_mem>>
      %dma_start3A_63 = arith.constant 0 : i32
      %dma_start3A_64 = tpu.memref_slice %arg4[%add3A_11, %dma_start3A_63] : memref<2560x128xi32, #tpu.memory_space<hbm>> -> memref<40x128xi32, #tpu.memory_space<hbm>>
      %dma_start3A_65 = arith.constant 0 : i32
      %dma_start3A_66 = tpu.memref_slice %arg4[%add3A_11, %dma_start3A_65] : memref<2560x128xi32, #tpu.memory_space<hbm>> -> memref<40x128xi32, #tpu.memory_space<hbm>>
      tpu.enqueue_dma source(%dma_start3A_66 : memref<40x128xi32, #tpu.memory_space<hbm>>) target(%arg8 : memref<40x128xi32, #tpu.memory_space<vmem>>) target_semaphore(%run_scoped3A : memref<!tpu.dma_semaphore, #tpu.memory_space<semaphore_mem>>)
      %dma_wait3A_67 = arith.constant 0 : i32
      %dma_wait3A_68 = tpu.memref_slice %arg4[%add3A_11, %dma_wait3A_67] : memref<2560x128xi32, #tpu.memory_space<hbm>> -> memref<40x128xi32, #tpu.memory_space<hbm>>
      %dma_wait3A_69 = arith.constant 0 : i32
      %dma_wait3A_70 = tpu.memref_slice %arg4[%add3A_11, %dma_wait3A_69] : memref<2560x128xi32, #tpu.memory_space<hbm>> -> memref<40x128xi32, #tpu.memory_space<hbm>>
      tpu.wait_dma2 semaphore(%run_scoped3A : memref<!tpu.dma_semaphore, #tpu.memory_space<semaphore_mem>>) src(%dma_wait3A_70 : memref<40x128xi32, #tpu.memory_space<hbm>>) dst(%arg8 : memref<40x128xi32, #tpu.memory_space<vmem>>)
      tpu.yield
    }) : () -> ()
    %dma_start3A_12 = arith.constant 0 : i32
    %dma_start3A_13 = arith.constant 0 : i32
    %dma_start3A_14 = tpu.memref_slice %arg7[%dma_start3A_12, %dma_start3A_13] : memref<40x128xi32, #tpu.memory_space<vmem>> -> memref<1x128xi32, #tpu.memory_space<vmem>>
    %dma_start3A_15 = tpu.memref_squeeze %dma_start3A_14 : memref<1x128xi32, #tpu.memory_space<vmem>> -> memref<128xi32, #tpu.memory_space<vmem>>
    %dma_start3A_16 = arith.constant 0 : i32
    %dma_start3A_17 = arith.constant 0 : i32
    %dma_start3A_18 = tpu.memref_slice %arg2[%dma_start3A_16, %dma_start3A_17] : memref<10000x128xf32, #tpu.memory_space<hbm>> -> memref<10000x128xf32, #tpu.memory_space<hbm>>
    tpu.enqueue_indirect_dma source(%dma_start3A_18 : memref<10000x128xf32, #tpu.memory_space<hbm>>) target(%arg9 : memref<128x128xf32, #tpu.memory_space<vmem>>) offsets(%dma_start3A_15 : memref<128xi32, #tpu.memory_space<vmem>>) semaphore(%arg12 : memref<!tpu.dma_semaphore, #tpu.memory_space<semaphore_mem>>)
    %dma_start3A_19 = arith.constant 1 : i32
    %dma_start3A_20 = arith.constant 0 : i32
    %dma_start3A_21 = tpu.memref_slice %arg7[%dma_start3A_19, %dma_start3A_20] : memref<40x128xi32, #tpu.memory_space<vmem>> -> memref<1x128xi32, #tpu.memory_space<vmem>>
    %dma_start3A_22 = tpu.memref_squeeze %dma_start3A_21 : memref<1x128xi32, #tpu.memory_space<vmem>> -> memref<128xi32, #tpu.memory_space<vmem>>
    %dma_start3A_23 = arith.constant 0 : i32
    %dma_start3A_24 = arith.constant 0 : i32
    %dma_start3A_25 = tpu.memref_slice %arg2[%dma_start3A_23, %dma_start3A_24] : memref<10000x128xf32, #tpu.memory_space<hbm>> -> memref<10000x128xf32, #tpu.memory_space<hbm>>
    tpu.enqueue_indirect_dma source(%dma_start3A_25 : memref<10000x128xf32, #tpu.memory_space<hbm>>) target(%arg10 : memref<128x128xf32, #tpu.memory_space<vmem>>) offsets(%dma_start3A_22 : memref<128xi32, #tpu.memory_space<vmem>>) semaphore(%arg13 : memref<!tpu.dma_semaphore, #tpu.memory_space<semaphore_mem>>)
    %dma_wait3A = arith.constant 0 : i32
    %dma_wait3A_26 = tpu.memref_slice %arg11[%mul3A_4, %dma_wait3A] : memref<10240x128xf32, #tpu.memory_space<vmem_shared>> -> memref<640x128xf32, #tpu.memory_space<vmem_shared>>
    %dma_wait3A_27 = arith.constant 0 : i32
    %dma_wait3A_28 = tpu.memref_slice %arg5[%mul3A_2, %dma_wait3A_27] : memref<10240x128xf32, #tpu.memory_space<hbm>> -> memref<640x128xf32, #tpu.memory_space<hbm>>
    tpu.wait_dma2 semaphore(%arg14 : memref<!tpu.dma_semaphore, #tpu.memory_space<semaphore_mem>>) src(%dma_wait3A_28 : memref<640x128xf32, #tpu.memory_space<hbm>>) dst(%dma_wait3A_26 : memref<640x128xf32, #tpu.memory_space<vmem_shared>>)
    %barrier3A = arith.constant 0 : index
    tpu.barrier barrier_id(%barrier3A)
    %scan3A = arith.constant 0 : i32
    %scan3A_29 = arith.constant 0 : i32
    %scan3A_30 = arith.constant 20 : i32
    %scan3A_31 = arith.addi %scan3A_29, %scan3A_30 : i32
    %scan3A_32 = arith.constant 1 : i32
    scf.for %scan3A_63 = %scan3A_29 to %scan3A_31 step %scan3A_32  : i32 {
      %mul3A_64 = arith.constant 2 : i32
      %mul3A_65 = arith.muli %mul3A_64, %scan3A_63 : i32
      %dma_wait3A_66 = arith.constant 0 : i32
      %dma_wait3A_67 = tpu.memref_slice %arg7[%mul3A_65, %dma_wait3A_66] : memref<40x128xi32, #tpu.memory_space<vmem>> -> memref<1x128xi32, #tpu.memory_space<vmem>>
      %dma_wait3A_68 = tpu.memref_squeeze %dma_wait3A_67 : memref<1x128xi32, #tpu.memory_space<vmem>> -> memref<128xi32, #tpu.memory_space<vmem>>
      %dma_wait3A_69 = arith.constant 0 : i32
      %dma_wait3A_70 = arith.constant 0 : i32
      %dma_wait3A_71 = tpu.memref_slice %arg2[%dma_wait3A_69, %dma_wait3A_70] : memref<10000x128xf32, #tpu.memory_space<hbm>> -> memref<10000x128xf32, #tpu.memory_space<hbm>>
      tpu.wait_indirect_dma semaphore(%arg12 : memref<!tpu.dma_semaphore, #tpu.memory_space<semaphore_mem>>) src(%dma_wait3A_71 : memref<10000x128xf32, #tpu.memory_space<hbm>>) dst(%arg9 : memref<128x128xf32, #tpu.memory_space<vmem>>)
      "tpu.region"() ({
        %run_scoped3A = tpu.sem_alloc : memref<!tpu.dma_semaphore, #tpu.memory_space<semaphore_mem>>
        %dma_start3A_93 = arith.constant 0 : i32
        %dma_start3A_94 = tpu.memref_slice %arg8[%mul3A_65, %dma_start3A_93] : memref<40x128xi32, #tpu.memory_space<vmem>> -> memref<1x128xi32, #tpu.memory_space<vmem>>
        %dma_start3A_95 = tpu.memref_squeeze %dma_start3A_94 : memref<1x128xi32, #tpu.memory_space<vmem>> -> memref<128xi32, #tpu.memory_space<vmem>>
        %dma_start3A_96 = arith.constant 0 : i32
        %dma_start3A_97 = arith.constant 0 : i32
        %dma_start3A_98 = tpu.memref_slice %arg11[%dma_start3A_96, %dma_start3A_97] : memref<10240x128xf32, #tpu.memory_space<vmem_shared>> -> memref<10240x128xf32, #tpu.memory_space<vmem_shared>>
        tpu.enqueue_indirect_dma source(%arg9 : memref<128x128xf32, #tpu.memory_space<vmem>>) target(%dma_start3A_98 : memref<10240x128xf32, #tpu.memory_space<vmem_shared>>) offsets(%dma_start3A_95 : memref<128xi32, #tpu.memory_space<vmem>>) semaphore(%run_scoped3A : memref<!tpu.dma_semaphore, #tpu.memory_space<semaphore_mem>>) {add = true}
        %dma_wait3A_99 = arith.constant 0 : i32
        %dma_wait3A_100 = tpu.memref_slice %arg8[%mul3A_65, %dma_wait3A_99] : memref<40x128xi32, #tpu.memory_space<vmem>> -> memref<1x128xi32, #tpu.memory_space<vmem>>
        %dma_wait3A_101 = tpu.memref_squeeze %dma_wait3A_100 : memref<1x128xi32, #tpu.memory_space<vmem>> -> memref<128xi32, #tpu.memory_space<vmem>>
        %dma_wait3A_102 = arith.constant 0 : i32
        %dma_wait3A_103 = arith.constant 0 : i32
        %dma_wait3A_104 = tpu.memref_slice %arg11[%dma_wait3A_102, %dma_wait3A_103] : memref<10240x128xf32, #tpu.memory_space<vmem_shared>> -> memref<10240x128xf32, #tpu.memory_space<vmem_shared>>
        tpu.wait_indirect_dma semaphore(%run_scoped3A : memref<!tpu.dma_semaphore, #tpu.memory_space<semaphore_mem>>) src(%arg9 : memref<128x128xf32, #tpu.memory_space<vmem>>) dst(%dma_wait3A_104 : memref<10240x128xf32, #tpu.memory_space<vmem_shared>>)
        tpu.yield
      }) : () -> ()
      %add3A_72 = arith.constant 2 : i32
      %add3A_73 = arith.addi %mul3A_65, %add3A_72 : i32
      %lt3A = arith.constant 40 : i32
      %lt3A_74 = arith.cmpi slt, %add3A_73, %lt3A : i32
      %convert_element_type3A = arith.extui %lt3A_74 : i1 to i32
      %cond3A = arith.constant 0 : i32
      %cond3A_75 = arith.cmpi ne, %convert_element_type3A, %cond3A : i32
      scf.if %cond3A_75 {
        %add3A_93 = arith.constant 2 : i32
        %add3A_94 = arith.addi %mul3A_65, %add3A_93 : i32
        %dma_start3A_95 = arith.constant 0 : i32
        %dma_start3A_96 = tpu.memref_slice %arg7[%add3A_94, %dma_start3A_95] : memref<40x128xi32, #tpu.memory_space<vmem>> -> memref<1x128xi32, #tpu.memory_space<vmem>>
        %dma_start3A_97 = tpu.memref_squeeze %dma_start3A_96 : memref<1x128xi32, #tpu.memory_space<vmem>> -> memref<128xi32, #tpu.memory_space<vmem>>
        %dma_start3A_98 = arith.constant 0 : i32
        %dma_start3A_99 = arith.constant 0 : i32
        %dma_start3A_100 = tpu.memref_slice %arg2[%dma_start3A_98, %dma_start3A_99] : memref<10000x128xf32, #tpu.memory_space<hbm>> -> memref<10000x128xf32, #tpu.memory_space<hbm>>
        tpu.enqueue_indirect_dma source(%dma_start3A_100 : memref<10000x128xf32, #tpu.memory_space<hbm>>) target(%arg9 : memref<128x128xf32, #tpu.memory_space<vmem>>) offsets(%dma_start3A_97 : memref<128xi32, #tpu.memory_space<vmem>>) semaphore(%arg12 : memref<!tpu.dma_semaphore, #tpu.memory_space<semaphore_mem>>)
      } else {
      }
      %add3A_76 = arith.constant 1 : i32
      %add3A_77 = arith.addi %mul3A_65, %add3A_76 : i32
      %dma_wait3A_78 = arith.constant 0 : i32
      %dma_wait3A_79 = tpu.memref_slice %arg7[%add3A_77, %dma_wait3A_78] : memref<40x128xi32, #tpu.memory_space<vmem>> -> memref<1x128xi32, #tpu.memory_space<vmem>>
      %dma_wait3A_80 = tpu.memref_squeeze %dma_wait3A_79 : memref<1x128xi32, #tpu.memory_space<vmem>> -> memref<128xi32, #tpu.memory_space<vmem>>
      %dma_wait3A_81 = arith.constant 0 : i32
      %dma_wait3A_82 = arith.constant 0 : i32
      %dma_wait3A_83 = tpu.memref_slice %arg2[%dma_wait3A_81, %dma_wait3A_82] : memref<10000x128xf32, #tpu.memory_space<hbm>> -> memref<10000x128xf32, #tpu.memory_space<hbm>>
      tpu.wait_indirect_dma semaphore(%arg13 : memref<!tpu.dma_semaphore, #tpu.memory_space<semaphore_mem>>) src(%dma_wait3A_83 : memref<10000x128xf32, #tpu.memory_space<hbm>>) dst(%arg10 : memref<128x128xf32, #tpu.memory_space<vmem>>)
      %add3A_84 = arith.constant 1 : i32
      %add3A_85 = arith.addi %mul3A_65, %add3A_84 : i32
      "tpu.region"() ({
        %run_scoped3A = tpu.sem_alloc : memref<!tpu.dma_semaphore, #tpu.memory_space<semaphore_mem>>
        %dma_start3A_93 = arith.constant 0 : i32
        %dma_start3A_94 = tpu.memref_slice %arg8[%add3A_85, %dma_start3A_93] : memref<40x128xi32, #tpu.memory_space<vmem>> -> memref<1x128xi32, #tpu.memory_space<vmem>>
        %dma_start3A_95 = tpu.memref_squeeze %dma_start3A_94 : memref<1x128xi32, #tpu.memory_space<vmem>> -> memref<128xi32, #tpu.memory_space<vmem>>
        %dma_start3A_96 = arith.constant 0 : i32
        %dma_start3A_97 = arith.constant 0 : i32
        %dma_start3A_98 = tpu.memref_slice %arg11[%dma_start3A_96, %dma_start3A_97] : memref<10240x128xf32, #tpu.memory_space<vmem_shared>> -> memref<10240x128xf32, #tpu.memory_space<vmem_shared>>
        tpu.enqueue_indirect_dma source(%arg10 : memref<128x128xf32, #tpu.memory_space<vmem>>) target(%dma_start3A_98 : memref<10240x128xf32, #tpu.memory_space<vmem_shared>>) offsets(%dma_start3A_95 : memref<128xi32, #tpu.memory_space<vmem>>) semaphore(%run_scoped3A : memref<!tpu.dma_semaphore, #tpu.memory_space<semaphore_mem>>) {add = true}
        %dma_wait3A_99 = arith.constant 0 : i32
        %dma_wait3A_100 = tpu.memref_slice %arg8[%add3A_85, %dma_wait3A_99] : memref<40x128xi32, #tpu.memory_space<vmem>> -> memref<1x128xi32, #tpu.memory_space<vmem>>
        %dma_wait3A_101 = tpu.memref_squeeze %dma_wait3A_100 : memref<1x128xi32, #tpu.memory_space<vmem>> -> memref<128xi32, #tpu.memory_space<vmem>>
        %dma_wait3A_102 = arith.constant 0 : i32
        %dma_wait3A_103 = arith.constant 0 : i32
        %dma_wait3A_104 = tpu.memref_slice %arg11[%dma_wait3A_102, %dma_wait3A_103] : memref<10240x128xf32, #tpu.memory_space<vmem_shared>> -> memref<10240x128xf32, #tpu.memory_space<vmem_shared>>
        tpu.wait_indirect_dma semaphore(%run_scoped3A : memref<!tpu.dma_semaphore, #tpu.memory_space<semaphore_mem>>) src(%arg10 : memref<128x128xf32, #tpu.memory_space<vmem>>) dst(%dma_wait3A_104 : memref<10240x128xf32, #tpu.memory_space<vmem_shared>>)
        tpu.yield
      }) : () -> ()
      %add3A_86 = arith.constant 3 : i32
      %add3A_87 = arith.addi %mul3A_65, %add3A_86 : i32
      %lt3A_88 = arith.constant 40 : i32
      %lt3A_89 = arith.cmpi slt, %add3A_87, %lt3A_88 : i32
      %convert_element_type3A_90 = arith.extui %lt3A_89 : i1 to i32
      %cond3A_91 = arith.constant 0 : i32
      %cond3A_92 = arith.cmpi ne, %convert_element_type3A_90, %cond3A_91 : i32
      scf.if %cond3A_92 {
        %add3A_93 = arith.constant 3 : i32
        %add3A_94 = arith.addi %mul3A_65, %add3A_93 : i32
        %dma_start3A_95 = arith.constant 0 : i32
        %dma_start3A_96 = tpu.memref_slice %arg7[%add3A_94, %dma_start3A_95] : memref<40x128xi32, #tpu.memory_space<vmem>> -> memref<1x128xi32, #tpu.memory_space<vmem>>
        %dma_start3A_97 = tpu.memref_squeeze %dma_start3A_96 : memref<1x128xi32, #tpu.memory_space<vmem>> -> memref<128xi32, #tpu.memory_space<vmem>>
        %dma_start3A_98 = arith.constant 0 : i32
        %dma_start3A_99 = arith.constant 0 : i32
        %dma_start3A_100 = tpu.memref_slice %arg2[%dma_start3A_98, %dma_start3A_99] : memref<10000x128xf32, #tpu.memory_space<hbm>> -> memref<10000x128xf32, #tpu.memory_space<hbm>>
        tpu.enqueue_indirect_dma source(%dma_start3A_100 : memref<10000x128xf32, #tpu.memory_space<hbm>>) target(%arg10 : memref<128x128xf32, #tpu.memory_space<vmem>>) offsets(%dma_start3A_97 : memref<128xi32, #tpu.memory_space<vmem>>) semaphore(%arg13 : memref<!tpu.dma_semaphore, #tpu.memory_space<semaphore_mem>>)
      } else {
      }
    }
    %scan3A_33 = arith.constant 20 : i32
    %mul3A_34 = arith.constant 80 : i32
    %mul3A_35 = arith.muli %add3A, %mul3A_34 : i32
    %add3A_36 = arith.constant 40 : i32
    %add3A_37 = arith.addi %mul3A_35, %add3A_36 : i32
    "tpu.region"() ({
      %run_scoped3A = tpu.sem_alloc : memref<!tpu.dma_semaphore, #tpu.memory_space<semaphore_mem>>
      %dma_start3A_63 = arith.constant 0 : i32
      %dma_start3A_64 = tpu.memref_slice %arg3[%add3A_37, %dma_start3A_63] : memref<2560x128xi32, #tpu.memory_space<hbm>> -> memref<40x128xi32, #tpu.memory_space<hbm>>
      %dma_start3A_65 = arith.constant 0 : i32
      %dma_start3A_66 = tpu.memref_slice %arg3[%add3A_37, %dma_start3A_65] : memref<2560x128xi32, #tpu.memory_space<hbm>> -> memref<40x128xi32, #tpu.memory_space<hbm>>
      tpu.enqueue_dma source(%dma_start3A_66 : memref<40x128xi32, #tpu.memory_space<hbm>>) target(%arg7 : memref<40x128xi32, #tpu.memory_space<vmem>>) target_semaphore(%run_scoped3A : memref<!tpu.dma_semaphore, #tpu.memory_space<semaphore_mem>>)
      %dma_wait3A_67 = arith.constant 0 : i32
      %dma_wait3A_68 = tpu.memref_slice %arg3[%add3A_37, %dma_wait3A_67] : memref<2560x128xi32, #tpu.memory_space<hbm>> -> memref<40x128xi32, #tpu.memory_space<hbm>>
      %dma_wait3A_69 = arith.constant 0 : i32
      %dma_wait3A_70 = tpu.memref_slice %arg3[%add3A_37, %dma_wait3A_69] : memref<2560x128xi32, #tpu.memory_space<hbm>> -> memref<40x128xi32, #tpu.memory_space<hbm>>
      tpu.wait_dma2 semaphore(%run_scoped3A : memref<!tpu.dma_semaphore, #tpu.memory_space<semaphore_mem>>) src(%dma_wait3A_70 : memref<40x128xi32, #tpu.memory_space<hbm>>) dst(%arg7 : memref<40x128xi32, #tpu.memory_space<vmem>>)
      tpu.yield
    }) : () -> ()
    "tpu.region"() ({
      %run_scoped3A = tpu.sem_alloc : memref<!tpu.dma_semaphore, #tpu.memory_space<semaphore_mem>>
      %dma_start3A_63 = arith.constant 0 : i32
      %dma_start3A_64 = tpu.memref_slice %arg4[%add3A_37, %dma_start3A_63] : memref<2560x128xi32, #tpu.memory_space<hbm>> -> memref<40x128xi32, #tpu.memory_space<hbm>>
      %dma_start3A_65 = arith.constant 0 : i32
      %dma_start3A_66 = tpu.memref_slice %arg4[%add3A_37, %dma_start3A_65] : memref<2560x128xi32, #tpu.memory_space<hbm>> -> memref<40x128xi32, #tpu.memory_space<hbm>>
      tpu.enqueue_dma source(%dma_start3A_66 : memref<40x128xi32, #tpu.memory_space<hbm>>) target(%arg8 : memref<40x128xi32, #tpu.memory_space<vmem>>) target_semaphore(%run_scoped3A : memref<!tpu.dma_semaphore, #tpu.memory_space<semaphore_mem>>)
      %dma_wait3A_67 = arith.constant 0 : i32
      %dma_wait3A_68 = tpu.memref_slice %arg4[%add3A_37, %dma_wait3A_67] : memref<2560x128xi32, #tpu.memory_space<hbm>> -> memref<40x128xi32, #tpu.memory_space<hbm>>
      %dma_wait3A_69 = arith.constant 0 : i32
      %dma_wait3A_70 = tpu.memref_slice %arg4[%add3A_37, %dma_wait3A_69] : memref<2560x128xi32, #tpu.memory_space<hbm>> -> memref<40x128xi32, #tpu.memory_space<hbm>>
      tpu.wait_dma2 semaphore(%run_scoped3A : memref<!tpu.dma_semaphore, #tpu.memory_space<semaphore_mem>>) src(%dma_wait3A_70 : memref<40x128xi32, #tpu.memory_space<hbm>>) dst(%arg8 : memref<40x128xi32, #tpu.memory_space<vmem>>)
      tpu.yield
    }) : () -> ()
    %dma_start3A_38 = arith.constant 0 : i32
    %dma_start3A_39 = arith.constant 0 : i32
    %dma_start3A_40 = tpu.memref_slice %arg7[%dma_start3A_38, %dma_start3A_39] : memref<40x128xi32, #tpu.memory_space<vmem>> -> memref<1x128xi32, #tpu.memory_space<vmem>>
    %dma_start3A_41 = tpu.memref_squeeze %dma_start3A_40 : memref<1x128xi32, #tpu.memory_space<vmem>> -> memref<128xi32, #tpu.memory_space<vmem>>
    %dma_start3A_42 = arith.constant 0 : i32
    %dma_start3A_43 = arith.constant 0 : i32
    %dma_start3A_44 = tpu.memref_slice %arg2[%dma_start3A_42, %dma_start3A_43] : memref<10000x128xf32, #tpu.memory_space<hbm>> -> memref<10000x128xf32, #tpu.memory_space<hbm>>
    tpu.enqueue_indirect_dma source(%dma_start3A_44 : memref<10000x128xf32, #tpu.memory_space<hbm>>) target(%arg9 : memref<128x128xf32, #tpu.memory_space<vmem>>) offsets(%dma_start3A_41 : memref<128xi32, #tpu.memory_space<vmem>>) semaphore(%arg12 : memref<!tpu.dma_semaphore, #tpu.memory_space<semaphore_mem>>)
    %dma_start3A_45 = arith.constant 1 : i32
    %dma_start3A_46 = arith.constant 0 : i32
    %dma_start3A_47 = tpu.memref_slice %arg7[%dma_start3A_45, %dma_start3A_46] : memref<40x128xi32, #tpu.memory_space<vmem>> -> memref<1x128xi32, #tpu.memory_space<vmem>>
    %dma_start3A_48 = tpu.memref_squeeze %dma_start3A_47 : memref<1x128xi32, #tpu.memory_space<vmem>> -> memref<128xi32, #tpu.memory_space<vmem>>
    %dma_start3A_49 = arith.constant 0 : i32
    %dma_start3A_50 = arith.constant 0 : i32
    %dma_start3A_51 = tpu.memref_slice %arg2[%dma_start3A_49, %dma_start3A_50] : memref<10000x128xf32, #tpu.memory_space<hbm>> -> memref<10000x128xf32, #tpu.memory_space<hbm>>
    tpu.enqueue_indirect_dma source(%dma_start3A_51 : memref<10000x128xf32, #tpu.memory_space<hbm>>) target(%arg10 : memref<128x128xf32, #tpu.memory_space<vmem>>) offsets(%dma_start3A_48 : memref<128xi32, #tpu.memory_space<vmem>>) semaphore(%arg13 : memref<!tpu.dma_semaphore, #tpu.memory_space<semaphore_mem>>)
    %scan3A_52 = arith.constant 0 : i32
    %scan3A_53 = arith.constant 0 : i32
    %scan3A_54 = arith.constant 20 : i32
    %scan3A_55 = arith.addi %scan3A_53, %scan3A_54 : i32
    %scan3A_56 = arith.constant 1 : i32
    scf.for %scan3A_63 = %scan3A_53 to %scan3A_55 step %scan3A_56  : i32 {
      %mul3A_64 = arith.constant 2 : i32
      %mul3A_65 = arith.muli %mul3A_64, %scan3A_63 : i32
      %dma_wait3A_66 = arith.constant 0 : i32
      %dma_wait3A_67 = tpu.memref_slice %arg7[%mul3A_65, %dma_wait3A_66] : memref<40x128xi32, #tpu.memory_space<vmem>> -> memref<1x128xi32, #tpu.memory_space<vmem>>
      %dma_wait3A_68 = tpu.memref_squeeze %dma_wait3A_67 : memref<1x128xi32, #tpu.memory_space<vmem>> -> memref<128xi32, #tpu.memory_space<vmem>>
      %dma_wait3A_69 = arith.constant 0 : i32
      %dma_wait3A_70 = arith.constant 0 : i32
      %dma_wait3A_71 = tpu.memref_slice %arg2[%dma_wait3A_69, %dma_wait3A_70] : memref<10000x128xf32, #tpu.memory_space<hbm>> -> memref<10000x128xf32, #tpu.memory_space<hbm>>
      tpu.wait_indirect_dma semaphore(%arg12 : memref<!tpu.dma_semaphore, #tpu.memory_space<semaphore_mem>>) src(%dma_wait3A_71 : memref<10000x128xf32, #tpu.memory_space<hbm>>) dst(%arg9 : memref<128x128xf32, #tpu.memory_space<vmem>>)
      "tpu.region"() ({
        %run_scoped3A = tpu.sem_alloc : memref<!tpu.dma_semaphore, #tpu.memory_space<semaphore_mem>>
        %dma_start3A_93 = arith.constant 0 : i32
        %dma_start3A_94 = tpu.memref_slice %arg8[%mul3A_65, %dma_start3A_93] : memref<40x128xi32, #tpu.memory_space<vmem>> -> memref<1x128xi32, #tpu.memory_space<vmem>>
        %dma_start3A_95 = tpu.memref_squeeze %dma_start3A_94 : memref<1x128xi32, #tpu.memory_space<vmem>> -> memref<128xi32, #tpu.memory_space<vmem>>
        %dma_start3A_96 = arith.constant 0 : i32
        %dma_start3A_97 = arith.constant 0 : i32
        %dma_start3A_98 = tpu.memref_slice %arg11[%dma_start3A_96, %dma_start3A_97] : memref<10240x128xf32, #tpu.memory_space<vmem_shared>> -> memref<10240x128xf32, #tpu.memory_space<vmem_shared>>
        tpu.enqueue_indirect_dma source(%arg9 : memref<128x128xf32, #tpu.memory_space<vmem>>) target(%dma_start3A_98 : memref<10240x128xf32, #tpu.memory_space<vmem_shared>>) offsets(%dma_start3A_95 : memref<128xi32, #tpu.memory_space<vmem>>) semaphore(%run_scoped3A : memref<!tpu.dma_semaphore, #tpu.memory_space<semaphore_mem>>) {add = true}
        %dma_wait3A_99 = arith.constant 0 : i32
        %dma_wait3A_100 = tpu.memref_slice %arg8[%mul3A_65, %dma_wait3A_99] : memref<40x128xi32, #tpu.memory_space<vmem>> -> memref<1x128xi32, #tpu.memory_space<vmem>>
        %dma_wait3A_101 = tpu.memref_squeeze %dma_wait3A_100 : memref<1x128xi32, #tpu.memory_space<vmem>> -> memref<128xi32, #tpu.memory_space<vmem>>
        %dma_wait3A_102 = arith.constant 0 : i32
        %dma_wait3A_103 = arith.constant 0 : i32
        %dma_wait3A_104 = tpu.memref_slice %arg11[%dma_wait3A_102, %dma_wait3A_103] : memref<10240x128xf32, #tpu.memory_space<vmem_shared>> -> memref<10240x128xf32, #tpu.memory_space<vmem_shared>>
        tpu.wait_indirect_dma semaphore(%run_scoped3A : memref<!tpu.dma_semaphore, #tpu.memory_space<semaphore_mem>>) src(%arg9 : memref<128x128xf32, #tpu.memory_space<vmem>>) dst(%dma_wait3A_104 : memref<10240x128xf32, #tpu.memory_space<vmem_shared>>)
        tpu.yield
      }) : () -> ()
      %add3A_72 = arith.constant 2 : i32
      %add3A_73 = arith.addi %mul3A_65, %add3A_72 : i32
      %lt3A = arith.constant 40 : i32
      %lt3A_74 = arith.cmpi slt, %add3A_73, %lt3A : i32
      %convert_element_type3A = arith.extui %lt3A_74 : i1 to i32
      %cond3A = arith.constant 0 : i32
      %cond3A_75 = arith.cmpi ne, %convert_element_type3A, %cond3A : i32
      scf.if %cond3A_75 {
        %add3A_93 = arith.constant 2 : i32
        %add3A_94 = arith.addi %mul3A_65, %add3A_93 : i32
        %dma_start3A_95 = arith.constant 0 : i32
        %dma_start3A_96 = tpu.memref_slice %arg7[%add3A_94, %dma_start3A_95] : memref<40x128xi32, #tpu.memory_space<vmem>> -> memref<1x128xi32, #tpu.memory_space<vmem>>
        %dma_start3A_97 = tpu.memref_squeeze %dma_start3A_96 : memref<1x128xi32, #tpu.memory_space<vmem>> -> memref<128xi32, #tpu.memory_space<vmem>>
        %dma_start3A_98 = arith.constant 0 : i32
        %dma_start3A_99 = arith.constant 0 : i32
        %dma_start3A_100 = tpu.memref_slice %arg2[%dma_start3A_98, %dma_start3A_99] : memref<10000x128xf32, #tpu.memory_space<hbm>> -> memref<10000x128xf32, #tpu.memory_space<hbm>>
        tpu.enqueue_indirect_dma source(%dma_start3A_100 : memref<10000x128xf32, #tpu.memory_space<hbm>>) target(%arg9 : memref<128x128xf32, #tpu.memory_space<vmem>>) offsets(%dma_start3A_97 : memref<128xi32, #tpu.memory_space<vmem>>) semaphore(%arg12 : memref<!tpu.dma_semaphore, #tpu.memory_space<semaphore_mem>>)
      } else {
      }
      %add3A_76 = arith.constant 1 : i32
      %add3A_77 = arith.addi %mul3A_65, %add3A_76 : i32
      %dma_wait3A_78 = arith.constant 0 : i32
      %dma_wait3A_79 = tpu.memref_slice %arg7[%add3A_77, %dma_wait3A_78] : memref<40x128xi32, #tpu.memory_space<vmem>> -> memref<1x128xi32, #tpu.memory_space<vmem>>
      %dma_wait3A_80 = tpu.memref_squeeze %dma_wait3A_79 : memref<1x128xi32, #tpu.memory_space<vmem>> -> memref<128xi32, #tpu.memory_space<vmem>>
      %dma_wait3A_81 = arith.constant 0 : i32
      %dma_wait3A_82 = arith.constant 0 : i32
      %dma_wait3A_83 = tpu.memref_slice %arg2[%dma_wait3A_81, %dma_wait3A_82] : memref<10000x128xf32, #tpu.memory_space<hbm>> -> memref<10000x128xf32, #tpu.memory_space<hbm>>
      tpu.wait_indirect_dma semaphore(%arg13 : memref<!tpu.dma_semaphore, #tpu.memory_space<semaphore_mem>>) src(%dma_wait3A_83 : memref<10000x128xf32, #tpu.memory_space<hbm>>) dst(%arg10 : memref<128x128xf32, #tpu.memory_space<vmem>>)
      %add3A_84 = arith.constant 1 : i32
      %add3A_85 = arith.addi %mul3A_65, %add3A_84 : i32
      "tpu.region"() ({
        %run_scoped3A = tpu.sem_alloc : memref<!tpu.dma_semaphore, #tpu.memory_space<semaphore_mem>>
        %dma_start3A_93 = arith.constant 0 : i32
        %dma_start3A_94 = tpu.memref_slice %arg8[%add3A_85, %dma_start3A_93] : memref<40x128xi32, #tpu.memory_space<vmem>> -> memref<1x128xi32, #tpu.memory_space<vmem>>
        %dma_start3A_95 = tpu.memref_squeeze %dma_start3A_94 : memref<1x128xi32, #tpu.memory_space<vmem>> -> memref<128xi32, #tpu.memory_space<vmem>>
        %dma_start3A_96 = arith.constant 0 : i32
        %dma_start3A_97 = arith.constant 0 : i32
        %dma_start3A_98 = tpu.memref_slice %arg11[%dma_start3A_96, %dma_start3A_97] : memref<10240x128xf32, #tpu.memory_space<vmem_shared>> -> memref<10240x128xf32, #tpu.memory_space<vmem_shared>>
        tpu.enqueue_indirect_dma source(%arg10 : memref<128x128xf32, #tpu.memory_space<vmem>>) target(%dma_start3A_98 : memref<10240x128xf32, #tpu.memory_space<vmem_shared>>) offsets(%dma_start3A_95 : memref<128xi32, #tpu.memory_space<vmem>>) semaphore(%run_scoped3A : memref<!tpu.dma_semaphore, #tpu.memory_space<semaphore_mem>>) {add = true}
        %dma_wait3A_99 = arith.constant 0 : i32
        %dma_wait3A_100 = tpu.memref_slice %arg8[%add3A_85, %dma_wait3A_99] : memref<40x128xi32, #tpu.memory_space<vmem>> -> memref<1x128xi32, #tpu.memory_space<vmem>>
        %dma_wait3A_101 = tpu.memref_squeeze %dma_wait3A_100 : memref<1x128xi32, #tpu.memory_space<vmem>> -> memref<128xi32, #tpu.memory_space<vmem>>
        %dma_wait3A_102 = arith.constant 0 : i32
        %dma_wait3A_103 = arith.constant 0 : i32
        %dma_wait3A_104 = tpu.memref_slice %arg11[%dma_wait3A_102, %dma_wait3A_103] : memref<10240x128xf32, #tpu.memory_space<vmem_shared>> -> memref<10240x128xf32, #tpu.memory_space<vmem_shared>>
        tpu.wait_indirect_dma semaphore(%run_scoped3A : memref<!tpu.dma_semaphore, #tpu.memory_space<semaphore_mem>>) src(%arg10 : memref<128x128xf32, #tpu.memory_space<vmem>>) dst(%dma_wait3A_104 : memref<10240x128xf32, #tpu.memory_space<vmem_shared>>)
        tpu.yield
      }) : () -> ()
      %add3A_86 = arith.constant 3 : i32
      %add3A_87 = arith.addi %mul3A_65, %add3A_86 : i32
      %lt3A_88 = arith.constant 40 : i32
      %lt3A_89 = arith.cmpi slt, %add3A_87, %lt3A_88 : i32
      %convert_element_type3A_90 = arith.extui %lt3A_89 : i1 to i32
      %cond3A_91 = arith.constant 0 : i32
      %cond3A_92 = arith.cmpi ne, %convert_element_type3A_90, %cond3A_91 : i32
      scf.if %cond3A_92 {
        %add3A_93 = arith.constant 3 : i32
        %add3A_94 = arith.addi %mul3A_65, %add3A_93 : i32
        %dma_start3A_95 = arith.constant 0 : i32
        %dma_start3A_96 = tpu.memref_slice %arg7[%add3A_94, %dma_start3A_95] : memref<40x128xi32, #tpu.memory_space<vmem>> -> memref<1x128xi32, #tpu.memory_space<vmem>>
        %dma_start3A_97 = tpu.memref_squeeze %dma_start3A_96 : memref<1x128xi32, #tpu.memory_space<vmem>> -> memref<128xi32, #tpu.memory_space<vmem>>
        %dma_start3A_98 = arith.constant 0 : i32
        %dma_start3A_99 = arith.constant 0 : i32
        %dma_start3A_100 = tpu.memref_slice %arg2[%dma_start3A_98, %dma_start3A_99] : memref<10000x128xf32, #tpu.memory_space<hbm>> -> memref<10000x128xf32, #tpu.memory_space<hbm>>
        tpu.enqueue_indirect_dma source(%dma_start3A_100 : memref<10000x128xf32, #tpu.memory_space<hbm>>) target(%arg10 : memref<128x128xf32, #tpu.memory_space<vmem>>) offsets(%dma_start3A_97 : memref<128xi32, #tpu.memory_space<vmem>>) semaphore(%arg13 : memref<!tpu.dma_semaphore, #tpu.memory_space<semaphore_mem>>)
      } else {
      }
    }
    %scan3A_57 = arith.constant 20 : i32
    %barrier3A_58 = arith.constant 0 : index
    tpu.barrier barrier_id(%barrier3A_58)
    %mul3A_59 = arith.constant 640 : i32
    %mul3A_60 = arith.muli %arg1, %mul3A_59 : i32
    %mul3A_61 = arith.constant 640 : i32
    %mul3A_62 = arith.muli %arg1, %mul3A_61 : i32
    "tpu.region"() ({
      %run_scoped3A = tpu.sem_alloc : memref<!tpu.dma_semaphore, #tpu.memory_space<semaphore_mem>>
      %dma_start3A_63 = arith.constant 0 : i32
      %dma_start3A_64 = tpu.memref_slice %arg6[%arg0, %mul3A_62, %dma_start3A_63] : memref<2x10240x128xf32, #tpu.memory_space<hbm>> -> memref<1x640x128xf32, #tpu.memory_space<hbm>>
      %dma_start3A_65 = tpu.memref_squeeze %dma_start3A_64 : memref<1x640x128xf32, #tpu.memory_space<hbm>> -> memref<640x128xf32, #tpu.memory_space<hbm>>
      %dma_start3A_66 = arith.constant 0 : i32
      %dma_start3A_67 = tpu.memref_slice %arg11[%mul3A_60, %dma_start3A_66] : memref<10240x128xf32, #tpu.memory_space<vmem_shared>> -> memref<640x128xf32, #tpu.memory_space<vmem_shared>>
      tpu.enqueue_dma source(%dma_start3A_67 : memref<640x128xf32, #tpu.memory_space<vmem_shared>>) target(%dma_start3A_65 : memref<640x128xf32, #tpu.memory_space<hbm>>) target_semaphore(%run_scoped3A : memref<!tpu.dma_semaphore, #tpu.memory_space<semaphore_mem>>)
      %dma_wait3A_68 = arith.constant 0 : i32
      %dma_wait3A_69 = tpu.memref_slice %arg6[%arg0, %mul3A_62, %dma_wait3A_68] : memref<2x10240x128xf32, #tpu.memory_space<hbm>> -> memref<1x640x128xf32, #tpu.memory_space<hbm>>
      %dma_wait3A_70 = tpu.memref_squeeze %dma_wait3A_69 : memref<1x640x128xf32, #tpu.memory_space<hbm>> -> memref<640x128xf32, #tpu.memory_space<hbm>>
      %dma_wait3A_71 = arith.constant 0 : i32
      %dma_wait3A_72 = tpu.memref_slice %arg11[%mul3A_60, %dma_wait3A_71] : memref<10240x128xf32, #tpu.memory_space<vmem_shared>> -> memref<640x128xf32, #tpu.memory_space<vmem_shared>>
      tpu.wait_dma2 semaphore(%run_scoped3A : memref<!tpu.dma_semaphore, #tpu.memory_space<semaphore_mem>>) src(%dma_wait3A_72 : memref<640x128xf32, #tpu.memory_space<vmem_shared>>) dst(%dma_wait3A_70 : memref<640x128xf32, #tpu.memory_space<hbm>>)
      tpu.yield
    }) : () -> ()
    return
  }
}

module attributes {stable_mosaic.version = 14 : i64} {
  func.func @body(%arg0: i32, %arg1: memref<2x2000x1xf32, #tpu.memory_space<vmem>>, %arg2: memref<2000x128xf32, #tpu.memory_space<vmem>>, %arg3: memref<128x128xf32, #tpu.memory_space<vmem>>, %arg4: memref<128x128xf32, #tpu.memory_space<vmem>>, %arg5: memref<2000x1xf32, #tpu.memory_space<vmem>>, %arg6: memref<2000x128xf32, #tpu.memory_space<vmem>>) attributes {dimension_semantics = [#tpu.dimension_semantics<arbitrary>], iteration_bounds = array<i64: 5>, scalar_prefetch = 0 : i64, scratch_operands = 0 : i64, tpu.core_type = #tpu.core_type<tc>, window_params = [{transform_indices = @transform_0, window_bounds = array<i64: 2, 2000, 1>}, {transform_indices = @transform_1, window_bounds = array<i64: 2000, 128>}, {pipeline_mode = #tpu.pipeline_mode<synchronous>, transform_indices = @transform_2, window_bounds = array<i64: 128, 128>}, {pipeline_mode = #tpu.pipeline_mode<synchronous>, transform_indices = @transform_3, window_bounds = array<i64: 128, 128>}, {transform_indices = @transform_4, window_bounds = array<i64: 2000, 1>}, {transform_indices = @transform_5, window_bounds = array<i64: 2000, 128>}]} {
    %get3A = arith.constant 0 : index
    %get3A_0 = arith.constant 0 : index
    %get3A_1 = arith.constant 0 : index
    %get3A_2 = vector.load %arg1[%get3A, %get3A_0, %get3A_1] : memref<2x2000x1xf32, #tpu.memory_space<vmem>>, vector<1x2000x1xf32>
    %get3A_3 = vector.shape_cast %get3A_2 : vector<1x2000x1xf32> to vector<2000x1xf32>
    %get3A_4 = arith.constant 1 : index
    %get3A_5 = arith.constant 0 : index
    %get3A_6 = arith.constant 0 : index
    %get3A_7 = vector.load %arg1[%get3A_4, %get3A_5, %get3A_6] : memref<2x2000x1xf32, #tpu.memory_space<vmem>>, vector<1x2000x1xf32>
    %get3A_8 = vector.shape_cast %get3A_7 : vector<1x2000x1xf32> to vector<2000x1xf32>
    %add3A = arith.addf %get3A_3, %get3A_8 : vector<2000x1xf32>
    %add3A_9 = arith.constant 1.000000e+00 : f32
    %add3A_10 = vector.broadcast %add3A_9 : f32 to vector<2000x1xf32>
    %add3A_11 = arith.addf %add3A_10, %add3A : vector<2000x1xf32>
    %rsqrt3A = math.rsqrt %add3A_11 : vector<2000x1xf32>
    %swap3A = arith.constant 0 : index
    %swap3A_12 = arith.constant 0 : index
    %swap3A_13 = vector.load %arg5[%swap3A, %swap3A_12] : memref<2000x1xf32, #tpu.memory_space<vmem>>, vector<2000x1xf32>
    tpu.vector_store %arg5[%swap3A, %swap3A_12], %rsqrt3A {strides = array<i32>} : memref<2000x1xf32, #tpu.memory_space<vmem>>, vector<2000x1xf32>,
    %get3A_14 = arith.constant 0 : index
    %get3A_15 = arith.constant 0 : index
    %get3A_16 = vector.load %arg4[%get3A_14, %get3A_15] : memref<128x128xf32, #tpu.memory_space<vmem>>, vector<128x128xf32>
    %jit3A = arith.constant 0.000000e+00 : f32
    %jit3A_17 = arith.constant 1.000000e+00 : f32
    %max3A = vector.broadcast %jit3A : f32 to vector<128x128xf32>
    %max3A_18 = arith.maximumf %max3A, %get3A_16 : vector<128x128xf32>
    %min3A = vector.broadcast %jit3A_17 : f32 to vector<128x128xf32>
    %min3A_19 = arith.minimumf %min3A, %max3A_18 : vector<128x128xf32>
    %get3A_20 = arith.constant 0 : index
    %get3A_21 = arith.constant 0 : index
    %get3A_22 = vector.load %arg3[%get3A_20, %get3A_21] : memref<128x128xf32, #tpu.memory_space<vmem>>, vector<128x128xf32>
    %mul3A = arith.mulf %min3A_19, %get3A_22 : vector<128x128xf32>
    %get3A_23 = arith.constant 0 : index
    %get3A_24 = arith.constant 0 : index
    %get3A_25 = vector.load %arg2[%get3A_23, %get3A_24] : memref<2000x128xf32, #tpu.memory_space<vmem>>, vector<2000x128xf32>
    %dot_general3A = arith.constant dense<0.000000e+00> : vector<2000x128xf32>
    %dot_general3A_26 = tpu.matmul %get3A_25, %mul3A, %dot_general3A {dimension_numbers = #tpu.dot_dimension_numbers<[1], [0], [0], [1], [0, 0, 1, 1], [], []>, transpose_lhs_hint = false} : vector<2000x128xf32>, vector<128x128xf32>, vector<2000x128xf32> -> vector<2000x128xf32>
    %mul3A_27 = vector.broadcast %rsqrt3A : vector<2000x1xf32> to vector<2000x128xf32>
    %mul3A_28 = arith.mulf %dot_general3A_26, %mul3A_27 : vector<2000x128xf32>
    %swap3A_29 = arith.constant 0 : index
    %swap3A_30 = arith.constant 0 : index
    %swap3A_31 = vector.load %arg6[%swap3A_29, %swap3A_30] : memref<2000x128xf32, #tpu.memory_space<vmem>>, vector<2000x128xf32>
    tpu.vector_store %arg6[%swap3A_29, %swap3A_30], %mul3A_28 {strides = array<i32>} : memref<2000x128xf32, #tpu.memory_space<vmem>>, vector<2000x128xf32>,
    return
  }
  func.func @transform_0(%arg0: i32) -> (i32, i32, i32) {
    %c0_i32 = arith.constant 0 : i32
    %c0_i32_0 = arith.constant 0 : i32
    %c0_i32_1 = arith.constant 0 : i32
    return %c0_i32, %arg0, %c0_i32_0 : i32, i32, i32
  }
  func.func @transform_1(%arg0: i32) -> (i32, i32) {
    %c0_i32 = arith.constant 0 : i32
    %c0_i32_0 = arith.constant 0 : i32
    return %arg0, %c0_i32 : i32, i32
  }
  func.func @transform_2(%arg0: i32) -> (i32, i32) {
    %c0_i32 = arith.constant 0 : i32
    %c0_i32_0 = arith.constant 0 : i32
    %c0_i32_1 = arith.constant 0 : i32
    return %c0_i32, %c0_i32_0 : i32, i32
  }
  func.func @transform_3(%arg0: i32) -> (i32, i32) {
    %c0_i32 = arith.constant 0 : i32
    %c0_i32_0 = arith.constant 0 : i32
    %c0_i32_1 = arith.constant 0 : i32
    return %c0_i32, %c0_i32_0 : i32, i32
  }
  func.func @transform_4(%arg0: i32) -> (i32, i32) {
    %c0_i32 = arith.constant 0 : i32
    %c0_i32_0 = arith.constant 0 : i32
    return %arg0, %c0_i32 : i32, i32
  }
  func.func @transform_5(%arg0: i32) -> (i32, i32) {
    %c0_i32 = arith.constant 0 : i32
    %c0_i32_0 = arith.constant 0 : i32
    return %arg0, %c0_i32 : i32, i32
  }
}

module attributes {stable_mosaic.version = 14 : i64} {
  func.func @body(%arg0: i32, %arg1: memref<2x2000x128xf32, #tpu.memory_space<vmem>>, %arg2: memref<2000x128xf32, #tpu.memory_space<vmem>>, %arg3: memref<2000x1xf32, #tpu.memory_space<vmem>>, %arg4: memref<1x128xf32, #tpu.memory_space<vmem>>, %arg5: memref<1x128xf32, #tpu.memory_space<vmem>>, %arg6: memref<1x128xf32, #tpu.memory_space<vmem>>, %arg7: memref<1x128xf32, #tpu.memory_space<vmem>>, %arg8: memref<128x128xf32, #tpu.memory_space<vmem>>, %arg9: memref<128x128xf32, #tpu.memory_space<vmem>>, %arg10: memref<2000x128xf32, #tpu.memory_space<vmem>>) attributes {dimension_semantics = [#tpu.dimension_semantics<arbitrary>], iteration_bounds = array<i64: 5>, scalar_prefetch = 0 : i64, scratch_operands = 0 : i64, tpu.core_type = #tpu.core_type<tc>, window_params = [{transform_indices = @transform_0, window_bounds = array<i64: 2, 2000, 128>}, {transform_indices = @transform_1, window_bounds = array<i64: 2000, 128>}, {transform_indices = @transform_2, window_bounds = array<i64: 2000, 1>}, {pipeline_mode = #tpu.pipeline_mode<synchronous>, transform_indices = @transform_3, window_bounds = array<i64: 1, 128>}, {pipeline_mode = #tpu.pipeline_mode<synchronous>, transform_indices = @transform_4, window_bounds = array<i64: 1, 128>}, {pipeline_mode = #tpu.pipeline_mode<synchronous>, transform_indices = @transform_5, window_bounds = array<i64: 1, 128>}, {pipeline_mode = #tpu.pipeline_mode<synchronous>, transform_indices = @transform_6, window_bounds = array<i64: 1, 128>}, {pipeline_mode = #tpu.pipeline_mode<synchronous>, transform_indices = @transform_7, window_bounds = array<i64: 128, 128>}, {pipeline_mode = #tpu.pipeline_mode<synchronous>, transform_indices = @transform_8, window_bounds = array<i64: 128, 128>}, {transform_indices = @transform_9, window_bounds = array<i64: 2000, 128>}]} {
    %get3A = arith.constant 0 : index
    %get3A_0 = arith.constant 0 : index
    %get3A_1 = vector.load %arg3[%get3A, %get3A_0] : memref<2000x1xf32, #tpu.memory_space<vmem>>, vector<2000x1xf32>
    %get3A_2 = arith.constant 0 : index
    %get3A_3 = arith.constant 0 : index
    %get3A_4 = arith.constant 0 : index
    %get3A_5 = vector.load %arg1[%get3A_2, %get3A_3, %get3A_4] : memref<2x2000x128xf32, #tpu.memory_space<vmem>>, vector<1x2000x128xf32>
    %get3A_6 = vector.shape_cast %get3A_5 : vector<1x2000x128xf32> to vector<2000x128xf32>
    %get3A_7 = arith.constant 1 : index
    %get3A_8 = arith.constant 0 : index
    %get3A_9 = arith.constant 0 : index
    %get3A_10 = vector.load %arg1[%get3A_7, %get3A_8, %get3A_9] : memref<2x2000x128xf32, #tpu.memory_space<vmem>>, vector<1x2000x128xf32>
    %get3A_11 = vector.shape_cast %get3A_10 : vector<1x2000x128xf32> to vector<2000x128xf32>
    %add3A = arith.addf %get3A_6, %get3A_11 : vector<2000x128xf32>
    %get3A_12 = arith.constant 0 : index
    %get3A_13 = arith.constant 0 : index
    %get3A_14 = vector.load %arg2[%get3A_12, %get3A_13] : memref<2000x128xf32, #tpu.memory_space<vmem>>, vector<2000x128xf32>
    %add3A_15 = arith.addf %add3A, %get3A_14 : vector<2000x128xf32>
    %mul3A = vector.broadcast %get3A_1 : vector<2000x1xf32> to vector<2000x128xf32>
    %mul3A_16 = arith.mulf %add3A_15, %mul3A : vector<2000x128xf32>
    %get3A_17 = arith.constant 0 : index
    %get3A_18 = arith.constant 0 : index
    %get3A_19 = vector.load %arg5[%get3A_17, %get3A_18] : memref<1x128xf32, #tpu.memory_space<vmem>>, vector<1x128xf32>
    %jit3A = arith.constant 0.000000e+00 : f32
    %jit3A_20 = arith.constant 1.000000e+00 : f32
    %max3A = vector.broadcast %jit3A : f32 to vector<1x128xf32>
    %max3A_21 = arith.maximumf %max3A, %get3A_19 : vector<1x128xf32>
    %min3A = vector.broadcast %jit3A_20 : f32 to vector<1x128xf32>
    %min3A_22 = arith.minimumf %min3A, %max3A_21 : vector<1x128xf32>
    %get3A_23 = arith.constant 0 : index
    %get3A_24 = arith.constant 0 : index
    %get3A_25 = vector.load %arg4[%get3A_23, %get3A_24] : memref<1x128xf32, #tpu.memory_space<vmem>>, vector<1x128xf32>
    %mul3A_26 = arith.mulf %min3A_22, %get3A_25 : vector<1x128xf32>
    %add3A_27 = vector.broadcast %mul3A_26 : vector<1x128xf32> to vector<2000x128xf32>
    %add3A_28 = arith.addf %mul3A_16, %add3A_27 : vector<2000x128xf32>
    %mul3A_29 = arith.constant 0.999994993 : f32
    %mul3A_30 = vector.broadcast %mul3A_29 : f32 to vector<2000x128xf32>
    %mul3A_31 = arith.mulf %add3A_28, %mul3A_30 : vector<2000x128xf32>
    %get3A_32 = arith.constant 0 : index
    %get3A_33 = arith.constant 0 : index
    %get3A_34 = vector.load %arg6[%get3A_32, %get3A_33] : memref<1x128xf32, #tpu.memory_space<vmem>>, vector<1x128xf32>
    %mul3A_35 = vector.broadcast %get3A_34 : vector<1x128xf32> to vector<2000x128xf32>
    %mul3A_36 = arith.mulf %mul3A_31, %mul3A_35 : vector<2000x128xf32>
    %get3A_37 = arith.constant 0 : index
    %get3A_38 = arith.constant 0 : index
    %get3A_39 = vector.load %arg7[%get3A_37, %get3A_38] : memref<1x128xf32, #tpu.memory_space<vmem>>, vector<1x128xf32>
    %add3A_40 = vector.broadcast %get3A_39 : vector<1x128xf32> to vector<2000x128xf32>
    %add3A_41 = arith.addf %mul3A_36, %add3A_40 : vector<2000x128xf32>
    %max3A_42 = arith.constant 0.000000e+00 : f32
    %max3A_43 = vector.broadcast %max3A_42 : f32 to vector<2000x128xf32>
    %max3A_44 = arith.maximumf %add3A_41, %max3A_43 : vector<2000x128xf32>
    %get3A_45 = arith.constant 0 : index
    %get3A_46 = arith.constant 0 : index
    %get3A_47 = vector.load %arg9[%get3A_45, %get3A_46] : memref<128x128xf32, #tpu.memory_space<vmem>>, vector<128x128xf32>
    %jit3A_48 = arith.constant 0.000000e+00 : f32
    %jit3A_49 = arith.constant 1.000000e+00 : f32
    %max3A_50 = vector.broadcast %jit3A_48 : f32 to vector<128x128xf32>
    %max3A_51 = arith.maximumf %max3A_50, %get3A_47 : vector<128x128xf32>
    %min3A_52 = vector.broadcast %jit3A_49 : f32 to vector<128x128xf32>
    %min3A_53 = arith.minimumf %min3A_52, %max3A_51 : vector<128x128xf32>
    %get3A_54 = arith.constant 0 : index
    %get3A_55 = arith.constant 0 : index
    %get3A_56 = vector.load %arg8[%get3A_54, %get3A_55] : memref<128x128xf32, #tpu.memory_space<vmem>>, vector<128x128xf32>
    %mul3A_57 = arith.mulf %min3A_53, %get3A_56 : vector<128x128xf32>
    %dot_general3A = arith.constant dense<0.000000e+00> : vector<2000x128xf32>
    %dot_general3A_58 = tpu.matmul %max3A_44, %mul3A_57, %dot_general3A {dimension_numbers = #tpu.dot_dimension_numbers<[1], [0], [0], [1], [0, 0, 1, 1], [], []>, transpose_lhs_hint = false} : vector<2000x128xf32>, vector<128x128xf32>, vector<2000x128xf32> -> vector<2000x128xf32>
    %mul3A_59 = vector.broadcast %get3A_1 : vector<2000x1xf32> to vector<2000x128xf32>
    %mul3A_60 = arith.mulf %dot_general3A_58, %mul3A_59 : vector<2000x128xf32>
    %swap3A = arith.constant 0 : index
    %swap3A_61 = arith.constant 0 : index
    %swap3A_62 = vector.load %arg10[%swap3A, %swap3A_61] : memref<2000x128xf32, #tpu.memory_space<vmem>>, vector<2000x128xf32>
    tpu.vector_store %arg10[%swap3A, %swap3A_61], %mul3A_60 {strides = array<i32>} : memref<2000x128xf32, #tpu.memory_space<vmem>>, vector<2000x128xf32>,
    return
  }
  func.func @transform_0(%arg0: i32) -> (i32, i32, i32) {
    %c0_i32 = arith.constant 0 : i32
    %c0_i32_0 = arith.constant 0 : i32
    %c0_i32_1 = arith.constant 0 : i32
    return %c0_i32, %arg0, %c0_i32_0 : i32, i32, i32
  }
  func.func @transform_1(%arg0: i32) -> (i32, i32) {
    %c0_i32 = arith.constant 0 : i32
    %c0_i32_0 = arith.constant 0 : i32
    return %arg0, %c0_i32 : i32, i32
  }
  func.func @transform_2(%arg0: i32) -> (i32, i32) {
    %c0_i32 = arith.constant 0 : i32
    %c0_i32_0 = arith.constant 0 : i32
    return %arg0, %c0_i32 : i32, i32
  }
  func.func @transform_3(%arg0: i32) -> (i32, i32) {
    %c0_i32 = arith.constant 0 : i32
    %c0_i32_0 = arith.constant 0 : i32
    %c0_i32_1 = arith.constant 0 : i32
    return %c0_i32, %c0_i32_0 : i32, i32
  }
  func.func @transform_4(%arg0: i32) -> (i32, i32) {
    %c0_i32 = arith.constant 0 : i32
    %c0_i32_0 = arith.constant 0 : i32
    %c0_i32_1 = arith.constant 0 : i32
    return %c0_i32, %c0_i32_0 : i32, i32
  }
  func.func @transform_5(%arg0: i32) -> (i32, i32) {
    %c0_i32 = arith.constant 0 : i32
    %c0_i32_0 = arith.constant 0 : i32
    %c0_i32_1 = arith.constant 0 : i32
    return %c0_i32, %c0_i32_0 : i32, i32
  }
  func.func @transform_6(%arg0: i32) -> (i32, i32) {
    %c0_i32 = arith.constant 0 : i32
    %c0_i32_0 = arith.constant 0 : i32
    %c0_i32_1 = arith.constant 0 : i32
    return %c0_i32, %c0_i32_0 : i32, i32
  }
  func.func @transform_7(%arg0: i32) -> (i32, i32) {
    %c0_i32 = arith.constant 0 : i32
    %c0_i32_0 = arith.constant 0 : i32
    %c0_i32_1 = arith.constant 0 : i32
    return %c0_i32, %c0_i32_0 : i32, i32
  }
  func.func @transform_8(%arg0: i32) -> (i32, i32) {
    %c0_i32 = arith.constant 0 : i32
    %c0_i32_0 = arith.constant 0 : i32
    %c0_i32_1 = arith.constant 0 : i32
    return %c0_i32, %c0_i32_0 : i32, i32
  }
  func.func @transform_9(%arg0: i32) -> (i32, i32) {
    %c0_i32 = arith.constant 0 : i32
    %c0_i32_0 = arith.constant 0 : i32
    return %arg0, %c0_i32 : i32, i32
  }
}

module attributes {stable_mosaic.version = 14 : i64} {
  func.func @body(%arg0: i32, %arg1: memref<2x2000x128xf32, #tpu.memory_space<vmem>>, %arg2: memref<2000x128xf32, #tpu.memory_space<vmem>>, %arg3: memref<2000x1xf32, #tpu.memory_space<vmem>>, %arg4: memref<1x128xf32, #tpu.memory_space<vmem>>, %arg5: memref<1x128xf32, #tpu.memory_space<vmem>>, %arg6: memref<2000x128xf32, #tpu.memory_space<vmem>>) attributes {dimension_semantics = [#tpu.dimension_semantics<arbitrary>], iteration_bounds = array<i64: 5>, scalar_prefetch = 0 : i64, scratch_operands = 0 : i64, tpu.core_type = #tpu.core_type<tc>, window_params = [{transform_indices = @transform_0, window_bounds = array<i64: 2, 2000, 128>}, {transform_indices = @transform_1, window_bounds = array<i64: 2000, 128>}, {transform_indices = @transform_2, window_bounds = array<i64: 2000, 1>}, {pipeline_mode = #tpu.pipeline_mode<synchronous>, transform_indices = @transform_3, window_bounds = array<i64: 1, 128>}, {pipeline_mode = #tpu.pipeline_mode<synchronous>, transform_indices = @transform_4, window_bounds = array<i64: 1, 128>}, {transform_indices = @transform_5, window_bounds = array<i64: 2000, 128>}]} {
    %get3A = arith.constant 0 : index
    %get3A_0 = arith.constant 0 : index
    %get3A_1 = arith.constant 0 : index
    %get3A_2 = vector.load %arg1[%get3A, %get3A_0, %get3A_1] : memref<2x2000x128xf32, #tpu.memory_space<vmem>>, vector<1x2000x128xf32>
    %get3A_3 = vector.shape_cast %get3A_2 : vector<1x2000x128xf32> to vector<2000x128xf32>
    %get3A_4 = arith.constant 1 : index
    %get3A_5 = arith.constant 0 : index
    %get3A_6 = arith.constant 0 : index
    %get3A_7 = vector.load %arg1[%get3A_4, %get3A_5, %get3A_6] : memref<2x2000x128xf32, #tpu.memory_space<vmem>>, vector<1x2000x128xf32>
    %get3A_8 = vector.shape_cast %get3A_7 : vector<1x2000x128xf32> to vector<2000x128xf32>
    %add3A = arith.addf %get3A_3, %get3A_8 : vector<2000x128xf32>
    %get3A_9 = arith.constant 0 : index
    %get3A_10 = arith.constant 0 : index
    %get3A_11 = vector.load %arg2[%get3A_9, %get3A_10] : memref<2000x128xf32, #tpu.memory_space<vmem>>, vector<2000x128xf32>
    %add3A_12 = arith.addf %add3A, %get3A_11 : vector<2000x128xf32>
    %get3A_13 = arith.constant 0 : index
    %get3A_14 = arith.constant 0 : index
    %get3A_15 = vector.load %arg3[%get3A_13, %get3A_14] : memref<2000x1xf32, #tpu.memory_space<vmem>>, vector<2000x1xf32>
    %mul3A = vector.broadcast %get3A_15 : vector<2000x1xf32> to vector<2000x128xf32>
    %mul3A_16 = arith.mulf %add3A_12, %mul3A : vector<2000x128xf32>
    %get3A_17 = arith.constant 0 : index
    %get3A_18 = arith.constant 0 : index
    %get3A_19 = vector.load %arg5[%get3A_17, %get3A_18] : memref<1x128xf32, #tpu.memory_space<vmem>>, vector<1x128xf32>
    %jit3A = arith.constant 0.000000e+00 : f32
    %jit3A_20 = arith.constant 1.000000e+00 : f32
    %max3A = vector.broadcast %jit3A : f32 to vector<1x128xf32>
    %max3A_21 = arith.maximumf %max3A, %get3A_19 : vector<1x128xf32>
    %min3A = vector.broadcast %jit3A_20 : f32 to vector<1x128xf32>
    %min3A_22 = arith.minimumf %min3A, %max3A_21 : vector<1x128xf32>
    %get3A_23 = arith.constant 0 : index
    %get3A_24 = arith.constant 0 : index
    %get3A_25 = vector.load %arg4[%get3A_23, %get3A_24] : memref<1x128xf32, #tpu.memory_space<vmem>>, vector<1x128xf32>
    %mul3A_26 = arith.mulf %min3A_22, %get3A_25 : vector<1x128xf32>
    %add3A_27 = vector.broadcast %mul3A_26 : vector<1x128xf32> to vector<2000x128xf32>
    %add3A_28 = arith.addf %mul3A_16, %add3A_27 : vector<2000x128xf32>
    %reduce_max3A = arith.constant dense<0xFF800000> : vector<2000xf32>
    %reduce_max3A_29 = vector.multi_reduction <maximumf>, %add3A_28, %reduce_max3A [1] : vector<2000x128xf32> to vector<2000xf32>
    %broadcast_in_dim3A = vector.shape_cast %reduce_max3A_29 : vector<2000xf32> to vector<2000x1xf32>
    %sub3A = vector.broadcast %broadcast_in_dim3A : vector<2000x1xf32> to vector<2000x128xf32>
    %sub3A_30 = arith.subf %add3A_28, %sub3A : vector<2000x128xf32>
    %exp3A = math.exp %sub3A_30 : vector<2000x128xf32>
    %reduce_sum3A = arith.constant dense<0.000000e+00> : vector<2000xf32>
    %reduce_sum3A_31 = vector.multi_reduction <add>, %exp3A, %reduce_sum3A [1] : vector<2000x128xf32> to vector<2000xf32>
    %broadcast_in_dim3A_32 = vector.shape_cast %reduce_sum3A_31 : vector<2000xf32> to vector<2000x1xf32>
    %log3A = math.log %broadcast_in_dim3A_32 : vector<2000x1xf32>
    %sub3A_33 = vector.broadcast %log3A : vector<2000x1xf32> to vector<2000x128xf32>
    %sub3A_34 = arith.subf %sub3A_30, %sub3A_33 : vector<2000x128xf32>
    %swap3A = arith.constant 0 : index
    %swap3A_35 = arith.constant 0 : index
    %swap3A_36 = vector.load %arg6[%swap3A, %swap3A_35] : memref<2000x128xf32, #tpu.memory_space<vmem>>, vector<2000x128xf32>
    tpu.vector_store %arg6[%swap3A, %swap3A_35], %sub3A_34 {strides = array<i32>} : memref<2000x128xf32, #tpu.memory_space<vmem>>, vector<2000x128xf32>,
    return
  }
  func.func @transform_0(%arg0: i32) -> (i32, i32, i32) {
    %c0_i32 = arith.constant 0 : i32
    %c0_i32_0 = arith.constant 0 : i32
    %c0_i32_1 = arith.constant 0 : i32
    return %c0_i32, %arg0, %c0_i32_0 : i32, i32, i32
  }
  func.func @transform_1(%arg0: i32) -> (i32, i32) {
    %c0_i32 = arith.constant 0 : i32
    %c0_i32_0 = arith.constant 0 : i32
    return %arg0, %c0_i32 : i32, i32
  }
  func.func @transform_2(%arg0: i32) -> (i32, i32) {
    %c0_i32 = arith.constant 0 : i32
    %c0_i32_0 = arith.constant 0 : i32
    return %arg0, %c0_i32 : i32, i32
  }
  func.func @transform_3(%arg0: i32) -> (i32, i32) {
    %c0_i32 = arith.constant 0 : i32
    %c0_i32_0 = arith.constant 0 : i32
    %c0_i32_1 = arith.constant 0 : i32
    return %c0_i32, %c0_i32_0 : i32, i32
  }
  func.func @transform_4(%arg0: i32) -> (i32, i32) {
    %c0_i32 = arith.constant 0 : i32
    %c0_i32_0 = arith.constant 0 : i32
    %c0_i32_1 = arith.constant 0 : i32
    return %c0_i32, %c0_i32_0 : i32, i32
  }
  func.func @transform_5(%arg0: i32) -> (i32, i32) {
    %c0_i32 = arith.constant 0 : i32
    %c0_i32_0 = arith.constant 0 : i32
    return %arg0, %c0_i32 : i32, i32
  }
}

</mosaic_0001>

<sc_bundles>
// kernel: kernel.10.cloned.1.call-start
scs
__scs_entry_jumppad:
0x0: {  	(pc) =	sbr.rel $0x88, $3  }
0x1: {  	(tag) =	ssettag $0x0;
	lr =	simm.s32 $0x1  }
0x2: {  	[smem:$0x3F8F] =	sst lr;
	_ =	strace $0xD0000000  }
0x3: {  	_ = 	snop  }
0x4: {  	_ = 	snop  }
0x5: {  	_ = 	snop  }
0x6: {  	_ = 	snop  }
0x7: {  	_ = 	snop  }
__scs_overlays_trampoline_lowered:
0x8: {  	[smem:$0x3F9E] =	sst s0  }
0x9: {  	[smem:$0x3F9F] =	sst s1  }
0xa: {  	[smem:$0x3FA0] =	sst s2  }
0xb: {  	[smem:$0x3FA1] =	sst s3  }
0xc: {  	[smem:$0x3FA2] =	sst s4  }
0xd: {  	[smem:$0x3FA3] =	sst s5  }
0xe: {  	[smem:$0x3FA4] =	sst s6  }
0xf: {  	[smem:$0x3FA5] =	sst s7  }
0x10: {  	[smem:$0x3FA6] =	sst s8  }
0x11: {  	[smem:$0x3FA7] =	sst s9;
	s0 =	simm.s32 @!p0 $0x0  }
0x12: {  	s1 =	sld [smem:$0x3F8D];
	s0 =	simm.s32 @p0 $0x1  }
0x13: {  	[smem:$0x3FA8] =	sst s0;
	s0 =	simm.s32 @!p1 $0x0  }
0x14: {  	s2 =	sld [smem:$0x3F8C];
	s0 =	simm.s32 @p1 $0x1  }
0x15: {  	[smem:$0x3FA9] =	sst s0;
	s0 =	simm.s32 @!p2 $0x0  }
0x16: {  	s3 =	sld [smem:$0x3FDB];
	s0 =	simm.s32 @p2 $0x1  }
0x17: {  	s4 =	simm.s32 $0x1BF5;
	[smem:$0x3FAB] =	sst s0  }
0x18: {  	s0 =	sld [smem:$0x3F8E];
	_ =	swait.ge [sflag:s4], $0x0  }
0x19: {  	s7 =	sld [smem:$0x3F8F]  }
0x1a: {  	s8 =	sadd.s32 $0xFFFFE003, lr  }
0x1b: {  	s9 =	sadd.s32 $0xFFFFFEF7, lr;
	s5 =	simm.s32 $0xFFFFFFFF;
	p2 =	slt.u32 s8, $0xFFFFF086  }
0x1c: {  	p1 =	slt.u32 s9, $0xF7A;
	s5 =	simm.s32 @!p2 $0x0  }
0x1d: {  	s5 =	simm.s32 @p1 $0x1;
	p0 =	seq.s32 s7, s2  }
0x1e: {  	s7 =	smul.u32 @!p0 $0xF7A, s2;
	p2 =	seq.s32 @!p0 s5, $0x0  }
0x1f: {  	s9 =	smul.u32 $0xF7A, s1;
	s8 =	simm.s32 @!p0 $0x1BF5;
	p2 =	por !p2, p0  }
0x20: {  	[sflag:s8] =	ssyncset.s32 @!p0 $0xFFFFF086;
	s6 =	sadd.s32 @!p0 s3, s7;
	s7 =	simm.s32 @!p0 $0x108  }
0x21: {  	s3 =	sadd.s32 s3, s9;
	s6 =	sadd.s32 @!p0 $0x88, s6;
	s7 =	simm.s32 @p2 $0x1082  }
0x22: {  	[simem:s7], [sflag:s8] =	dma.local @!p0 [hbm:s6], $0xF7A  }
0x23: {  	s9 =	sor.u32 $0xD0000000, s2;
	s6 =	simm.s32 $0x108;
	_ =	swait.ge @!p0 [sflag:s8], $0x0  }
0x24: {  	s3 =	sadd.s32 $0x88, s3;
	s6 =	simm.s32 @!p1 $0x1082;
	[sflag:s4] =	ssyncset.s32 $0xFFFFF086  }
0x25: {  	[simem:s6], [sflag:s4] =	dma.local [hbm:s3], $0xF7A  }
0x26: {  	[smem:$0x3F8F] =	sst s1;
	(tag) =	ssettag s2;
	_ =	strace s9  }
0x27: {  	s1 =	sld [smem:$0x3F9F]  }
0x28: {  	s2 =	sld [smem:$0x3FA0]  }
0x29: {  	s4 =	sld [smem:$0x3FA2]  }
0x2a: {  	p0 =	seq.s32 s5, $0x0;
	s5 =	sld [smem:$0x3FA3]  }
0x2b: {  	s6 =	sld [smem:$0x3FA4]  }
0x2c: {  	s7 =	sld [smem:$0x3FA5]  }
0x2d: {  	s3 =	simm.s32 $0x108;
	s8 =	sld [smem:$0x3FA6]  }
0x2e: {  	s3 =	simm.s32 @!p0 $0x1082;
	s9 =	sld [smem:$0x3FA7]  }
0x2f: {  	lr =	sadd.s32 s0, s3;
	s0 =	sld [smem:$0x3F9E]  }
0x30: {  	s3 =	sld [smem:$0x3FA1]  }
0x31: {  	[smem:$0x3FAA] =	sst s10  }
0x32: {  	s10 =	sld [smem:$0x3FA8];
	_ =	sdelay $0x3  }
0x33: {  	p0 =	seq.s32 s10, $0x1;
	s10 =	sld [smem:$0x3FAA];
	_ =	sdelay $0x3  }
0x34: {  	[smem:$0x3FAA] =	sst s10  }
0x35: {  	s10 =	sld [smem:$0x3FA9];
	_ =	sdelay $0x3  }
0x36: {  	p1 =	seq.s32 s10, $0x1;
	s10 =	sld [smem:$0x3FAA];
	_ =	sdelay $0x3  }
0x37: {  	[smem:$0x3FAA] =	sst s10  }
0x38: {  	s10 =	sld [smem:$0x3FAB]  }
0x39: {  	_ = 	snop;
	(pc) =	sbr.ind lr, $3  }
0x3a: {  	_ = 	snop  }
0x3b: {  	_ = 	snop  }
0x3c: {  	p2 =	seq.s32 s10, $0x1;
	s10 =	sld [smem:$0x3FAA]  }
0x3d: {  	_ =	shalt  }
0x3e: {  	_ =	shalt  }
0x3f: {  	_ =	shalt  }
0x40: {  	_ =	shalt  }
0x41: {  	_ =	shalt  }
0x42: {  	_ =	shalt  }
0x43: {  	_ =	shalt  }
0x44: {  	_ =	shalt  }
0x45: {  	_ =	shalt  }
0x46: {  	_ =	shalt  }
0x47: {  	_ =	shalt  }
0x48: {  	_ =	shalt  }
0x49: {  	_ =	shalt  }
0x4a: {  	_ =	shalt  }
0x4b: {  	_ =	shalt  }
0x4c: {  	_ =	shalt  }
0x4d: {  	_ =	shalt  }
0x4e: {  	_ =	shalt  }
0x4f: {  	_ =	shalt  }
0x50: {  	_ =	shalt  }
0x51: {  	_ =	shalt  }
0x52: {  	_ =	shalt  }
0x53: {  	_ =	shalt  }
0x54: {  	_ =	shalt  }
0x55: {  	_ =	shalt  }
0x56: {  	_ =	shalt  }
0x57: {  	_ =	shalt  }
0x58: {  	_ =	shalt  }
0x59: {  	_ =	shalt  }
0x5a: {  	_ =	shalt  }
0x5b: {  	_ =	shalt  }
0x5c: {  	_ =	shalt  }
0x5d: {  	_ =	shalt  }
0x5e: {  	_ =	shalt  }
0x5f: {  	_ =	shalt  }
0x60: {  	_ =	shalt  }
0x61: {  	_ =	shalt  }
0x62: {  	_ =	shalt  }
0x63: {  	_ =	shalt  }
0x64: {  	_ =	shalt  }
0x65: {  	_ =	shalt  }
0x66: {  	_ =	shalt  }
0x67: {  	_ =	shalt  }
0x68: {  	_ =	shalt  }
0x69: {  	_ =	shalt  }
0x6a: {  	_ =	shalt  }
0x6b: {  	_ =	shalt  }
0x6c: {  	_ =	shalt  }
0x6d: {  	_ =	shalt  }
0x6e: {  	_ =	shalt  }
0x6f: {  	_ =	shalt  }
0x70: {  	_ =	shalt  }
0x71: {  	_ =	shalt  }
0x72: {  	_ =	shalt  }
0x73: {  	_ =	shalt  }
0x74: {  	_ =	shalt  }
0x75: {  	_ =	shalt  }
0x76: {  	_ =	shalt  }
0x77: {  	_ =	shalt  }
0x78: {  	_ =	shalt  }
0x79: {  	_ =	shalt  }
0x7a: {  	_ =	shalt  }
0x7b: {  	_ =	shalt  }
0x7c: {  	_ =	shalt  }
0x7d: {  	_ =	shalt  }
0x7e: {  	_ =	shalt  }
0x7f: {  	_ =	shalt  }
0x80: {  	_ =	shalt  }
0x81: {  	_ =	shalt  }
0x82: {  	_ =	shalt  }
0x83: {  	_ =	shalt  }
0x84: {  	_ =	shalt  }
0x85: {  	_ =	shalt  }
0x86: {  	_ =	shalt  }
0x87: {  	_ =	shalt  }
.Lfunc_end0:
.L_simem_size_0:
called_computation_lowered:
.L_overlay_start_0:
0x88: {  	s2 =	sld [smem:$0x3FD9]  }
0x89: {  	s3 =	sld [smem:$0x3FFE];
	_ =	sdelay $0x1  }
0x8a: {  	s1 =	srdreg.scid  }
0x8b: {  	s0 =	sand.u32 $0x1, s1  }
0x8c: {  	s17 =	sshll.u32 s0, $0xA;
	s2 =	sadd.s32 s3, s2  }
0x8d: {  	s2 =	sadd.s32 s2, s17  }
0x8e: {  	[smem:$0x3FB6] =	sst s2  }
0x8f: {  	_ = 	snop  }
0x90: {  	s2 =	sld [smem:$0x3FD0];
	(tm) =	ssettm $0x1  }
0x91: {  	s18 =	sld [smem:$0x3FFB];
	_ =	sdelay $0x3  }
0x92: {  	_ =	strace s18  }
0x93: {  	s3 =	sld [smem:$0x3FFC];
	_ =	sdelay $0x3  }
0x94: {  	_ =	strace s3  }
0x95: {  	s3 =	sld [smem:$0x3FFD];
	_ =	sdelay $0x3  }
0x96: {  	_ =	strace s3  }
0x97: {  	_ =	strace $0x8FFFFFFF  }
0x98: {  	s19 =	sld [smem:$0x3FDB];
	_ =	sdelay $0x1  }
0x99: {  	s4 =	simm.s32 $_scs_section_size  }
0x9a: {  	s5 =	simm.s32 $_size__tile_overlayer_lowered;
	s6 =	simm.s32 $_tile_overlayer_lowered  }
0x9b: {  	s22 =	simm.s32 $0x1BFF;
	s21 =	sshll.u32 s6, $0x1;
	s3 =	sadd.s32 s4, s19  }
0x9c: {  	s7 =	simm.s32 $0x0;
	s20 =	sshll.u32 s5, $0x1;
	s5 =	sadd.s32 s21, s3  }
0x9d: {  	[timem:s7], [sflag:s22] =	dma.local [hbm:s5], s20  }
0x9e: {  	_ =	swait.ge [sflag:s22], s20  }
0x9f: {  	s4 =	ssub.s32 $0x0, s20;
	[sflag:s22] =	ssyncset.done $0x0  }
0xa0: {  	[sflag:s22] =	ssyncadd.s32 s4;
	_ =	sdelay $0x1  }
0xa1: {  	s23 =	simm.s32 $0x1B8B  }
0xa2: {  	_ =	swait.ge [sflag:s23], $0x1  }
0xa3: {  	[sflag:s23] =	ssyncset.done $0x0  }
0xa4: {  	s25 =	simm.s32 $0x1B8E;
	s24 =	sld [smem:$0x3FFE];
	[sflag:s23] =	ssyncadd.s32 $0xFFFFFFFF  }
0xa5: {  	s26 =	simm.s32 $execute0_lowered;
	[smem:$0x3FD2] =	sst s25  }
0xa6: {  	s5 =	sshll.u32 s26, $0x1;
	_ =	strace $0x80000046;
	[dreg:$0x1] =	wrdreg $0xFFFFFFFF  }
0xa7: {  	s28 =	simm.s32 $_size_execute0_lowered;
	s3 =	sadd.s32 s3, s5;
	[dreg:$0x0] =	wrdreg $0x0  }
0xa8: {  	s5 =	sshll.u32 s28, $0x1;
	[dreg:$0x2] =	wrdreg s3  }
0xa9: {  	[dreg:$0x3] =	wrdreg s5  }
0xaa: {  	[dreg:$0x4] =	wrdreg $0xC0  }
0xab: {  	_ =	task [dreg:s7], $0x5FFFF  }
0xac: {  	[dreg:$0x1] =	wrdreg $0xFFFFFFFF  }
0xad: {  	[dreg:$0x0] =	wrdreg $0x60  }
0xae: {  	[dreg:$0x2] =	wrdreg s24  }
0xaf: {  	[dreg:$0x3] =	wrdreg s2  }
0xb0: {  	[dreg:$0x4] =	wrdreg $0x6C800  }
0xb1: {  	[dreg:$0x5] =	wrdreg $0x9  }
0xb2: {  	_ =	task.clear_ibuf [dreg:s7], $0x6FFFF;
	_ =	strace $0x90000046  }
0xb3: {  	s29 =	simm.s32 $0x9;
	_ =	strace $0x80000048  }
0xb4: {  	_ =	swait.ge [sflag:s29], $0x1  }
0xb5: {  	[sflag:s29] =	ssyncadd.s32 $0xFFFFFFFF  }
0xb6: {  	_ =	strace $0x90000048  }
0xb7: {  	_ =	sfence  }
0xb8: {  	s30 =	sld [smem:$0x0];
	_ =	sdelay $0x2  }
0xb9: {  	s31 =	sshll.u32 s1, $0xD;
	s1 =	sshrl.u32 s1, $0x2  }
0xba: {  	s3 =	sand.u32 $0x4000, s31;
	s1 =	sadd.s32 s1, s30  }
0xbb: {  	s0 =	sor.u32 s3, s0;
	s1 =	sshll.u32 s1, $0x11  }
0xbc: {  	s0 =	sor.u32 s1, s0  }
0xbd: {  	s0 =	sadd.s32 $0x8F2B, s0  }
0xbe: {  	[sflag:s0] =	ssyncadd.remote.s32 $0x1  }
0xbf: {  	_ =	sfence.sel $0xFFFF  }
0xc0: {  	[dreg:$0x0] =	wrdreg $0xFFFFFFFF;
	(pc) =	sbr.abs _section_cstart, $3  }
0xc1: {  	[dreg:$0x1] =	wrdreg $0xFFFFFFFF  }
0xc2: {  	_ =	task.clear_ibuf [dreg:s7], $0x2FFFF;
	_ =	strace $0x9FFFFFFF  }
0xc3: {  	(tm) =	ssettm $0x7FFFFFFF  }
tec
execute0_lowered:
.L_overlay_start_1:
0x0: {  	(tag) =	ssettag $0x1  }
0x1: {  	s4 =	rddreg [dreg:$0x0];
	s1 =	srdreg.scid  }
0x2: {  	s0 =	stileid.u32;
	s5 =	rddreg [dreg:$0x1]  }
0x3: {  	s2 =	rddreg [dreg:$0x2];
	s3 =	simm.s32 $0x0;
	s10 =	simm.s32 $0x2800  }
0x4: {  	s11 =	simm.s32 $0x80;
	s12 =	simm.s32 $0x6C00;
	s15 =	simm.s32 $0x0  }
0x5: {  	s6 =	sand.u32 $0x1, s1;
	s29 =	sshll.u32 s0, $0x1;
	s1 =	rddreg [dreg:$0x3]  }
0x6: {  	[smem:$0x7FF] =	sst s3;
	s31 =	sshll.u32 s0, $0x7;
	s7 =	sor.u32 s6, s29  }
0x7: {  	s9 =	sshll.u32 s0, $0xA;
	s13 =	sshll.u32 s0, $0x6;
	s7 =	smul.u32 $0x500, s7  }
0x8: {  	s8 =	ssub.s32 $0x2, s6;
	_ =	strace $0x80000047;
	s6 =	sshll.u32 s6, $0xB  }
0x9: {  	v0 =	vlaneseq.u32;
	s13 =	sor.u32 $0x1C01, s13;
	s30 =	sshrl.u32 s8, $0x1;
	s4 =	sadd.s32 s7, s4  }
0xa: {  	v1 =	vimm.f32 $0.0e+00;
	v2 =	vor.u32 $0x10, v0;
	s7 =	ssub.s32 s8, s30;
	s8 =	sadd.s32 s5, s31;
	s5 =	sadd.s32 s9, s2  }
0xb: {  	v3 =	vor.u32 $0x20, v0;
	v4 =	vor.u32 $0x30, v0;
	v5 =	vor.u32 $0x40, v0;
	s9 =	simm.s32 $0x6800;
	s4 =	sadd.s32 $0x4200, s4;
	s6 =	sadd.s32 s6, s8  }
0xc: {  	v6 =	vor.u32 $0x50, v0;
	v7 =	vor.u32 $0x60, v0;
	v8 =	vor.u32 $0x70, v0;
	s7 =	smax.u32 s7, $0x1;
	s8 =	simm.s32 $0x1;
	s14 =	sshrl.u32 s5, $0x3  }
.LBB2_1:
0xd: {  	[tilespmem:s3], [sflag:$0x1] =	stream.linear.gather [hbm4b:s4+s3], $0x2800, $0x38;
	[tilespmem:$0x7080] =	vst v63  }
0xe: {  	_ =	swait.ge [sflag:s8], $0x2800  }
0xf: {  	[sflag:s8] =	ssyncset.done $0x0  }
0x10: {  	s16 =	simm.s32 $0x0;
	s17 =	simm.s32 $0x0;
	[sflag:s8] =	ssyncadd.s32 $0xFFFFD800  }
.LBB2_2:
0x11: {  	p0 =	sne.s32 s17, $0xFFC0  }
.Ltmp0:
0x12: {  	_ = 	snop;
	(pc) =	sbr.rel @p0 .LBB2_2-.Ltmp0, $4  }
0x13: {  	s18 =	sand.u32 $0xFE00, s17  }
0x14: {  	s19 =	sand.u32 $0x70, s16;
	s18 =	sshrl.u32 s18, $0x2  }
0x15: {  	s18 =	sor.u32 s19, s18  }
0x16: {  	s16 =	sadd.s32 $0x10, s16;
	s17 =	sadd.s32 $0x40, s17;
	[tilespmem:s18+$0x2800] =	vst v1  }
0x17: {  	s16 =	simm.s32 $0x0  }
0x18: {  	s17 =	sand.u32 $0xE00, s16  }
0x19: {  	s18 =	sand.u32 $0x70, s16;
	s19 =	sshrl.u32 s17, $0x2  }
0x1a: {  	s17 =	simm.s32 $0x40;
	s18 =	sor.u32 s18, s19  }
.LBB2_4:
0x1b: {  	p0 =	sne.s32 s17, $0xFC0  }
0x1c: {  	[tilespmem:s18+$0x6800] =	vst v1;
	s16 =	sadd.s32 $0x10, s16;
	s18 =	smov.u32 s17;
	s17 =	sadd.s32 $0x40, s17  }
.Ltmp1:
0x1d: {  	(pc) =	sbr.rel @p0 .LBB2_4-.Ltmp1, $4  }
0x1e: {  	_ = 	snop  }
0x1f: {  	s18 =	sand.u32 $0xE00, s18  }
0x20: {  	s19 =	sand.u32 $0x70, s16;
	s18 =	sshrl.u32 s18, $0x2  }
0x21: {  	s18 =	sor.u32 s19, s18  }
0x22: {  	[tilespmem:s18+$0x6800] =	vst v1  }
0x23: {  	[tilespmem:$0x6C00] =	vst v0  }
0x24: {  	[tilespmem:$0x6C10] =	vst v2  }
0x25: {  	[tilespmem:$0x6C20] =	vst v3  }
0x26: {  	[tilespmem:$0x6C30] =	vst v4  }
0x27: {  	[tilespmem:$0x6C40] =	vst v5  }
0x28: {  	[tilespmem:$0x6C50] =	vst v6  }
0x29: {  	[tilespmem:$0x6C60] =	vst v7  }
0x2a: {  	s16 =	simm.s32 $0x0;
	[tilespmem:$0x6C70] =	vst v8  }
0x2b: {  	[spmem:s5] =	stream.linear.scatter [tilespmem:s9], [sflag:$0x1], $0x400, $0x38;
	[tilespmem:$0x7080] =	vst v63  }
0x2c: {  	s17 =	sand.u32 $0xFE00, s16;
	_ =	swait.ge [sflag:s8], $0x400  }
0x2d: {  	s16 =	sand.u32 $0x70, s16;
	s17 =	sshrl.u32 s17, $0x2;
	[sflag:s8] =	ssyncset.done $0x0  }
0x2e: {  	s16 =	sor.u32 s16, s17;
	[sflag:s8] =	ssyncadd.s32 $0xFFFFFC00  }
0x2f: {  	v9 =	vld [tilespmem:s16+$0x0];
	_ =	sdelay $0x4  }
0x30: {  	(xrf1) =	vunique.msk.u32 $0xffff, v9;
	_ =	sdelay $0xd  }
0x31: {  	_, v10, vm0 =	vpop (xrf1);
	_ =	sdelay $0x2  }
0x32: {  	s31 =	simm.s32 $0x40  }
0x33: {  	s18 =	sand.u32 $0xFE00, s31;
	s17 =	simm.s32 $0x10;
	s16 =	simm.s32 $0x80;
	v10 =	vcvt.s32.f32 v10  }
.LBB2_6:
0x34: {  	p0 =	sne.s32 s16, $0x9FC0;
	s19 =	sand.u32 $0x70, s17;
	s18 =	sshrl.u32 s18, $0x2  }
0x35: {  	s18 =	sor.u32 s19, s18;
	[tilespmem:v9+s10+$0x0] =	vst.idx.add.f32.msk vm0, v10  }
0x36: {  	v9 =	vld [tilespmem:s18+$0x0];
	_ =	sdelay $0x4  }
0x37: {  	(xrf1) =	vunique.msk.u32 $0xffff, v9;
	_ =	sdelay $0xd  }
.Ltmp2:
0x38: {  	_, v10, vm0 =	vpop (xrf1);
	(pc) =	sbr.rel @p0 .LBB2_6-.Ltmp2, $2  }
0x39: {  	_ =	sdelay $0x2  }
0x3a: {  	s17 =	sadd.s32 $0x10, s17;
	s18 =	sand.u32 $0xFE00, s16;
	s16 =	sadd.s32 $0x40, s16;
	v10 =	vcvt.s32.f32 v10  }
0x3b: {  	_ =	sdelay $0x3  }
0x3c: {  	s16 =	sand.u32 $0x70, s17;
	s31 =	sshrl.u32 s18, $0x2  }
0x3d: {  	s16 =	sor.u32 s16, s31;
	[tilespmem:v9+s10+$0x0] =	vst.idx.add.f32.msk vm0, v10  }
0x3e: {  	v9 =	vld [tilespmem:s16+$0x0];
	_ =	sdelay $0x4  }
0x3f: {  	(xrf1) =	vunique.msk.u32 $0xffff, v9;
	_ =	sdelay $0xd  }
0x40: {  	_, v10, vm0 =	vpop (xrf1);
	_ =	sdelay $0x3  }
0x41: {  	v10 =	vcvt.s32.f32 v10;
	_ =	sdelay $0x1  }
0x42: {  	[tilespmem:v9+s10+$0x0] =	vst.idx.add.f32.msk vm0, v10  }
0x43: {  	[bflag:$0x0] =	sbarrier.arrive $0xFFFF  }
0x44: {  	[spmem:s2] =	stream.indirect.scatter.add.f32 [tilespmem:s10], [sflag:$0x1], $0x80, s12, s11, $0xb8;
	[tilespmem:$0x7080] =	vst v63  }
0x45: {  	_ =	swait.ge [sflag:s8], $0x4000  }
0x46: {  	s15 =	sadd.s32 $0x1, s15;
	[sflag:s8] =	ssyncset.done $0x0  }
0x47: {  	p0 =	sne.s32 s15, s7;
	[sflag:s8] =	ssyncadd.s32 $0xFFFFC000  }
.Ltmp3:
0x48: {  	[bflag:$0x0] =	sbarrier.arrive $0xFFFF;
	(pc) =	sbr.rel @p0 .LBB2_1-.Ltmp3, $4  }
0x49: {  	[hbm:s6], [sflag:s13] =	dma.local [spmem:s14], $0x80  }
0x4a: {  	_ =	swait.ge [sflag:s8], $0x80  }
0x4b: {  	[sflag:s8] =	ssyncset.done $0x0  }
0x4c: {  	[sflag:s8] =	ssyncadd.s32 $0xFFFFFF80  }
0x4d: {  	_ =	sfence.sel $0x180000  }
0x4e: {  	[bflag:$0x0] =	sbarrier.arrive $0xFFFF  }
0x4f: {  	p0 =	sne.s32 s0, $0x0;
	_ =	strace $0x90000047  }
0x50: {  	s0 =	sadd.s32 @!p0 $0x100000, s1;
	[bflag:$0x2] =	sbarrier.arrive $0xFFFF  }
0x51: {  	[sflag:s0] =	ssyncadd.tile.s32 @!p0 $0x1;
	_ =	shalt  }
.Lfunc_end2:
_tile_overlayer_lowered:
.L_overlay_start_2:
0x52: {  	(tag) =	ssettag $0x2  }
0x53: {  	s0 =	rddreg [dreg:$0x0];
	s2 =	stileid.u32  }
0x54: {  	s1 =	rddreg [dreg:$0x1];
	p0 =	sne.s32 s2, $0x0  }
0x55: {  	s3 =	rddreg [dreg:$0x2];
	[bflag:$0x3] =	sbarrier.arrive $0xFFFF;
	s2 =	simm.s32 @!p0 $0x1C01  }
0x56: {  	[timem:s3], [sflag:s2] =	dma.local @!p0 [hbm:s0], s1  }
0x57: {  	s0 =	simm.s32 @!p0 $0x1  }
0x58: {  	_ =	swait.ge @!p0 [sflag:s0], s1  }
0x59: {  	s1 =	ssub.s32 @!p0 $0x0, s1;
	[sflag:s0] =	ssyncset.done @!p0 $0x0  }
0x5a: {  	[sflag:s0] =	ssyncadd.s32 @!p0 s1  }
0x5b: {  	[bflag:$0x3] =	sbarrier.arrive $0xFFFF  }
0x5c: {  	_ =	shalt  }

// kernel: kernel.13.cloned.1.call-start
scs
__scs_entry_jumppad:
0x0: {  	(pc) =	sbr.rel $0x88, $3  }
0x1: {  	(tag) =	ssettag $0x0;
	lr =	simm.s32 $0x1  }
0x2: {  	[smem:$0x3F8F] =	sst lr;
	_ =	strace $0xD0000000  }
0x3: {  	_ = 	snop  }
0x4: {  	_ = 	snop  }
0x5: {  	_ = 	snop  }
0x6: {  	_ = 	snop  }
0x7: {  	_ = 	snop  }
__scs_overlays_trampoline_lowered:
0x8: {  	[smem:$0x3F9E] =	sst s0  }
0x9: {  	[smem:$0x3F9F] =	sst s1  }
0xa: {  	[smem:$0x3FA0] =	sst s2  }
0xb: {  	[smem:$0x3FA1] =	sst s3  }
0xc: {  	[smem:$0x3FA2] =	sst s4  }
0xd: {  	[smem:$0x3FA3] =	sst s5  }
0xe: {  	[smem:$0x3FA4] =	sst s6  }
0xf: {  	[smem:$0x3FA5] =	sst s7  }
0x10: {  	[smem:$0x3FA6] =	sst s8  }
0x11: {  	[smem:$0x3FA7] =	sst s9;
	s0 =	simm.s32 @!p0 $0x0  }
0x12: {  	s1 =	sld [smem:$0x3F8D];
	s0 =	simm.s32 @p0 $0x1  }
0x13: {  	[smem:$0x3FA8] =	sst s0;
	s0 =	simm.s32 @!p1 $0x0  }
0x14: {  	s2 =	sld [smem:$0x3F8C];
	s0 =	simm.s32 @p1 $0x1  }
0x15: {  	[smem:$0x3FA9] =	sst s0;
	s0 =	simm.s32 @!p2 $0x0  }
0x16: {  	s3 =	sld [smem:$0x3FDB];
	s0 =	simm.s32 @p2 $0x1  }
0x17: {  	s4 =	simm.s32 $0x1BF5;
	[smem:$0x3FAB] =	sst s0  }
0x18: {  	s0 =	sld [smem:$0x3F8E];
	_ =	swait.ge [sflag:s4], $0x0  }
0x19: {  	s7 =	sld [smem:$0x3F8F]  }
0x1a: {  	s8 =	sadd.s32 $0xFFFFE003, lr  }
0x1b: {  	s9 =	sadd.s32 $0xFFFFFEF7, lr;
	s5 =	simm.s32 $0xFFFFFFFF;
	p2 =	slt.u32 s8, $0xFFFFF086  }
0x1c: {  	p1 =	slt.u32 s9, $0xF7A;
	s5 =	simm.s32 @!p2 $0x0  }
0x1d: {  	s5 =	simm.s32 @p1 $0x1;
	p0 =	seq.s32 s7, s2  }
0x1e: {  	s7 =	smul.u32 @!p0 $0xF7A, s2;
	p2 =	seq.s32 @!p0 s5, $0x0  }
0x1f: {  	s9 =	smul.u32 $0xF7A, s1;
	s8 =	simm.s32 @!p0 $0x1BF5;
	p2 =	por !p2, p0  }
0x20: {  	[sflag:s8] =	ssyncset.s32 @!p0 $0xFFFFF086;
	s6 =	sadd.s32 @!p0 s3, s7;
	s7 =	simm.s32 @!p0 $0x108  }
0x21: {  	s3 =	sadd.s32 s3, s9;
	s6 =	sadd.s32 @!p0 $0x88, s6;
	s7 =	simm.s32 @p2 $0x1082  }
0x22: {  	[simem:s7], [sflag:s8] =	dma.local @!p0 [hbm:s6], $0xF7A  }
0x23: {  	s9 =	sor.u32 $0xD0000000, s2;
	s6 =	simm.s32 $0x108;
	_ =	swait.ge @!p0 [sflag:s8], $0x0  }
0x24: {  	s3 =	sadd.s32 $0x88, s3;
	s6 =	simm.s32 @!p1 $0x1082;
	[sflag:s4] =	ssyncset.s32 $0xFFFFF086  }
0x25: {  	[simem:s6], [sflag:s4] =	dma.local [hbm:s3], $0xF7A  }
0x26: {  	[smem:$0x3F8F] =	sst s1;
	(tag) =	ssettag s2;
	_ =	strace s9  }
0x27: {  	s1 =	sld [smem:$0x3F9F]  }
0x28: {  	s2 =	sld [smem:$0x3FA0]  }
0x29: {  	s4 =	sld [smem:$0x3FA2]  }
0x2a: {  	p0 =	seq.s32 s5, $0x0;
	s5 =	sld [smem:$0x3FA3]  }
0x2b: {  	s6 =	sld [smem:$0x3FA4]  }
0x2c: {  	s7 =	sld [smem:$0x3FA5]  }
0x2d: {  	s3 =	simm.s32 $0x108;
	s8 =	sld [smem:$0x3FA6]  }
0x2e: {  	s3 =	simm.s32 @!p0 $0x1082;
	s9 =	sld [smem:$0x3FA7]  }
0x2f: {  	lr =	sadd.s32 s0, s3;
	s0 =	sld [smem:$0x3F9E]  }
0x30: {  	s3 =	sld [smem:$0x3FA1]  }
0x31: {  	[smem:$0x3FAA] =	sst s10  }
0x32: {  	s10 =	sld [smem:$0x3FA8];
	_ =	sdelay $0x3  }
0x33: {  	p0 =	seq.s32 s10, $0x1;
	s10 =	sld [smem:$0x3FAA];
	_ =	sdelay $0x3  }
0x34: {  	[smem:$0x3FAA] =	sst s10  }
0x35: {  	s10 =	sld [smem:$0x3FA9];
	_ =	sdelay $0x3  }
0x36: {  	p1 =	seq.s32 s10, $0x1;
	s10 =	sld [smem:$0x3FAA];
	_ =	sdelay $0x3  }
0x37: {  	[smem:$0x3FAA] =	sst s10  }
0x38: {  	s10 =	sld [smem:$0x3FAB]  }
0x39: {  	_ = 	snop;
	(pc) =	sbr.ind lr, $3  }
0x3a: {  	_ = 	snop  }
0x3b: {  	_ = 	snop  }
0x3c: {  	p2 =	seq.s32 s10, $0x1;
	s10 =	sld [smem:$0x3FAA]  }
0x3d: {  	_ =	shalt  }
0x3e: {  	_ =	shalt  }
0x3f: {  	_ =	shalt  }
0x40: {  	_ =	shalt  }
0x41: {  	_ =	shalt  }
0x42: {  	_ =	shalt  }
0x43: {  	_ =	shalt  }
0x44: {  	_ =	shalt  }
0x45: {  	_ =	shalt  }
0x46: {  	_ =	shalt  }
0x47: {  	_ =	shalt  }
0x48: {  	_ =	shalt  }
0x49: {  	_ =	shalt  }
0x4a: {  	_ =	shalt  }
0x4b: {  	_ =	shalt  }
0x4c: {  	_ =	shalt  }
0x4d: {  	_ =	shalt  }
0x4e: {  	_ =	shalt  }
0x4f: {  	_ =	shalt  }
0x50: {  	_ =	shalt  }
0x51: {  	_ =	shalt  }
0x52: {  	_ =	shalt  }
0x53: {  	_ =	shalt  }
0x54: {  	_ =	shalt  }
0x55: {  	_ =	shalt  }
0x56: {  	_ =	shalt  }
0x57: {  	_ =	shalt  }
0x58: {  	_ =	shalt  }
0x59: {  	_ =	shalt  }
0x5a: {  	_ =	shalt  }
0x5b: {  	_ =	shalt  }
0x5c: {  	_ =	shalt  }
0x5d: {  	_ =	shalt  }
0x5e: {  	_ =	shalt  }
0x5f: {  	_ =	shalt  }
0x60: {  	_ =	shalt  }
0x61: {  	_ =	shalt  }
0x62: {  	_ =	shalt  }
0x63: {  	_ =	shalt  }
0x64: {  	_ =	shalt  }
0x65: {  	_ =	shalt  }
0x66: {  	_ =	shalt  }
0x67: {  	_ =	shalt  }
0x68: {  	_ =	shalt  }
0x69: {  	_ =	shalt  }
0x6a: {  	_ =	shalt  }
0x6b: {  	_ =	shalt  }
0x6c: {  	_ =	shalt  }
0x6d: {  	_ =	shalt  }
0x6e: {  	_ =	shalt  }
0x6f: {  	_ =	shalt  }
0x70: {  	_ =	shalt  }
0x71: {  	_ =	shalt  }
0x72: {  	_ =	shalt  }
0x73: {  	_ =	shalt  }
0x74: {  	_ =	shalt  }
0x75: {  	_ =	shalt  }
0x76: {  	_ =	shalt  }
0x77: {  	_ =	shalt  }
0x78: {  	_ =	shalt  }
0x79: {  	_ =	shalt  }
0x7a: {  	_ =	shalt  }
0x7b: {  	_ =	shalt  }
0x7c: {  	_ =	shalt  }
0x7d: {  	_ =	shalt  }
0x7e: {  	_ =	shalt  }
0x7f: {  	_ =	shalt  }
0x80: {  	_ =	shalt  }
0x81: {  	_ =	shalt  }
0x82: {  	_ =	shalt  }
0x83: {  	_ =	shalt  }
0x84: {  	_ =	shalt  }
0x85: {  	_ =	shalt  }
0x86: {  	_ =	shalt  }
0x87: {  	_ =	shalt  }
.Lfunc_end0:
.L_simem_size_0:
called_computation.1_lowered:
.L_overlay_start_0:
0x88: {  	s2 =	sld [smem:$0x3FD9]  }
0x89: {  	s3 =	sld [smem:$0x3FFE];
	_ =	sdelay $0x1  }
0x8a: {  	s1 =	srdreg.scid  }
0x8b: {  	s0 =	sand.u32 $0x1, s1  }
0x8c: {  	s17 =	sshll.u32 s0, $0xA;
	s2 =	sadd.s32 s3, s2  }
0x8d: {  	s2 =	sadd.s32 s2, s17  }
0x8e: {  	[smem:$0x3FB6] =	sst s2  }
0x8f: {  	_ = 	snop  }
0x90: {  	s2 =	sld [smem:$0x3FD0];
	(tm) =	ssettm $0x1  }
0x91: {  	s18 =	sld [smem:$0x3FFB];
	_ =	sdelay $0x3  }
0x92: {  	_ =	strace s18  }
0x93: {  	s3 =	sld [smem:$0x3FFC];
	_ =	sdelay $0x3  }
0x94: {  	_ =	strace s3  }
0x95: {  	s3 =	sld [smem:$0x3FFD];
	_ =	sdelay $0x3  }
0x96: {  	_ =	strace s3  }
0x97: {  	_ =	strace $0x8FFFFFFF  }
0x98: {  	s19 =	sld [smem:$0x3FDB];
	_ =	sdelay $0x1  }
0x99: {  	s4 =	simm.s32 $_scs_section_size  }
0x9a: {  	s5 =	simm.s32 $_size__tile_overlayer_lowered;
	s6 =	simm.s32 $_tile_overlayer_lowered  }
0x9b: {  	s22 =	simm.s32 $0x1BFF;
	s21 =	sshll.u32 s6, $0x1;
	s3 =	sadd.s32 s4, s19  }
0x9c: {  	s7 =	simm.s32 $0x0;
	s20 =	sshll.u32 s5, $0x1;
	s5 =	sadd.s32 s21, s3  }
0x9d: {  	[timem:s7], [sflag:s22] =	dma.local [hbm:s5], s20  }
0x9e: {  	_ =	swait.ge [sflag:s22], s20  }
0x9f: {  	s4 =	ssub.s32 $0x0, s20;
	[sflag:s22] =	ssyncset.done $0x0  }
0xa0: {  	[sflag:s22] =	ssyncadd.s32 s4;
	_ =	sdelay $0x1  }
0xa1: {  	s23 =	simm.s32 $0x1B8B  }
0xa2: {  	_ =	swait.ge [sflag:s23], $0x1  }
0xa3: {  	[sflag:s23] =	ssyncset.done $0x0  }
0xa4: {  	s25 =	simm.s32 $0x1B8E;
	s24 =	sld [smem:$0x3FFE];
	[sflag:s23] =	ssyncadd.s32 $0xFFFFFFFF  }
0xa5: {  	s26 =	simm.s32 $execute0_lowered;
	[smem:$0x3FD2] =	sst s25  }
0xa6: {  	s5 =	sshll.u32 s26, $0x1;
	_ =	strace $0x80000049;
	[dreg:$0x1] =	wrdreg $0xFFFFFFFF  }
0xa7: {  	s28 =	simm.s32 $_size_execute0_lowered;
	s3 =	sadd.s32 s3, s5;
	[dreg:$0x0] =	wrdreg $0x0  }
0xa8: {  	s5 =	sshll.u32 s28, $0x1;
	[dreg:$0x2] =	wrdreg s3  }
0xa9: {  	[dreg:$0x3] =	wrdreg s5  }
0xaa: {  	[dreg:$0x4] =	wrdreg $0xC0  }
0xab: {  	_ =	task [dreg:s7], $0x5FFFF  }
0xac: {  	[dreg:$0x1] =	wrdreg $0xFFFFFFFF  }
0xad: {  	[dreg:$0x0] =	wrdreg $0x60  }
0xae: {  	[dreg:$0x2] =	wrdreg s2  }
0xaf: {  	[dreg:$0x3] =	wrdreg s24  }
0xb0: {  	[dreg:$0x4] =	wrdreg $0xA8000  }
0xb1: {  	[dreg:$0x5] =	wrdreg $0x9  }
0xb2: {  	_ =	task.clear_ibuf [dreg:s7], $0x6FFFF;
	_ =	strace $0x90000049  }
0xb3: {  	s29 =	simm.s32 $0x9;
	_ =	strace $0x8000004B  }
0xb4: {  	_ =	swait.ge [sflag:s29], $0x1  }
0xb5: {  	[sflag:s29] =	ssyncadd.s32 $0xFFFFFFFF  }
0xb6: {  	_ =	strace $0x9000004B  }
0xb7: {  	_ =	sfence  }
0xb8: {  	s30 =	sld [smem:$0x0];
	_ =	sdelay $0x2  }
0xb9: {  	s31 =	sshll.u32 s1, $0xD;
	s1 =	sshrl.u32 s1, $0x2  }
0xba: {  	s3 =	sand.u32 $0x4000, s31;
	s1 =	sadd.s32 s1, s30  }
0xbb: {  	s0 =	sor.u32 s3, s0;
	s1 =	sshll.u32 s1, $0x11  }
0xbc: {  	s0 =	sor.u32 s1, s0  }
0xbd: {  	s0 =	sadd.s32 $0x8F2B, s0  }
0xbe: {  	[sflag:s0] =	ssyncadd.remote.s32 $0x1  }
0xbf: {  	_ =	sfence.sel $0xFFFF  }
0xc0: {  	[dreg:$0x0] =	wrdreg $0xFFFFFFFF;
	(pc) =	sbr.abs _section_cstart, $3  }
0xc1: {  	[dreg:$0x1] =	wrdreg $0xFFFFFFFF  }
0xc2: {  	_ =	task.clear_ibuf [dreg:s7], $0x2FFFF;
	_ =	strace $0x9FFFFFFF  }
0xc3: {  	(tm) =	ssettm $0x7FFFFFFF  }
tec
execute0_lowered:
.L_overlay_start_1:
0x0: {  	(tag) =	ssettag $0x1  }
0x1: {  	s2 =	rddreg [dreg:$0x0]  }
0x2: {  	s5 =	rddreg [dreg:$0x1]  }
0x3: {  	s3 =	rddreg [dreg:$0x2]  }
0x4: {  	s0 =	rddreg [dreg:$0x3]  }
0x5: {  	s1 =	stileid.u32;
	s4 =	simm.s32 $0x0;
	s7 =	srdreg.scid  }
0x6: {  	s17 =	simm.s32 $0x80;
	s18 =	simm.s32 $0x2800;
	s19 =	simm.s32 $0x6800  }
0x7: {  	s20 =	simm.s32 $0x3;
	s21 =	simm.s32 $0x1;
	s22 =	simm.s32 $0x2  }
0x8: {  	s23 =	simm.s32 $0x2700;
	s24 =	simm.s32 $0x2780;
	s25 =	simm.s32 $0x0  }
0x9: {  	s6 =	smul.u32 $0x14000, s1;
	[smem:$0x7FF] =	sst s4;
	s7 =	sand.u32 $0x1, s7  }
0xa: {  	s10 =	sadd.s32 $0xE200, s5;
	s11 =	sadd.s32 $0x4200, s5;
	s12 =	smul.u32 $0x50000, s1  }
0xb: {  	s28 =	sshll.u32 s1, $0x1;
	_ =	strace $0x8000004A;
	s9 =	smul.u32 $0x140000, s7  }
0xc: {  	s13 =	ssub.s32 $0x2, s7;
	s7 =	sor.u32 s7, s28;
	s8 =	sshrl.u32 s6, $0x3  }
0xd: {  	s29 =	sshrl.u32 s13, $0x1;
	s12 =	sshrl.u32 s12, $0x2;
	s14 =	smul.u32 $0x2800, s7  }
0xe: {  	s30 =	smul.u32 $0x500, s7;
	s8 =	sadd.s32 s8, s5;
	s6 =	sadd.s32 s6, s9  }
0xf: {  	s13 =	ssub.s32 s13, s29;
	s16 =	sadd.s32 s12, s3;
	s6 =	sshrl.u32 s6, $0x3  }
0x10: {  	s31 =	sshrl.u32 s14, $0x3;
	s9 =	sadd.s32 s11, s30;
	s13 =	smax.u32 s13, $0x1  }
0x11: {  	s14 =	sshrl.u32 s16, $0x3;
	s16 =	simm.s32 $0x1400;
	s15 =	sadd.s32 s6, s5  }
0x12: {  	s5 =	sshll.u32 s1, $0x6;
	s6 =	sadd.s32 $0x18200, s8;
	s12 =	sadd.s32 $0x280, s31  }
0x13: {  	s8 =	sadd.s32 s10, s30;
	s7 =	sor.u32 $0x1C03, s5;
	s10 =	sadd.s32 s10, s12  }
0x14: {  	s11 =	sadd.s32 s11, s12;
	s12 =	sadd.s32 $0x40200, s15;
	s15 =	simm.s32 $0x4  }
.LBB2_1:
0x15: {  	[spmem:s14], [sflag:s7] =	dma.local [hbm:s6], $0x2800  }
0x16: {  	[tilespmem:s4], [sflag:$0x4] =	stream.linear.gather [hbm4b:s8+s4], $0x1400, $0x38;
	[tilespmem:$0x1E800] =	vst v63  }
0x17: {  	_ =	swait.ge [sflag:s15], $0x1400  }
0x18: {  	[sflag:s15] =	ssyncset.done $0x0  }
0x19: {  	[sflag:s15] =	ssyncadd.s32 $0xFFFFEC00  }
0x1a: {  	[tilespmem:s16], [sflag:$0x4] =	stream.linear.gather [hbm4b:s9+s4], $0x1400, $0x38;
	[tilespmem:$0x1E800] =	vst v63  }
0x1b: {  	_ =	swait.ge [sflag:s15], $0x1400  }
0x1c: {  	[sflag:s15] =	ssyncset.done $0x0  }
0x1d: {  	[sflag:s15] =	ssyncadd.s32 $0xFFFFEC00  }
0x1e: {  	[tilespmem:s18], [sflag:$0x1] =	stream.indirect.gather [hbm4b:s2+s17], $0x80, s4, s17, $0xb8;
	[tilespmem:$0x1E800] =	vst v63  }
0x1f: {  	_ = 	snop  }
0x20: {  	[tilespmem:s19], [sflag:$0x2] =	stream.indirect.gather [hbm4b:s2+s17], $0x80, s17, s17, $0xb8;
	[tilespmem:$0x1E800] =	vst v63  }
0x21: {  	_ =	swait.ge [sflag:s20], $0x2800  }
0x22: {  	[sflag:s20] =	ssyncset.done $0x0  }
0x23: {  	[sflag:s20] =	ssyncadd.s32 $0xFFFFD800  }
0x24: {  	[bflag:$0x0] =	sbarrier.arrive $0xFFFF  }
0x25: {  	_ =	swait.ge [sflag:s21], $0x4000  }
0x26: {  	[sflag:s21] =	ssyncset.done $0x0  }
0x27: {  	s26 =	simm.s32 $0x1400;
	[sflag:s21] =	ssyncadd.s32 $0xFFFFC000  }
0x28: {  	[spmem:s3] =	stream.indirect.scatter.add.f32 [tilespmem:s18], [sflag:$0x4], $0x80, s26, s17, $0xb8;
	[tilespmem:$0x1E800] =	vst v63  }
0x29: {  	_ =	swait.ge [sflag:s15], $0x4000  }
0x2a: {  	[sflag:s15] =	ssyncset.done $0x0  }
0x2b: {  	s30 =	simm.s32 $0x100;
	[sflag:s15] =	ssyncadd.s32 $0xFFFFC000  }
0x2c: {  	[tilespmem:s18], [sflag:$0x1] =	stream.indirect.gather [hbm4b:s2+s17], $0x80, s30, s17, $0xb8;
	[tilespmem:$0x1E800] =	vst v63  }
0x2d: {  	_ =	swait.ge [sflag:s22], $0x4000  }
0x2e: {  	[sflag:s22] =	ssyncset.done $0x0  }
0x2f: {  	s31 =	simm.s32 $0x1480;
	[sflag:s22] =	ssyncadd.s32 $0xFFFFC000  }
0x30: {  	[spmem:s3] =	stream.indirect.scatter.add.f32 [tilespmem:s19], [sflag:$0x4], $0x80, s31, s17, $0xb8;
	[tilespmem:$0x1E800] =	vst v63  }
0x31: {  	_ =	swait.ge [sflag:s15], $0x4000  }
0x32: {  	[sflag:s15] =	ssyncset.done $0x0  }
0x33: {  	s28 =	simm.s32 $0x180;
	s26 =	simm.s32 $0x400;
	[sflag:s15] =	ssyncadd.s32 $0xFFFFC000  }
.LBB2_2:
0x34: {  	[tilespmem:s19], [sflag:$0x2] =	stream.indirect.gather [hbm4b:s2+s17], $0x80, s28, s17, $0xb8;
	[tilespmem:$0x1E800] =	vst v63  }
0x35: {  	s28 =	smov.u32 s26  }
0x36: {  	p0 =	sne.s32 s26, $0x4800;
	s26 =	sadd.s32 $0x400, s26;
	_ =	swait.ge [sflag:s21], $0x4000  }
0x37: {  	s28 =	sshra.s32 s28, $0x2;
	[sflag:s21] =	ssyncset.done $0x0  }
0x38: {  	s29 =	sadd.s32 $0x1400, s28;
	[sflag:s21] =	ssyncadd.s32 $0xFFFFC000  }
0x39: {  	[spmem:s3] =	stream.indirect.scatter.add.f32 [tilespmem:s18], [sflag:$0x4], $0x80, s29, s17, $0xb8;
	[tilespmem:$0x1E800] =	vst v63  }
0x3a: {  	_ =	swait.ge [sflag:s15], $0x4000  }
0x3b: {  	[sflag:s15] =	ssyncset.done $0x0  }
0x3c: {  	s29 =	sadd.s32 $0x100, s28;
	[sflag:s15] =	ssyncadd.s32 $0xFFFFC000  }
0x3d: {  	[tilespmem:s18], [sflag:$0x1] =	stream.indirect.gather [hbm4b:s2+s17], $0x80, s29, s17, $0xb8;
	[tilespmem:$0x1E800] =	vst v63  }
0x3e: {  	_ =	swait.ge [sflag:s22], $0x4000  }
0x3f: {  	[sflag:s22] =	ssyncset.done $0x0  }
.Ltmp0:
0x40: {  	s29 =	sadd.s32 $0x1480, s28;
	[sflag:s22] =	ssyncadd.s32 $0xFFFFC000;
	(pc) =	sbr.rel @p0 .LBB2_2-.Ltmp0, $4  }
0x41: {  	[spmem:s3] =	stream.indirect.scatter.add.f32 [tilespmem:s19], [sflag:$0x4], $0x80, s29, s17, $0xb8;
	[tilespmem:$0x1E800] =	vst v63  }
0x42: {  	_ =	swait.ge [sflag:s15], $0x4000  }
0x43: {  	[sflag:s15] =	ssyncset.done $0x0  }
0x44: {  	s28 =	sadd.s32 $0x180, s28;
	[sflag:s15] =	ssyncadd.s32 $0xFFFFC000  }
0x45: {  	[tilespmem:s19], [sflag:$0x2] =	stream.indirect.gather [hbm4b:s2+s17], $0x80, s28, s17, $0xb8;
	[tilespmem:$0x1E800] =	vst v63  }
0x46: {  	_ =	swait.ge [sflag:s21], $0x4000  }
0x47: {  	[sflag:s21] =	ssyncset.done $0x0  }
0x48: {  	[sflag:s21] =	ssyncadd.s32 $0xFFFFC000  }
0x49: {  	[spmem:s3] =	stream.indirect.scatter.add.f32 [tilespmem:s18], [sflag:$0x4], $0x80, s23, s17, $0xb8;
	[tilespmem:$0x1E800] =	vst v63  }
0x4a: {  	_ =	swait.ge [sflag:s15], $0x4000  }
0x4b: {  	[sflag:s15] =	ssyncset.done $0x0  }
0x4c: {  	[sflag:s15] =	ssyncadd.s32 $0xFFFFC000  }
0x4d: {  	_ =	swait.ge [sflag:s22], $0x4000  }
0x4e: {  	[sflag:s22] =	ssyncset.done $0x0  }
0x4f: {  	[sflag:s22] =	ssyncadd.s32 $0xFFFFC000  }
0x50: {  	[spmem:s3] =	stream.indirect.scatter.add.f32 [tilespmem:s19], [sflag:$0x4], $0x80, s24, s17, $0xb8;
	[tilespmem:$0x1E800] =	vst v63  }
0x51: {  	_ =	swait.ge [sflag:s15], $0x4000  }
0x52: {  	[sflag:s15] =	ssyncset.done $0x0  }
0x53: {  	s26 =	simm.s32 $0x0;
	[sflag:s15] =	ssyncadd.s32 $0xFFFFC000  }
0x54: {  	[tilespmem:s26], [sflag:$0x4] =	stream.linear.gather [hbm4b:s10+s26], $0x1400, $0x38;
	[tilespmem:$0x1E800] =	vst v63  }
0x55: {  	_ =	swait.ge [sflag:s15], $0x1400  }
0x56: {  	[sflag:s15] =	ssyncset.done $0x0  }
0x57: {  	[sflag:s15] =	ssyncadd.s32 $0xFFFFEC00  }
0x58: {  	[tilespmem:s16], [sflag:$0x4] =	stream.linear.gather [hbm4b:s11+s26], $0x1400, $0x38;
	[tilespmem:$0x1E800] =	vst v63  }
0x59: {  	_ =	swait.ge [sflag:s15], $0x1400  }
0x5a: {  	[sflag:s15] =	ssyncset.done $0x0  }
0x5b: {  	[sflag:s15] =	ssyncadd.s32 $0xFFFFEC00  }
0x5c: {  	[tilespmem:s18], [sflag:$0x1] =	stream.indirect.gather [hbm4b:s2+s17], $0x80, s26, s17, $0xb8;
	[tilespmem:$0x1E800] =	vst v63  }
0x5d: {  	_ = 	snop  }
0x5e: {  	[tilespmem:s19], [sflag:$0x2] =	stream.indirect.gather [hbm4b:s2+s17], $0x80, s17, s17, $0xb8;
	[tilespmem:$0x1E800] =	vst v63  }
0x5f: {  	_ =	swait.ge [sflag:s21], $0x4000  }
0x60: {  	[sflag:s21] =	ssyncset.done $0x0  }
0x61: {  	s29 =	simm.s32 $0x1400;
	[sflag:s21] =	ssyncadd.s32 $0xFFFFC000  }
0x62: {  	[spmem:s3] =	stream.indirect.scatter.add.f32 [tilespmem:s18], [sflag:$0x4], $0x80, s29, s17, $0xb8;
	[tilespmem:$0x1E800] =	vst v63  }
0x63: {  	_ =	swait.ge [sflag:s15], $0x4000  }
0x64: {  	[sflag:s15] =	ssyncset.done $0x0  }
0x65: {  	s30 =	simm.s32 $0x100;
	[sflag:s15] =	ssyncadd.s32 $0xFFFFC000  }
0x66: {  	[tilespmem:s18], [sflag:$0x1] =	stream.indirect.gather [hbm4b:s2+s17], $0x80, s30, s17, $0xb8;
	[tilespmem:$0x1E800] =	vst v63  }
0x67: {  	_ =	swait.ge [sflag:s22], $0x4000  }
0x68: {  	[sflag:s22] =	ssyncset.done $0x0  }
0x69: {  	s31 =	simm.s32 $0x1480;
	[sflag:s22] =	ssyncadd.s32 $0xFFFFC000  }
0x6a: {  	[spmem:s3] =	stream.indirect.scatter.add.f32 [tilespmem:s19], [sflag:$0x4], $0x80, s31, s17, $0xb8;
	[tilespmem:$0x1E800] =	vst v63  }
0x6b: {  	_ =	swait.ge [sflag:s15], $0x4000  }
0x6c: {  	[sflag:s15] =	ssyncset.done $0x0  }
0x6d: {  	s28 =	simm.s32 $0x180;
	s26 =	simm.s32 $0x400;
	[sflag:s15] =	ssyncadd.s32 $0xFFFFC000  }
.LBB2_4:
0x6e: {  	[tilespmem:s19], [sflag:$0x2] =	stream.indirect.gather [hbm4b:s2+s17], $0x80, s28, s17, $0xb8;
	[tilespmem:$0x1E800] =	vst v63  }
0x6f: {  	s28 =	smov.u32 s26  }
0x70: {  	p0 =	sne.s32 s26, $0x4800;
	s26 =	sadd.s32 $0x400, s26;
	_ =	swait.ge [sflag:s21], $0x4000  }
0x71: {  	s28 =	sshra.s32 s28, $0x2;
	[sflag:s21] =	ssyncset.done $0x0  }
0x72: {  	s29 =	sadd.s32 $0x1400, s28;
	[sflag:s21] =	ssyncadd.s32 $0xFFFFC000  }
0x73: {  	[spmem:s3] =	stream.indirect.scatter.add.f32 [tilespmem:s18], [sflag:$0x4], $0x80, s29, s17, $0xb8;
	[tilespmem:$0x1E800] =	vst v63  }
0x74: {  	_ =	swait.ge [sflag:s15], $0x4000  }
0x75: {  	[sflag:s15] =	ssyncset.done $0x0  }
0x76: {  	s29 =	sadd.s32 $0x100, s28;
	[sflag:s15] =	ssyncadd.s32 $0xFFFFC000  }
0x77: {  	[tilespmem:s18], [sflag:$0x1] =	stream.indirect.gather [hbm4b:s2+s17], $0x80, s29, s17, $0xb8;
	[tilespmem:$0x1E800] =	vst v63  }
0x78: {  	_ =	swait.ge [sflag:s22], $0x4000  }
0x79: {  	[sflag:s22] =	ssyncset.done $0x0  }
.Ltmp1:
0x7a: {  	s29 =	sadd.s32 $0x1480, s28;
	[sflag:s22] =	ssyncadd.s32 $0xFFFFC000;
	(pc) =	sbr.rel @p0 .LBB2_4-.Ltmp1, $4  }
0x7b: {  	[spmem:s3] =	stream.indirect.scatter.add.f32 [tilespmem:s19], [sflag:$0x4], $0x80, s29, s17, $0xb8;
	[tilespmem:$0x1E800] =	vst v63  }
0x7c: {  	_ =	swait.ge [sflag:s15], $0x4000  }
0x7d: {  	[sflag:s15] =	ssyncset.done $0x0  }
0x7e: {  	s28 =	sadd.s32 $0x180, s28;
	[sflag:s15] =	ssyncadd.s32 $0xFFFFC000  }
0x7f: {  	[tilespmem:s19], [sflag:$0x2] =	stream.indirect.gather [hbm4b:s2+s17], $0x80, s28, s17, $0xb8;
	[tilespmem:$0x1E800] =	vst v63  }
0x80: {  	_ =	swait.ge [sflag:s21], $0x4000  }
0x81: {  	[sflag:s21] =	ssyncset.done $0x0  }
0x82: {  	[sflag:s21] =	ssyncadd.s32 $0xFFFFC000  }
0x83: {  	[spmem:s3] =	stream.indirect.scatter.add.f32 [tilespmem:s18], [sflag:$0x4], $0x80, s23, s17, $0xb8;
	[tilespmem:$0x1E800] =	vst v63  }
0x84: {  	_ =	swait.ge [sflag:s15], $0x4000  }
0x85: {  	[sflag:s15] =	ssyncset.done $0x0  }
0x86: {  	[sflag:s15] =	ssyncadd.s32 $0xFFFFC000  }
0x87: {  	_ =	swait.ge [sflag:s22], $0x4000  }
0x88: {  	[sflag:s22] =	ssyncset.done $0x0  }
0x89: {  	[sflag:s22] =	ssyncadd.s32 $0xFFFFC000  }
0x8a: {  	[spmem:s3] =	stream.indirect.scatter.add.f32 [tilespmem:s19], [sflag:$0x4], $0x80, s24, s17, $0xb8;
	[tilespmem:$0x1E800] =	vst v63  }
0x8b: {  	_ =	swait.ge [sflag:s15], $0x4000  }
0x8c: {  	s25 =	sadd.s32 $0x1, s25;
	[sflag:s15] =	ssyncset.done $0x0  }
0x8d: {  	p0 =	sne.s32 s25, s13;
	[sflag:s15] =	ssyncadd.s32 $0xFFFFC000  }
.Ltmp2:
0x8e: {  	s26 =	sor.u32 $0x1C04, s5;
	[bflag:$0x0] =	sbarrier.arrive $0xFFFF;
	(pc) =	sbr.rel @p0 .LBB2_1-.Ltmp2, $4  }
0x8f: {  	[hbm:s12], [sflag:s26] =	dma.local [spmem:s14], $0x2800  }
0x90: {  	_ =	swait.ge [sflag:s15], $0x2800  }
0x91: {  	[sflag:s15] =	ssyncset.done $0x0  }
0x92: {  	[sflag:s15] =	ssyncadd.s32 $0xFFFFD800  }
0x93: {  	_ =	sfence.sel $0x180000  }
0x94: {  	[bflag:$0x0] =	sbarrier.arrive $0xFFFF  }
0x95: {  	p0 =	sne.s32 s1, $0x0;
	_ =	strace $0x9000004A  }
0x96: {  	s0 =	sadd.s32 @!p0 $0x100000, s0;
	[bflag:$0x2] =	sbarrier.arrive $0xFFFF  }
0x97: {  	[sflag:s0] =	ssyncadd.tile.s32 @!p0 $0x1;
	_ =	shalt  }
.Lfunc_end2:
_tile_overlayer_lowered:
.L_overlay_start_2:
0x98: {  	(tag) =	ssettag $0x2  }
0x99: {  	s0 =	rddreg [dreg:$0x0];
	s2 =	stileid.u32  }
0x9a: {  	s1 =	rddreg [dreg:$0x1];
	p0 =	sne.s32 s2, $0x0  }
0x9b: {  	s3 =	rddreg [dreg:$0x2];
	[bflag:$0x3] =	sbarrier.arrive $0xFFFF;
	s2 =	simm.s32 @!p0 $0x1C04  }
0x9c: {  	[timem:s3], [sflag:s2] =	dma.local @!p0 [hbm:s0], s1  }
0x9d: {  	s0 =	simm.s32 @!p0 $0x4  }
0x9e: {  	_ =	swait.ge @!p0 [sflag:s0], s1  }
0x9f: {  	s1 =	ssub.s32 @!p0 $0x0, s1;
	[sflag:s0] =	ssyncset.done @!p0 $0x0  }
0xa0: {  	[sflag:s0] =	ssyncadd.s32 @!p0 s1  }
0xa1: {  	[bflag:$0x3] =	sbarrier.arrive $0xFFFF  }
0xa2: {  	_ =	shalt  }

// kernel: kernel.16.cloned.1.call-start
scs
__scs_entry_jumppad:
0x0: {  	(pc) =	sbr.rel $0x88, $3  }
0x1: {  	(tag) =	ssettag $0x0;
	lr =	simm.s32 $0x1  }
0x2: {  	[smem:$0x3F8F] =	sst lr;
	_ =	strace $0xD0000000  }
0x3: {  	_ = 	snop  }
0x4: {  	_ = 	snop  }
0x5: {  	_ = 	snop  }
0x6: {  	_ = 	snop  }
0x7: {  	_ = 	snop  }
__scs_overlays_trampoline_lowered:
0x8: {  	[smem:$0x3F9E] =	sst s0  }
0x9: {  	[smem:$0x3F9F] =	sst s1  }
0xa: {  	[smem:$0x3FA0] =	sst s2  }
0xb: {  	[smem:$0x3FA1] =	sst s3  }
0xc: {  	[smem:$0x3FA2] =	sst s4  }
0xd: {  	[smem:$0x3FA3] =	sst s5  }
0xe: {  	[smem:$0x3FA4] =	sst s6  }
0xf: {  	[smem:$0x3FA5] =	sst s7  }
0x10: {  	[smem:$0x3FA6] =	sst s8  }
0x11: {  	[smem:$0x3FA7] =	sst s9;
	s0 =	simm.s32 @!p0 $0x0  }
0x12: {  	s1 =	sld [smem:$0x3F8D];
	s0 =	simm.s32 @p0 $0x1  }
0x13: {  	[smem:$0x3FA8] =	sst s0;
	s0 =	simm.s32 @!p1 $0x0  }
0x14: {  	s2 =	sld [smem:$0x3F8C];
	s0 =	simm.s32 @p1 $0x1  }
0x15: {  	[smem:$0x3FA9] =	sst s0;
	s0 =	simm.s32 @!p2 $0x0  }
0x16: {  	s3 =	sld [smem:$0x3FDB];
	s0 =	simm.s32 @p2 $0x1  }
0x17: {  	s4 =	simm.s32 $0x1BF5;
	[smem:$0x3FAB] =	sst s0  }
0x18: {  	s0 =	sld [smem:$0x3F8E];
	_ =	swait.ge [sflag:s4], $0x0  }
0x19: {  	s7 =	sld [smem:$0x3F8F]  }
0x1a: {  	s8 =	sadd.s32 $0xFFFFE003, lr  }
0x1b: {  	s9 =	sadd.s32 $0xFFFFFEF7, lr;
	s5 =	simm.s32 $0xFFFFFFFF;
	p2 =	slt.u32 s8, $0xFFFFF086  }
0x1c: {  	p1 =	slt.u32 s9, $0xF7A;
	s5 =	simm.s32 @!p2 $0x0  }
0x1d: {  	s5 =	simm.s32 @p1 $0x1;
	p0 =	seq.s32 s7, s2  }
0x1e: {  	s7 =	smul.u32 @!p0 $0xF7A, s2;
	p2 =	seq.s32 @!p0 s5, $0x0  }
0x1f: {  	s9 =	smul.u32 $0xF7A, s1;
	s8 =	simm.s32 @!p0 $0x1BF5;
	p2 =	por !p2, p0  }
0x20: {  	[sflag:s8] =	ssyncset.s32 @!p0 $0xFFFFF086;
	s6 =	sadd.s32 @!p0 s3, s7;
	s7 =	simm.s32 @!p0 $0x108  }
0x21: {  	s3 =	sadd.s32 s3, s9;
	s6 =	sadd.s32 @!p0 $0x88, s6;
	s7 =	simm.s32 @p2 $0x1082  }
0x22: {  	[simem:s7], [sflag:s8] =	dma.local @!p0 [hbm:s6], $0xF7A  }
0x23: {  	s9 =	sor.u32 $0xD0000000, s2;
	s6 =	simm.s32 $0x108;
	_ =	swait.ge @!p0 [sflag:s8], $0x0  }
0x24: {  	s3 =	sadd.s32 $0x88, s3;
	s6 =	simm.s32 @!p1 $0x1082;
	[sflag:s4] =	ssyncset.s32 $0xFFFFF086  }
0x25: {  	[simem:s6], [sflag:s4] =	dma.local [hbm:s3], $0xF7A  }
0x26: {  	[smem:$0x3F8F] =	sst s1;
	(tag) =	ssettag s2;
	_ =	strace s9  }
0x27: {  	s1 =	sld [smem:$0x3F9F]  }
0x28: {  	s2 =	sld [smem:$0x3FA0]  }
0x29: {  	s4 =	sld [smem:$0x3FA2]  }
0x2a: {  	p0 =	seq.s32 s5, $0x0;
	s5 =	sld [smem:$0x3FA3]  }
0x2b: {  	s6 =	sld [smem:$0x3FA4]  }
0x2c: {  	s7 =	sld [smem:$0x3FA5]  }
0x2d: {  	s3 =	simm.s32 $0x108;
	s8 =	sld [smem:$0x3FA6]  }
0x2e: {  	s3 =	simm.s32 @!p0 $0x1082;
	s9 =	sld [smem:$0x3FA7]  }
0x2f: {  	lr =	sadd.s32 s0, s3;
	s0 =	sld [smem:$0x3F9E]  }
0x30: {  	s3 =	sld [smem:$0x3FA1]  }
0x31: {  	[smem:$0x3FAA] =	sst s10  }
0x32: {  	s10 =	sld [smem:$0x3FA8];
	_ =	sdelay $0x3  }
0x33: {  	p0 =	seq.s32 s10, $0x1;
	s10 =	sld [smem:$0x3FAA];
	_ =	sdelay $0x3  }
0x34: {  	[smem:$0x3FAA] =	sst s10  }
0x35: {  	s10 =	sld [smem:$0x3FA9];
	_ =	sdelay $0x3  }
0x36: {  	p1 =	seq.s32 s10, $0x1;
	s10 =	sld [smem:$0x3FAA];
	_ =	sdelay $0x3  }
0x37: {  	[smem:$0x3FAA] =	sst s10  }
0x38: {  	s10 =	sld [smem:$0x3FAB]  }
0x39: {  	_ = 	snop;
	(pc) =	sbr.ind lr, $3  }
0x3a: {  	_ = 	snop  }
0x3b: {  	_ = 	snop  }
0x3c: {  	p2 =	seq.s32 s10, $0x1;
	s10 =	sld [smem:$0x3FAA]  }
0x3d: {  	_ =	shalt  }
0x3e: {  	_ =	shalt  }
0x3f: {  	_ =	shalt  }
0x40: {  	_ =	shalt  }
0x41: {  	_ =	shalt  }
0x42: {  	_ =	shalt  }
0x43: {  	_ =	shalt  }
0x44: {  	_ =	shalt  }
0x45: {  	_ =	shalt  }
0x46: {  	_ =	shalt  }
0x47: {  	_ =	shalt  }
0x48: {  	_ =	shalt  }
0x49: {  	_ =	shalt  }
0x4a: {  	_ =	shalt  }
0x4b: {  	_ =	shalt  }
0x4c: {  	_ =	shalt  }
0x4d: {  	_ =	shalt  }
0x4e: {  	_ =	shalt  }
0x4f: {  	_ =	shalt  }
0x50: {  	_ =	shalt  }
0x51: {  	_ =	shalt  }
0x52: {  	_ =	shalt  }
0x53: {  	_ =	shalt  }
0x54: {  	_ =	shalt  }
0x55: {  	_ =	shalt  }
0x56: {  	_ =	shalt  }
0x57: {  	_ =	shalt  }
0x58: {  	_ =	shalt  }
0x59: {  	_ =	shalt  }
0x5a: {  	_ =	shalt  }
0x5b: {  	_ =	shalt  }
0x5c: {  	_ =	shalt  }
0x5d: {  	_ =	shalt  }
0x5e: {  	_ =	shalt  }
0x5f: {  	_ =	shalt  }
0x60: {  	_ =	shalt  }
0x61: {  	_ =	shalt  }
0x62: {  	_ =	shalt  }
0x63: {  	_ =	shalt  }
0x64: {  	_ =	shalt  }
0x65: {  	_ =	shalt  }
0x66: {  	_ =	shalt  }
0x67: {  	_ =	shalt  }
0x68: {  	_ =	shalt  }
0x69: {  	_ =	shalt  }
0x6a: {  	_ =	shalt  }
0x6b: {  	_ =	shalt  }
0x6c: {  	_ =	shalt  }
0x6d: {  	_ =	shalt  }
0x6e: {  	_ =	shalt  }
0x6f: {  	_ =	shalt  }
0x70: {  	_ =	shalt  }
0x71: {  	_ =	shalt  }
0x72: {  	_ =	shalt  }
0x73: {  	_ =	shalt  }
0x74: {  	_ =	shalt  }
0x75: {  	_ =	shalt  }
0x76: {  	_ =	shalt  }
0x77: {  	_ =	shalt  }
0x78: {  	_ =	shalt  }
0x79: {  	_ =	shalt  }
0x7a: {  	_ =	shalt  }
0x7b: {  	_ =	shalt  }
0x7c: {  	_ =	shalt  }
0x7d: {  	_ =	shalt  }
0x7e: {  	_ =	shalt  }
0x7f: {  	_ =	shalt  }
0x80: {  	_ =	shalt  }
0x81: {  	_ =	shalt  }
0x82: {  	_ =	shalt  }
0x83: {  	_ =	shalt  }
0x84: {  	_ =	shalt  }
0x85: {  	_ =	shalt  }
0x86: {  	_ =	shalt  }
0x87: {  	_ =	shalt  }
.Lfunc_end0:
.L_simem_size_0:
called_computation.2_lowered:
.L_overlay_start_0:
0x88: {  	s2 =	sld [smem:$0x3FD9]  }
0x89: {  	s3 =	sld [smem:$0x3FFE];
	_ =	sdelay $0x1  }
0x8a: {  	s1 =	srdreg.scid  }
0x8b: {  	s0 =	sand.u32 $0x1, s1  }
0x8c: {  	s17 =	sshll.u32 s0, $0xA;
	s2 =	sadd.s32 s3, s2  }
0x8d: {  	s2 =	sadd.s32 s2, s17  }
0x8e: {  	[smem:$0x3FB6] =	sst s2  }
0x8f: {  	_ = 	snop  }
0x90: {  	s2 =	sld [smem:$0x3FD0];
	(tm) =	ssettm $0x1  }
0x91: {  	s18 =	sld [smem:$0x3FFB];
	_ =	sdelay $0x3  }
0x92: {  	_ =	strace s18  }
0x93: {  	s3 =	sld [smem:$0x3FFC];
	_ =	sdelay $0x3  }
0x94: {  	_ =	strace s3  }
0x95: {  	s3 =	sld [smem:$0x3FFD];
	_ =	sdelay $0x3  }
0x96: {  	_ =	strace s3  }
0x97: {  	_ =	strace $0x8FFFFFFF  }
0x98: {  	s19 =	sld [smem:$0x3FDB];
	_ =	sdelay $0x1  }
0x99: {  	s4 =	simm.s32 $_scs_section_size  }
0x9a: {  	s5 =	simm.s32 $_size__tile_overlayer_lowered;
	s6 =	simm.s32 $_tile_overlayer_lowered  }
0x9b: {  	s22 =	simm.s32 $0x1BFF;
	s21 =	sshll.u32 s6, $0x1;
	s3 =	sadd.s32 s4, s19  }
0x9c: {  	s7 =	simm.s32 $0x0;
	s20 =	sshll.u32 s5, $0x1;
	s5 =	sadd.s32 s21, s3  }
0x9d: {  	[timem:s7], [sflag:s22] =	dma.local [hbm:s5], s20  }
0x9e: {  	_ =	swait.ge [sflag:s22], s20  }
0x9f: {  	s4 =	ssub.s32 $0x0, s20;
	[sflag:s22] =	ssyncset.done $0x0  }
0xa0: {  	[sflag:s22] =	ssyncadd.s32 s4;
	_ =	sdelay $0x1  }
0xa1: {  	s23 =	simm.s32 $0x1B8B  }
0xa2: {  	_ =	swait.ge [sflag:s23], $0x1  }
0xa3: {  	[sflag:s23] =	ssyncset.done $0x0  }
0xa4: {  	s25 =	simm.s32 $0x1B8E;
	s24 =	sld [smem:$0x3FFE];
	[sflag:s23] =	ssyncadd.s32 $0xFFFFFFFF  }
0xa5: {  	s26 =	simm.s32 $execute0_lowered;
	[smem:$0x3FD2] =	sst s25  }
0xa6: {  	s5 =	sshll.u32 s26, $0x1;
	_ =	strace $0x8000004C;
	[dreg:$0x1] =	wrdreg $0xFFFFFFFF  }
0xa7: {  	s28 =	simm.s32 $_size_execute0_lowered;
	s3 =	sadd.s32 s3, s5;
	[dreg:$0x0] =	wrdreg $0x0  }
0xa8: {  	s5 =	sshll.u32 s28, $0x1;
	[dreg:$0x2] =	wrdreg s3  }
0xa9: {  	[dreg:$0x3] =	wrdreg s5  }
0xaa: {  	[dreg:$0x4] =	wrdreg $0xC0  }
0xab: {  	_ =	task [dreg:s7], $0x5FFFF  }
0xac: {  	[dreg:$0x1] =	wrdreg $0xFFFFFFFF  }
0xad: {  	[dreg:$0x0] =	wrdreg $0x60  }
0xae: {  	[dreg:$0x2] =	wrdreg s2  }
0xaf: {  	[dreg:$0x3] =	wrdreg s24  }
0xb0: {  	[dreg:$0x4] =	wrdreg $0xA8000  }
0xb1: {  	[dreg:$0x5] =	wrdreg $0x9  }
0xb2: {  	_ =	task.clear_ibuf [dreg:s7], $0x6FFFF;
	_ =	strace $0x9000004C  }
0xb3: {  	s29 =	simm.s32 $0x9;
	_ =	strace $0x8000004E  }
0xb4: {  	_ =	swait.ge [sflag:s29], $0x1  }
0xb5: {  	[sflag:s29] =	ssyncadd.s32 $0xFFFFFFFF  }
0xb6: {  	_ =	strace $0x9000004E  }
0xb7: {  	_ =	sfence  }
0xb8: {  	s30 =	sld [smem:$0x0];
	_ =	sdelay $0x2  }
0xb9: {  	s31 =	sshll.u32 s1, $0xD;
	s1 =	sshrl.u32 s1, $0x2  }
0xba: {  	s3 =	sand.u32 $0x4000, s31;
	s1 =	sadd.s32 s1, s30  }
0xbb: {  	s0 =	sor.u32 s3, s0;
	s1 =	sshll.u32 s1, $0x11  }
0xbc: {  	s0 =	sor.u32 s1, s0  }
0xbd: {  	s0 =	sadd.s32 $0x8F2B, s0  }
0xbe: {  	[sflag:s0] =	ssyncadd.remote.s32 $0x1  }
0xbf: {  	_ =	sfence.sel $0xFFFF  }
0xc0: {  	[dreg:$0x0] =	wrdreg $0xFFFFFFFF;
	(pc) =	sbr.abs _section_cstart, $3  }
0xc1: {  	[dreg:$0x1] =	wrdreg $0xFFFFFFFF  }
0xc2: {  	_ =	task.clear_ibuf [dreg:s7], $0x2FFFF;
	_ =	strace $0x9FFFFFFF  }
0xc3: {  	(tm) =	ssettm $0x7FFFFFFF  }
tec
execute0_lowered:
.L_overlay_start_1:
0x0: {  	(tag) =	ssettag $0x1  }
0x1: {  	s2 =	rddreg [dreg:$0x0]  }
0x2: {  	s5 =	rddreg [dreg:$0x1]  }
0x3: {  	s3 =	rddreg [dreg:$0x2]  }
0x4: {  	s0 =	rddreg [dreg:$0x3]  }
0x5: {  	s1 =	stileid.u32;
	s4 =	simm.s32 $0x0;
	s7 =	srdreg.scid  }
0x6: {  	s17 =	simm.s32 $0x80;
	s18 =	simm.s32 $0x2800;
	s19 =	simm.s32 $0x6800  }
0x7: {  	s20 =	simm.s32 $0x3;
	s21 =	simm.s32 $0x1;
	s22 =	simm.s32 $0x2  }
0x8: {  	s23 =	simm.s32 $0x2700;
	s24 =	simm.s32 $0x2780;
	s25 =	simm.s32 $0x0  }
0x9: {  	s6 =	smul.u32 $0x14000, s1;
	[smem:$0x7FF] =	sst s4;
	s7 =	sand.u32 $0x1, s7  }
0xa: {  	s10 =	sadd.s32 $0xE200, s5;
	s11 =	sadd.s32 $0x4200, s5;
	s12 =	smul.u32 $0x50000, s1  }
0xb: {  	s28 =	sshll.u32 s1, $0x1;
	_ =	strace $0x8000004D;
	s9 =	smul.u32 $0x140000, s7  }
0xc: {  	s13 =	ssub.s32 $0x2, s7;
	s7 =	sor.u32 s7, s28;
	s8 =	sshrl.u32 s6, $0x3  }
0xd: {  	s29 =	sshrl.u32 s13, $0x1;
	s12 =	sshrl.u32 s12, $0x2;
	s14 =	smul.u32 $0x2800, s7  }
0xe: {  	s30 =	smul.u32 $0x500, s7;
	s8 =	sadd.s32 s8, s5;
	s6 =	sadd.s32 s6, s9  }
0xf: {  	s13 =	ssub.s32 s13, s29;
	s16 =	sadd.s32 s12, s3;
	s6 =	sshrl.u32 s6, $0x3  }
0x10: {  	s31 =	sshrl.u32 s14, $0x3;
	s9 =	sadd.s32 s11, s30;
	s13 =	smax.u32 s13, $0x1  }
0x11: {  	s14 =	sshrl.u32 s16, $0x3;
	s16 =	simm.s32 $0x1400;
	s15 =	sadd.s32 s6, s5  }
0x12: {  	s5 =	sshll.u32 s1, $0x6;
	s6 =	sadd.s32 $0x18200, s8;
	s12 =	sadd.s32 $0x280, s31  }
0x13: {  	s8 =	sadd.s32 s10, s30;
	s7 =	sor.u32 $0x1C03, s5;
	s10 =	sadd.s32 s10, s12  }
0x14: {  	s11 =	sadd.s32 s11, s12;
	s12 =	sadd.s32 $0x40200, s15;
	s15 =	simm.s32 $0x4  }
.LBB2_1:
0x15: {  	[spmem:s14], [sflag:s7] =	dma.local [hbm:s6], $0x2800  }
0x16: {  	[tilespmem:s4], [sflag:$0x4] =	stream.linear.gather [hbm4b:s8+s4], $0x1400, $0x38;
	[tilespmem:$0x1E800] =	vst v63  }
0x17: {  	_ =	swait.ge [sflag:s15], $0x1400  }
0x18: {  	[sflag:s15] =	ssyncset.done $0x0  }
0x19: {  	[sflag:s15] =	ssyncadd.s32 $0xFFFFEC00  }
0x1a: {  	[tilespmem:s16], [sflag:$0x4] =	stream.linear.gather [hbm4b:s9+s4], $0x1400, $0x38;
	[tilespmem:$0x1E800] =	vst v63  }
0x1b: {  	_ =	swait.ge [sflag:s15], $0x1400  }
0x1c: {  	[sflag:s15] =	ssyncset.done $0x0  }
0x1d: {  	[sflag:s15] =	ssyncadd.s32 $0xFFFFEC00  }
0x1e: {  	[tilespmem:s18], [sflag:$0x1] =	stream.indirect.gather [hbm4b:s2+s17], $0x80, s4, s17, $0xb8;
	[tilespmem:$0x1E800] =	vst v63  }
0x1f: {  	_ = 	snop  }
0x20: {  	[tilespmem:s19], [sflag:$0x2] =	stream.indirect.gather [hbm4b:s2+s17], $0x80, s17, s17, $0xb8;
	[tilespmem:$0x1E800] =	vst v63  }
0x21: {  	_ =	swait.ge [sflag:s20], $0x2800  }
0x22: {  	[sflag:s20] =	ssyncset.done $0x0  }
0x23: {  	[sflag:s20] =	ssyncadd.s32 $0xFFFFD800  }
0x24: {  	[bflag:$0x0] =	sbarrier.arrive $0xFFFF  }
0x25: {  	_ =	swait.ge [sflag:s21], $0x4000  }
0x26: {  	[sflag:s21] =	ssyncset.done $0x0  }
0x27: {  	s26 =	simm.s32 $0x1400;
	[sflag:s21] =	ssyncadd.s32 $0xFFFFC000  }
0x28: {  	[spmem:s3] =	stream.indirect.scatter.add.f32 [tilespmem:s18], [sflag:$0x4], $0x80, s26, s17, $0xb8;
	[tilespmem:$0x1E800] =	vst v63  }
0x29: {  	_ =	swait.ge [sflag:s15], $0x4000  }
0x2a: {  	[sflag:s15] =	ssyncset.done $0x0  }
0x2b: {  	s30 =	simm.s32 $0x100;
	[sflag:s15] =	ssyncadd.s32 $0xFFFFC000  }
0x2c: {  	[tilespmem:s18], [sflag:$0x1] =	stream.indirect.gather [hbm4b:s2+s17], $0x80, s30, s17, $0xb8;
	[tilespmem:$0x1E800] =	vst v63  }
0x2d: {  	_ =	swait.ge [sflag:s22], $0x4000  }
0x2e: {  	[sflag:s22] =	ssyncset.done $0x0  }
0x2f: {  	s31 =	simm.s32 $0x1480;
	[sflag:s22] =	ssyncadd.s32 $0xFFFFC000  }
0x30: {  	[spmem:s3] =	stream.indirect.scatter.add.f32 [tilespmem:s19], [sflag:$0x4], $0x80, s31, s17, $0xb8;
	[tilespmem:$0x1E800] =	vst v63  }
0x31: {  	_ =	swait.ge [sflag:s15], $0x4000  }
0x32: {  	[sflag:s15] =	ssyncset.done $0x0  }
0x33: {  	s28 =	simm.s32 $0x180;
	s26 =	simm.s32 $0x400;
	[sflag:s15] =	ssyncadd.s32 $0xFFFFC000  }
.LBB2_2:
0x34: {  	[tilespmem:s19], [sflag:$0x2] =	stream.indirect.gather [hbm4b:s2+s17], $0x80, s28, s17, $0xb8;
	[tilespmem:$0x1E800] =	vst v63  }
0x35: {  	s28 =	smov.u32 s26  }
0x36: {  	p0 =	sne.s32 s26, $0x4800;
	s26 =	sadd.s32 $0x400, s26;
	_ =	swait.ge [sflag:s21], $0x4000  }
0x37: {  	s28 =	sshra.s32 s28, $0x2;
	[sflag:s21] =	ssyncset.done $0x0  }
0x38: {  	s29 =	sadd.s32 $0x1400, s28;
	[sflag:s21] =	ssyncadd.s32 $0xFFFFC000  }
0x39: {  	[spmem:s3] =	stream.indirect.scatter.add.f32 [tilespmem:s18], [sflag:$0x4], $0x80, s29, s17, $0xb8;
	[tilespmem:$0x1E800] =	vst v63  }
0x3a: {  	_ =	swait.ge [sflag:s15], $0x4000  }
0x3b: {  	[sflag:s15] =	ssyncset.done $0x0  }
0x3c: {  	s29 =	sadd.s32 $0x100, s28;
	[sflag:s15] =	ssyncadd.s32 $0xFFFFC000  }
0x3d: {  	[tilespmem:s18], [sflag:$0x1] =	stream.indirect.gather [hbm4b:s2+s17], $0x80, s29, s17, $0xb8;
	[tilespmem:$0x1E800] =	vst v63  }
0x3e: {  	_ =	swait.ge [sflag:s22], $0x4000  }
0x3f: {  	[sflag:s22] =	ssyncset.done $0x0  }
.Ltmp0:
0x40: {  	s29 =	sadd.s32 $0x1480, s28;
	[sflag:s22] =	ssyncadd.s32 $0xFFFFC000;
	(pc) =	sbr.rel @p0 .LBB2_2-.Ltmp0, $4  }
0x41: {  	[spmem:s3] =	stream.indirect.scatter.add.f32 [tilespmem:s19], [sflag:$0x4], $0x80, s29, s17, $0xb8;
	[tilespmem:$0x1E800] =	vst v63  }
0x42: {  	_ =	swait.ge [sflag:s15], $0x4000  }
0x43: {  	[sflag:s15] =	ssyncset.done $0x0  }
0x44: {  	s28 =	sadd.s32 $0x180, s28;
	[sflag:s15] =	ssyncadd.s32 $0xFFFFC000  }
0x45: {  	[tilespmem:s19], [sflag:$0x2] =	stream.indirect.gather [hbm4b:s2+s17], $0x80, s28, s17, $0xb8;
	[tilespmem:$0x1E800] =	vst v63  }
0x46: {  	_ =	swait.ge [sflag:s21], $0x4000  }
0x47: {  	[sflag:s21] =	ssyncset.done $0x0  }
0x48: {  	[sflag:s21] =	ssyncadd.s32 $0xFFFFC000  }
0x49: {  	[spmem:s3] =	stream.indirect.scatter.add.f32 [tilespmem:s18], [sflag:$0x4], $0x80, s23, s17, $0xb8;
	[tilespmem:$0x1E800] =	vst v63  }
0x4a: {  	_ =	swait.ge [sflag:s15], $0x4000  }
0x4b: {  	[sflag:s15] =	ssyncset.done $0x0  }
0x4c: {  	[sflag:s15] =	ssyncadd.s32 $0xFFFFC000  }
0x4d: {  	_ =	swait.ge [sflag:s22], $0x4000  }
0x4e: {  	[sflag:s22] =	ssyncset.done $0x0  }
0x4f: {  	[sflag:s22] =	ssyncadd.s32 $0xFFFFC000  }
0x50: {  	[spmem:s3] =	stream.indirect.scatter.add.f32 [tilespmem:s19], [sflag:$0x4], $0x80, s24, s17, $0xb8;
	[tilespmem:$0x1E800] =	vst v63  }
0x51: {  	_ =	swait.ge [sflag:s15], $0x4000  }
0x52: {  	[sflag:s15] =	ssyncset.done $0x0  }
0x53: {  	s26 =	simm.s32 $0x0;
	[sflag:s15] =	ssyncadd.s32 $0xFFFFC000  }
0x54: {  	[tilespmem:s26], [sflag:$0x4] =	stream.linear.gather [hbm4b:s10+s26], $0x1400, $0x38;
	[tilespmem:$0x1E800] =	vst v63  }
0x55: {  	_ =	swait.ge [sflag:s15], $0x1400  }
0x56: {  	[sflag:s15] =	ssyncset.done $0x0  }
0x57: {  	[sflag:s15] =	ssyncadd.s32 $0xFFFFEC00  }
0x58: {  	[tilespmem:s16], [sflag:$0x4] =	stream.linear.gather [hbm4b:s11+s26], $0x1400, $0x38;
	[tilespmem:$0x1E800] =	vst v63  }
0x59: {  	_ =	swait.ge [sflag:s15], $0x1400  }
0x5a: {  	[sflag:s15] =	ssyncset.done $0x0  }
0x5b: {  	[sflag:s15] =	ssyncadd.s32 $0xFFFFEC00  }
0x5c: {  	[tilespmem:s18], [sflag:$0x1] =	stream.indirect.gather [hbm4b:s2+s17], $0x80, s26, s17, $0xb8;
	[tilespmem:$0x1E800] =	vst v63  }
0x5d: {  	_ = 	snop  }
0x5e: {  	[tilespmem:s19], [sflag:$0x2] =	stream.indirect.gather [hbm4b:s2+s17], $0x80, s17, s17, $0xb8;
	[tilespmem:$0x1E800] =	vst v63  }
0x5f: {  	_ =	swait.ge [sflag:s21], $0x4000  }
0x60: {  	[sflag:s21] =	ssyncset.done $0x0  }
0x61: {  	s29 =	simm.s32 $0x1400;
	[sflag:s21] =	ssyncadd.s32 $0xFFFFC000  }
0x62: {  	[spmem:s3] =	stream.indirect.scatter.add.f32 [tilespmem:s18], [sflag:$0x4], $0x80, s29, s17, $0xb8;
	[tilespmem:$0x1E800] =	vst v63  }
0x63: {  	_ =	swait.ge [sflag:s15], $0x4000  }
0x64: {  	[sflag:s15] =	ssyncset.done $0x0  }
0x65: {  	s30 =	simm.s32 $0x100;
	[sflag:s15] =	ssyncadd.s32 $0xFFFFC000  }
0x66: {  	[tilespmem:s18], [sflag:$0x1] =	stream.indirect.gather [hbm4b:s2+s17], $0x80, s30, s17, $0xb8;
	[tilespmem:$0x1E800] =	vst v63  }
0x67: {  	_ =	swait.ge [sflag:s22], $0x4000  }
0x68: {  	[sflag:s22] =	ssyncset.done $0x0  }
0x69: {  	s31 =	simm.s32 $0x1480;
	[sflag:s22] =	ssyncadd.s32 $0xFFFFC000  }
0x6a: {  	[spmem:s3] =	stream.indirect.scatter.add.f32 [tilespmem:s19], [sflag:$0x4], $0x80, s31, s17, $0xb8;
	[tilespmem:$0x1E800] =	vst v63  }
0x6b: {  	_ =	swait.ge [sflag:s15], $0x4000  }
0x6c: {  	[sflag:s15] =	ssyncset.done $0x0  }
0x6d: {  	s28 =	simm.s32 $0x180;
	s26 =	simm.s32 $0x400;
	[sflag:s15] =	ssyncadd.s32 $0xFFFFC000  }
.LBB2_4:
0x6e: {  	[tilespmem:s19], [sflag:$0x2] =	stream.indirect.gather [hbm4b:s2+s17], $0x80, s28, s17, $0xb8;
	[tilespmem:$0x1E800] =	vst v63  }
0x6f: {  	s28 =	smov.u32 s26  }
0x70: {  	p0 =	sne.s32 s26, $0x4800;
	s26 =	sadd.s32 $0x400, s26;
	_ =	swait.ge [sflag:s21], $0x4000  }
0x71: {  	s28 =	sshra.s32 s28, $0x2;
	[sflag:s21] =	ssyncset.done $0x0  }
0x72: {  	s29 =	sadd.s32 $0x1400, s28;
	[sflag:s21] =	ssyncadd.s32 $0xFFFFC000  }
0x73: {  	[spmem:s3] =	stream.indirect.scatter.add.f32 [tilespmem:s18], [sflag:$0x4], $0x80, s29, s17, $0xb8;
	[tilespmem:$0x1E800] =	vst v63  }
0x74: {  	_ =	swait.ge [sflag:s15], $0x4000  }
0x75: {  	[sflag:s15] =	ssyncset.done $0x0  }
0x76: {  	s29 =	sadd.s32 $0x100, s28;
	[sflag:s15] =	ssyncadd.s32 $0xFFFFC000  }
0x77: {  	[tilespmem:s18], [sflag:$0x1] =	stream.indirect.gather [hbm4b:s2+s17], $0x80, s29, s17, $0xb8;
	[tilespmem:$0x1E800] =	vst v63  }
0x78: {  	_ =	swait.ge [sflag:s22], $0x4000  }
0x79: {  	[sflag:s22] =	ssyncset.done $0x0  }
.Ltmp1:
0x7a: {  	s29 =	sadd.s32 $0x1480, s28;
	[sflag:s22] =	ssyncadd.s32 $0xFFFFC000;
	(pc) =	sbr.rel @p0 .LBB2_4-.Ltmp1, $4  }
0x7b: {  	[spmem:s3] =	stream.indirect.scatter.add.f32 [tilespmem:s19], [sflag:$0x4], $0x80, s29, s17, $0xb8;
	[tilespmem:$0x1E800] =	vst v63  }
0x7c: {  	_ =	swait.ge [sflag:s15], $0x4000  }
0x7d: {  	[sflag:s15] =	ssyncset.done $0x0  }
0x7e: {  	s28 =	sadd.s32 $0x180, s28;
	[sflag:s15] =	ssyncadd.s32 $0xFFFFC000  }
0x7f: {  	[tilespmem:s19], [sflag:$0x2] =	stream.indirect.gather [hbm4b:s2+s17], $0x80, s28, s17, $0xb8;
	[tilespmem:$0x1E800] =	vst v63  }
0x80: {  	_ =	swait.ge [sflag:s21], $0x4000  }
0x81: {  	[sflag:s21] =	ssyncset.done $0x0  }
0x82: {  	[sflag:s21] =	ssyncadd.s32 $0xFFFFC000  }
0x83: {  	[spmem:s3] =	stream.indirect.scatter.add.f32 [tilespmem:s18], [sflag:$0x4], $0x80, s23, s17, $0xb8;
	[tilespmem:$0x1E800] =	vst v63  }
0x84: {  	_ =	swait.ge [sflag:s15], $0x4000  }
0x85: {  	[sflag:s15] =	ssyncset.done $0x0  }
0x86: {  	[sflag:s15] =	ssyncadd.s32 $0xFFFFC000  }
0x87: {  	_ =	swait.ge [sflag:s22], $0x4000  }
0x88: {  	[sflag:s22] =	ssyncset.done $0x0  }
0x89: {  	[sflag:s22] =	ssyncadd.s32 $0xFFFFC000  }
0x8a: {  	[spmem:s3] =	stream.indirect.scatter.add.f32 [tilespmem:s19], [sflag:$0x4], $0x80, s24, s17, $0xb8;
	[tilespmem:$0x1E800] =	vst v63  }
0x8b: {  	_ =	swait.ge [sflag:s15], $0x4000  }
0x8c: {  	s25 =	sadd.s32 $0x1, s25;
	[sflag:s15] =	ssyncset.done $0x0  }
0x8d: {  	p0 =	sne.s32 s25, s13;
	[sflag:s15] =	ssyncadd.s32 $0xFFFFC000  }
.Ltmp2:
0x8e: {  	s26 =	sor.u32 $0x1C04, s5;
	[bflag:$0x0] =	sbarrier.arrive $0xFFFF;
	(pc) =	sbr.rel @p0 .LBB2_1-.Ltmp2, $4  }
0x8f: {  	[hbm:s12], [sflag:s26] =	dma.local [spmem:s14], $0x2800  }
0x90: {  	_ =	swait.ge [sflag:s15], $0x2800  }
0x91: {  	[sflag:s15] =	ssyncset.done $0x0  }
0x92: {  	[sflag:s15] =	ssyncadd.s32 $0xFFFFD800  }
0x93: {  	_ =	sfence.sel $0x180000  }
0x94: {  	[bflag:$0x0] =	sbarrier.arrive $0xFFFF  }
0x95: {  	p0 =	sne.s32 s1, $0x0;
	_ =	strace $0x9000004D  }
0x96: {  	s0 =	sadd.s32 @!p0 $0x100000, s0;
	[bflag:$0x2] =	sbarrier.arrive $0xFFFF  }
0x97: {  	[sflag:s0] =	ssyncadd.tile.s32 @!p0 $0x1;
	_ =	shalt  }
.Lfunc_end2:
_tile_overlayer_lowered:
.L_overlay_start_2:
0x98: {  	(tag) =	ssettag $0x2  }
0x99: {  	s0 =	rddreg [dreg:$0x0];
	s2 =	stileid.u32  }
0x9a: {  	s1 =	rddreg [dreg:$0x1];
	p0 =	sne.s32 s2, $0x0  }
0x9b: {  	s3 =	rddreg [dreg:$0x2];
	[bflag:$0x3] =	sbarrier.arrive $0xFFFF;
	s2 =	simm.s32 @!p0 $0x1C04  }
0x9c: {  	[timem:s3], [sflag:s2] =	dma.local @!p0 [hbm:s0], s1  }
0x9d: {  	s0 =	simm.s32 @!p0 $0x4  }
0x9e: {  	_ =	swait.ge @!p0 [sflag:s0], s1  }
0x9f: {  	s1 =	ssub.s32 @!p0 $0x0, s1;
	[sflag:s0] =	ssyncset.done @!p0 $0x0  }
0xa0: {  	[sflag:s0] =	ssyncadd.s32 @!p0 s1  }
0xa1: {  	[bflag:$0x3] =	sbarrier.arrive $0xFFFF  }
0xa2: {  	_ =	shalt  }

// kernel: kernel.19.cloned.1.call-start
scs
__scs_entry_jumppad:
0x0: {  	(pc) =	sbr.rel $0x88, $3  }
0x1: {  	(tag) =	ssettag $0x0;
	lr =	simm.s32 $0x1  }
0x2: {  	[smem:$0x3F8F] =	sst lr;
	_ =	strace $0xD0000000  }
0x3: {  	_ = 	snop  }
0x4: {  	_ = 	snop  }
0x5: {  	_ = 	snop  }
0x6: {  	_ = 	snop  }
0x7: {  	_ = 	snop  }
__scs_overlays_trampoline_lowered:
0x8: {  	[smem:$0x3F9E] =	sst s0  }
0x9: {  	[smem:$0x3F9F] =	sst s1  }
0xa: {  	[smem:$0x3FA0] =	sst s2  }
0xb: {  	[smem:$0x3FA1] =	sst s3  }
0xc: {  	[smem:$0x3FA2] =	sst s4  }
0xd: {  	[smem:$0x3FA3] =	sst s5  }
0xe: {  	[smem:$0x3FA4] =	sst s6  }
0xf: {  	[smem:$0x3FA5] =	sst s7  }
0x10: {  	[smem:$0x3FA6] =	sst s8  }
0x11: {  	[smem:$0x3FA7] =	sst s9;
	s0 =	simm.s32 @!p0 $0x0  }
0x12: {  	s1 =	sld [smem:$0x3F8D];
	s0 =	simm.s32 @p0 $0x1  }
0x13: {  	[smem:$0x3FA8] =	sst s0;
	s0 =	simm.s32 @!p1 $0x0  }
0x14: {  	s2 =	sld [smem:$0x3F8C];
	s0 =	simm.s32 @p1 $0x1  }
0x15: {  	[smem:$0x3FA9] =	sst s0;
	s0 =	simm.s32 @!p2 $0x0  }
0x16: {  	s3 =	sld [smem:$0x3FDB];
	s0 =	simm.s32 @p2 $0x1  }
0x17: {  	s4 =	simm.s32 $0x1BF5;
	[smem:$0x3FAB] =	sst s0  }
0x18: {  	s0 =	sld [smem:$0x3F8E];
	_ =	swait.ge [sflag:s4], $0x0  }
0x19: {  	s7 =	sld [smem:$0x3F8F]  }
0x1a: {  	s8 =	sadd.s32 $0xFFFFE003, lr  }
0x1b: {  	s9 =	sadd.s32 $0xFFFFFEF7, lr;
	s5 =	simm.s32 $0xFFFFFFFF;
	p2 =	slt.u32 s8, $0xFFFFF086  }
0x1c: {  	p1 =	slt.u32 s9, $0xF7A;
	s5 =	simm.s32 @!p2 $0x0  }
0x1d: {  	s5 =	simm.s32 @p1 $0x1;
	p0 =	seq.s32 s7, s2  }
0x1e: {  	s7 =	smul.u32 @!p0 $0xF7A, s2;
	p2 =	seq.s32 @!p0 s5, $0x0  }
0x1f: {  	s9 =	smul.u32 $0xF7A, s1;
	s8 =	simm.s32 @!p0 $0x1BF5;
	p2 =	por !p2, p0  }
0x20: {  	[sflag:s8] =	ssyncset.s32 @!p0 $0xFFFFF086;
	s6 =	sadd.s32 @!p0 s3, s7;
	s7 =	simm.s32 @!p0 $0x108  }
0x21: {  	s3 =	sadd.s32 s3, s9;
	s6 =	sadd.s32 @!p0 $0x88, s6;
	s7 =	simm.s32 @p2 $0x1082  }
0x22: {  	[simem:s7], [sflag:s8] =	dma.local @!p0 [hbm:s6], $0xF7A  }
0x23: {  	s9 =	sor.u32 $0xD0000000, s2;
	s6 =	simm.s32 $0x108;
	_ =	swait.ge @!p0 [sflag:s8], $0x0  }
0x24: {  	s3 =	sadd.s32 $0x88, s3;
	s6 =	simm.s32 @!p1 $0x1082;
	[sflag:s4] =	ssyncset.s32 $0xFFFFF086  }
0x25: {  	[simem:s6], [sflag:s4] =	dma.local [hbm:s3], $0xF7A  }
0x26: {  	[smem:$0x3F8F] =	sst s1;
	(tag) =	ssettag s2;
	_ =	strace s9  }
0x27: {  	s1 =	sld [smem:$0x3F9F]  }
0x28: {  	s2 =	sld [smem:$0x3FA0]  }
0x29: {  	s4 =	sld [smem:$0x3FA2]  }
0x2a: {  	p0 =	seq.s32 s5, $0x0;
	s5 =	sld [smem:$0x3FA3]  }
0x2b: {  	s6 =	sld [smem:$0x3FA4]  }
0x2c: {  	s7 =	sld [smem:$0x3FA5]  }
0x2d: {  	s3 =	simm.s32 $0x108;
	s8 =	sld [smem:$0x3FA6]  }
0x2e: {  	s3 =	simm.s32 @!p0 $0x1082;
	s9 =	sld [smem:$0x3FA7]  }
0x2f: {  	lr =	sadd.s32 s0, s3;
	s0 =	sld [smem:$0x3F9E]  }
0x30: {  	s3 =	sld [smem:$0x3FA1]  }
0x31: {  	[smem:$0x3FAA] =	sst s10  }
0x32: {  	s10 =	sld [smem:$0x3FA8];
	_ =	sdelay $0x3  }
0x33: {  	p0 =	seq.s32 s10, $0x1;
	s10 =	sld [smem:$0x3FAA];
	_ =	sdelay $0x3  }
0x34: {  	[smem:$0x3FAA] =	sst s10  }
0x35: {  	s10 =	sld [smem:$0x3FA9];
	_ =	sdelay $0x3  }
0x36: {  	p1 =	seq.s32 s10, $0x1;
	s10 =	sld [smem:$0x3FAA];
	_ =	sdelay $0x3  }
0x37: {  	[smem:$0x3FAA] =	sst s10  }
0x38: {  	s10 =	sld [smem:$0x3FAB]  }
0x39: {  	_ = 	snop;
	(pc) =	sbr.ind lr, $3  }
0x3a: {  	_ = 	snop  }
0x3b: {  	_ = 	snop  }
0x3c: {  	p2 =	seq.s32 s10, $0x1;
	s10 =	sld [smem:$0x3FAA]  }
0x3d: {  	_ =	shalt  }
0x3e: {  	_ =	shalt  }
0x3f: {  	_ =	shalt  }
0x40: {  	_ =	shalt  }
0x41: {  	_ =	shalt  }
0x42: {  	_ =	shalt  }
0x43: {  	_ =	shalt  }
0x44: {  	_ =	shalt  }
0x45: {  	_ =	shalt  }
0x46: {  	_ =	shalt  }
0x47: {  	_ =	shalt  }
0x48: {  	_ =	shalt  }
0x49: {  	_ =	shalt  }
0x4a: {  	_ =	shalt  }
0x4b: {  	_ =	shalt  }
0x4c: {  	_ =	shalt  }
0x4d: {  	_ =	shalt  }
0x4e: {  	_ =	shalt  }
0x4f: {  	_ =	shalt  }
0x50: {  	_ =	shalt  }
0x51: {  	_ =	shalt  }
0x52: {  	_ =	shalt  }
0x53: {  	_ =	shalt  }
0x54: {  	_ =	shalt  }
0x55: {  	_ =	shalt  }
0x56: {  	_ =	shalt  }
0x57: {  	_ =	shalt  }
0x58: {  	_ =	shalt  }
0x59: {  	_ =	shalt  }
0x5a: {  	_ =	shalt  }
0x5b: {  	_ =	shalt  }
0x5c: {  	_ =	shalt  }
0x5d: {  	_ =	shalt  }
0x5e: {  	_ =	shalt  }
0x5f: {  	_ =	shalt  }
0x60: {  	_ =	shalt  }
0x61: {  	_ =	shalt  }
0x62: {  	_ =	shalt  }
0x63: {  	_ =	shalt  }
0x64: {  	_ =	shalt  }
0x65: {  	_ =	shalt  }
0x66: {  	_ =	shalt  }
0x67: {  	_ =	shalt  }
0x68: {  	_ =	shalt  }
0x69: {  	_ =	shalt  }
0x6a: {  	_ =	shalt  }
0x6b: {  	_ =	shalt  }
0x6c: {  	_ =	shalt  }
0x6d: {  	_ =	shalt  }
0x6e: {  	_ =	shalt  }
0x6f: {  	_ =	shalt  }
0x70: {  	_ =	shalt  }
0x71: {  	_ =	shalt  }
0x72: {  	_ =	shalt  }
0x73: {  	_ =	shalt  }
0x74: {  	_ =	shalt  }
0x75: {  	_ =	shalt  }
0x76: {  	_ =	shalt  }
0x77: {  	_ =	shalt  }
0x78: {  	_ =	shalt  }
0x79: {  	_ =	shalt  }
0x7a: {  	_ =	shalt  }
0x7b: {  	_ =	shalt  }
0x7c: {  	_ =	shalt  }
0x7d: {  	_ =	shalt  }
0x7e: {  	_ =	shalt  }
0x7f: {  	_ =	shalt  }
0x80: {  	_ =	shalt  }
0x81: {  	_ =	shalt  }
0x82: {  	_ =	shalt  }
0x83: {  	_ =	shalt  }
0x84: {  	_ =	shalt  }
0x85: {  	_ =	shalt  }
0x86: {  	_ =	shalt  }
0x87: {  	_ =	shalt  }
.Lfunc_end0:
.L_simem_size_0:
called_computation.3_lowered:
.L_overlay_start_0:
0x88: {  	s2 =	sld [smem:$0x3FD9]  }
0x89: {  	s3 =	sld [smem:$0x3FFE];
	_ =	sdelay $0x1  }
0x8a: {  	s1 =	srdreg.scid  }
0x8b: {  	s0 =	sand.u32 $0x1, s1  }
0x8c: {  	s17 =	sshll.u32 s0, $0xA;
	s2 =	sadd.s32 s3, s2  }
0x8d: {  	s2 =	sadd.s32 s2, s17  }
0x8e: {  	[smem:$0x3FB6] =	sst s2  }
0x8f: {  	_ = 	snop  }
0x90: {  	s2 =	sld [smem:$0x3FD0];
	(tm) =	ssettm $0x1  }
0x91: {  	s18 =	sld [smem:$0x3FFB];
	_ =	sdelay $0x3  }
0x92: {  	_ =	strace s18  }
0x93: {  	s3 =	sld [smem:$0x3FFC];
	_ =	sdelay $0x3  }
0x94: {  	_ =	strace s3  }
0x95: {  	s3 =	sld [smem:$0x3FFD];
	_ =	sdelay $0x3  }
0x96: {  	_ =	strace s3  }
0x97: {  	_ =	strace $0x8FFFFFFF  }
0x98: {  	s19 =	sld [smem:$0x3FDB];
	_ =	sdelay $0x1  }
0x99: {  	s4 =	simm.s32 $_scs_section_size  }
0x9a: {  	s5 =	simm.s32 $_size__tile_overlayer_lowered;
	s6 =	simm.s32 $_tile_overlayer_lowered  }
0x9b: {  	s22 =	simm.s32 $0x1BFF;
	s21 =	sshll.u32 s6, $0x1;
	s3 =	sadd.s32 s4, s19  }
0x9c: {  	s7 =	simm.s32 $0x0;
	s20 =	sshll.u32 s5, $0x1;
	s5 =	sadd.s32 s21, s3  }
0x9d: {  	[timem:s7], [sflag:s22] =	dma.local [hbm:s5], s20  }
0x9e: {  	_ =	swait.ge [sflag:s22], s20  }
0x9f: {  	s4 =	ssub.s32 $0x0, s20;
	[sflag:s22] =	ssyncset.done $0x0  }
0xa0: {  	[sflag:s22] =	ssyncadd.s32 s4;
	_ =	sdelay $0x1  }
0xa1: {  	s23 =	simm.s32 $0x1B8B  }
0xa2: {  	_ =	swait.ge [sflag:s23], $0x1  }
0xa3: {  	[sflag:s23] =	ssyncset.done $0x0  }
0xa4: {  	s25 =	simm.s32 $0x1B8E;
	s24 =	sld [smem:$0x3FFE];
	[sflag:s23] =	ssyncadd.s32 $0xFFFFFFFF  }
0xa5: {  	s26 =	simm.s32 $execute0_lowered;
	[smem:$0x3FD2] =	sst s25  }
0xa6: {  	s5 =	sshll.u32 s26, $0x1;
	_ =	strace $0x8000004F;
	[dreg:$0x1] =	wrdreg $0xFFFFFFFF  }
0xa7: {  	s28 =	simm.s32 $_size_execute0_lowered;
	s3 =	sadd.s32 s3, s5;
	[dreg:$0x0] =	wrdreg $0x0  }
0xa8: {  	s5 =	sshll.u32 s28, $0x1;
	[dreg:$0x2] =	wrdreg s3  }
0xa9: {  	[dreg:$0x3] =	wrdreg s5  }
0xaa: {  	[dreg:$0x4] =	wrdreg $0xC0  }
0xab: {  	_ =	task [dreg:s7], $0x5FFFF  }
0xac: {  	[dreg:$0x1] =	wrdreg $0xFFFFFFFF  }
0xad: {  	[dreg:$0x0] =	wrdreg $0x60  }
0xae: {  	[dreg:$0x2] =	wrdreg s2  }
0xaf: {  	[dreg:$0x3] =	wrdreg s24  }
0xb0: {  	[dreg:$0x4] =	wrdreg $0xA8000  }
0xb1: {  	[dreg:$0x5] =	wrdreg $0x9  }
0xb2: {  	_ =	task.clear_ibuf [dreg:s7], $0x6FFFF;
	_ =	strace $0x9000004F  }
0xb3: {  	s29 =	simm.s32 $0x9;
	_ =	strace $0x80000051  }
0xb4: {  	_ =	swait.ge [sflag:s29], $0x1  }
0xb5: {  	[sflag:s29] =	ssyncadd.s32 $0xFFFFFFFF  }
0xb6: {  	_ =	strace $0x90000051  }
0xb7: {  	_ =	sfence  }
0xb8: {  	s30 =	sld [smem:$0x0];
	_ =	sdelay $0x2  }
0xb9: {  	s31 =	sshll.u32 s1, $0xD;
	s1 =	sshrl.u32 s1, $0x2  }
0xba: {  	s3 =	sand.u32 $0x4000, s31;
	s1 =	sadd.s32 s1, s30  }
0xbb: {  	s0 =	sor.u32 s3, s0;
	s1 =	sshll.u32 s1, $0x11  }
0xbc: {  	s0 =	sor.u32 s1, s0  }
0xbd: {  	s0 =	sadd.s32 $0x8F2B, s0  }
0xbe: {  	[sflag:s0] =	ssyncadd.remote.s32 $0x1  }
0xbf: {  	_ =	sfence.sel $0xFFFF  }
0xc0: {  	[dreg:$0x0] =	wrdreg $0xFFFFFFFF;
	(pc) =	sbr.abs _section_cstart, $3  }
0xc1: {  	[dreg:$0x1] =	wrdreg $0xFFFFFFFF  }
0xc2: {  	_ =	task.clear_ibuf [dreg:s7], $0x2FFFF;
	_ =	strace $0x9FFFFFFF  }
0xc3: {  	(tm) =	ssettm $0x7FFFFFFF  }
tec
execute0_lowered:
.L_overlay_start_1:
0x0: {  	(tag) =	ssettag $0x1  }
0x1: {  	s2 =	rddreg [dreg:$0x0]  }
0x2: {  	s5 =	rddreg [dreg:$0x1]  }
0x3: {  	s3 =	rddreg [dreg:$0x2]  }
0x4: {  	s0 =	rddreg [dreg:$0x3]  }
0x5: {  	s1 =	stileid.u32;
	s4 =	simm.s32 $0x0;
	s7 =	srdreg.scid  }
0x6: {  	s17 =	simm.s32 $0x80;
	s18 =	simm.s32 $0x2800;
	s19 =	simm.s32 $0x6800  }
0x7: {  	s20 =	simm.s32 $0x3;
	s21 =	simm.s32 $0x1;
	s22 =	simm.s32 $0x2  }
0x8: {  	s23 =	simm.s32 $0x2700;
	s24 =	simm.s32 $0x2780;
	s25 =	simm.s32 $0x0  }
0x9: {  	s6 =	smul.u32 $0x14000, s1;
	[smem:$0x7FF] =	sst s4;
	s7 =	sand.u32 $0x1, s7  }
0xa: {  	s10 =	sadd.s32 $0xE200, s5;
	s11 =	sadd.s32 $0x4200, s5;
	s12 =	smul.u32 $0x50000, s1  }
0xb: {  	s28 =	sshll.u32 s1, $0x1;
	_ =	strace $0x80000050;
	s9 =	smul.u32 $0x140000, s7  }
0xc: {  	s13 =	ssub.s32 $0x2, s7;
	s7 =	sor.u32 s7, s28;
	s8 =	sshrl.u32 s6, $0x3  }
0xd: {  	s29 =	sshrl.u32 s13, $0x1;
	s12 =	sshrl.u32 s12, $0x2;
	s14 =	smul.u32 $0x2800, s7  }
0xe: {  	s30 =	smul.u32 $0x500, s7;
	s8 =	sadd.s32 s8, s5;
	s6 =	sadd.s32 s6, s9  }
0xf: {  	s13 =	ssub.s32 s13, s29;
	s16 =	sadd.s32 s12, s3;
	s6 =	sshrl.u32 s6, $0x3  }
0x10: {  	s31 =	sshrl.u32 s14, $0x3;
	s9 =	sadd.s32 s11, s30;
	s13 =	smax.u32 s13, $0x1  }
0x11: {  	s14 =	sshrl.u32 s16, $0x3;
	s16 =	simm.s32 $0x1400;
	s15 =	sadd.s32 s6, s5  }
0x12: {  	s5 =	sshll.u32 s1, $0x6;
	s6 =	sadd.s32 $0x18200, s8;
	s12 =	sadd.s32 $0x280, s31  }
0x13: {  	s8 =	sadd.s32 s10, s30;
	s7 =	sor.u32 $0x1C03, s5;
	s10 =	sadd.s32 s10, s12  }
0x14: {  	s11 =	sadd.s32 s11, s12;
	s12 =	sadd.s32 $0x40200, s15;
	s15 =	simm.s32 $0x4  }
.LBB2_1:
0x15: {  	[spmem:s14], [sflag:s7] =	dma.local [hbm:s6], $0x2800  }
0x16: {  	[tilespmem:s4], [sflag:$0x4] =	stream.linear.gather [hbm4b:s8+s4], $0x1400, $0x38;
	[tilespmem:$0x1E800] =	vst v63  }
0x17: {  	_ =	swait.ge [sflag:s15], $0x1400  }
0x18: {  	[sflag:s15] =	ssyncset.done $0x0  }
0x19: {  	[sflag:s15] =	ssyncadd.s32 $0xFFFFEC00  }
0x1a: {  	[tilespmem:s16], [sflag:$0x4] =	stream.linear.gather [hbm4b:s9+s4], $0x1400, $0x38;
	[tilespmem:$0x1E800] =	vst v63  }
0x1b: {  	_ =	swait.ge [sflag:s15], $0x1400  }
0x1c: {  	[sflag:s15] =	ssyncset.done $0x0  }
0x1d: {  	[sflag:s15] =	ssyncadd.s32 $0xFFFFEC00  }
0x1e: {  	[tilespmem:s18], [sflag:$0x1] =	stream.indirect.gather [hbm4b:s2+s17], $0x80, s4, s17, $0xb8;
	[tilespmem:$0x1E800] =	vst v63  }
0x1f: {  	_ = 	snop  }
0x20: {  	[tilespmem:s19], [sflag:$0x2] =	stream.indirect.gather [hbm4b:s2+s17], $0x80, s17, s17, $0xb8;
	[tilespmem:$0x1E800] =	vst v63  }
0x21: {  	_ =	swait.ge [sflag:s20], $0x2800  }
0x22: {  	[sflag:s20] =	ssyncset.done $0x0  }
0x23: {  	[sflag:s20] =	ssyncadd.s32 $0xFFFFD800  }
0x24: {  	[bflag:$0x0] =	sbarrier.arrive $0xFFFF  }
0x25: {  	_ =	swait.ge [sflag:s21], $0x4000  }
0x26: {  	[sflag:s21] =	ssyncset.done $0x0  }
0x27: {  	s26 =	simm.s32 $0x1400;
	[sflag:s21] =	ssyncadd.s32 $0xFFFFC000  }
0x28: {  	[spmem:s3] =	stream.indirect.scatter.add.f32 [tilespmem:s18], [sflag:$0x4], $0x80, s26, s17, $0xb8;
	[tilespmem:$0x1E800] =	vst v63  }
0x29: {  	_ =	swait.ge [sflag:s15], $0x4000  }
0x2a: {  	[sflag:s15] =	ssyncset.done $0x0  }
0x2b: {  	s30 =	simm.s32 $0x100;
	[sflag:s15] =	ssyncadd.s32 $0xFFFFC000  }
0x2c: {  	[tilespmem:s18], [sflag:$0x1] =	stream.indirect.gather [hbm4b:s2+s17], $0x80, s30, s17, $0xb8;
	[tilespmem:$0x1E800] =	vst v63  }
0x2d: {  	_ =	swait.ge [sflag:s22], $0x4000  }
0x2e: {  	[sflag:s22] =	ssyncset.done $0x0  }
0x2f: {  	s31 =	simm.s32 $0x1480;
	[sflag:s22] =	ssyncadd.s32 $0xFFFFC000  }
0x30: {  	[spmem:s3] =	stream.indirect.scatter.add.f32 [tilespmem:s19], [sflag:$0x4], $0x80, s31, s17, $0xb8;
	[tilespmem:$0x1E800] =	vst v63  }
0x31: {  	_ =	swait.ge [sflag:s15], $0x4000  }
0x32: {  	[sflag:s15] =	ssyncset.done $0x0  }
0x33: {  	s28 =	simm.s32 $0x180;
	s26 =	simm.s32 $0x400;
	[sflag:s15] =	ssyncadd.s32 $0xFFFFC000  }
.LBB2_2:
0x34: {  	[tilespmem:s19], [sflag:$0x2] =	stream.indirect.gather [hbm4b:s2+s17], $0x80, s28, s17, $0xb8;
	[tilespmem:$0x1E800] =	vst v63  }
0x35: {  	s28 =	smov.u32 s26  }
0x36: {  	p0 =	sne.s32 s26, $0x4800;
	s26 =	sadd.s32 $0x400, s26;
	_ =	swait.ge [sflag:s21], $0x4000  }
0x37: {  	s28 =	sshra.s32 s28, $0x2;
	[sflag:s21] =	ssyncset.done $0x0  }
0x38: {  	s29 =	sadd.s32 $0x1400, s28;
	[sflag:s21] =	ssyncadd.s32 $0xFFFFC000  }
0x39: {  	[spmem:s3] =	stream.indirect.scatter.add.f32 [tilespmem:s18], [sflag:$0x4], $0x80, s29, s17, $0xb8;
	[tilespmem:$0x1E800] =	vst v63  }
0x3a: {  	_ =	swait.ge [sflag:s15], $0x4000  }
0x3b: {  	[sflag:s15] =	ssyncset.done $0x0  }
0x3c: {  	s29 =	sadd.s32 $0x100, s28;
	[sflag:s15] =	ssyncadd.s32 $0xFFFFC000  }
0x3d: {  	[tilespmem:s18], [sflag:$0x1] =	stream.indirect.gather [hbm4b:s2+s17], $0x80, s29, s17, $0xb8;
	[tilespmem:$0x1E800] =	vst v63  }
0x3e: {  	_ =	swait.ge [sflag:s22], $0x4000  }
0x3f: {  	[sflag:s22] =	ssyncset.done $0x0  }
.Ltmp0:
0x40: {  	s29 =	sadd.s32 $0x1480, s28;
	[sflag:s22] =	ssyncadd.s32 $0xFFFFC000;
	(pc) =	sbr.rel @p0 .LBB2_2-.Ltmp0, $4  }
0x41: {  	[spmem:s3] =	stream.indirect.scatter.add.f32 [tilespmem:s19], [sflag:$0x4], $0x80, s29, s17, $0xb8;
	[tilespmem:$0x1E800] =	vst v63  }
0x42: {  	_ =	swait.ge [sflag:s15], $0x4000  }
0x43: {  	[sflag:s15] =	ssyncset.done $0x0  }
0x44: {  	s28 =	sadd.s32 $0x180, s28;
	[sflag:s15] =	ssyncadd.s32 $0xFFFFC000  }
0x45: {  	[tilespmem:s19], [sflag:$0x2] =	stream.indirect.gather [hbm4b:s2+s17], $0x80, s28, s17, $0xb8;
	[tilespmem:$0x1E800] =	vst v63  }
0x46: {  	_ =	swait.ge [sflag:s21], $0x4000  }
0x47: {  	[sflag:s21] =	ssyncset.done $0x0  }
0x48: {  	[sflag:s21] =	ssyncadd.s32 $0xFFFFC000  }
0x49: {  	[spmem:s3] =	stream.indirect.scatter.add.f32 [tilespmem:s18], [sflag:$0x4], $0x80, s23, s17, $0xb8;
	[tilespmem:$0x1E800] =	vst v63  }
0x4a: {  	_ =	swait.ge [sflag:s15], $0x4000  }
0x4b: {  	[sflag:s15] =	ssyncset.done $0x0  }
0x4c: {  	[sflag:s15] =	ssyncadd.s32 $0xFFFFC000  }
0x4d: {  	_ =	swait.ge [sflag:s22], $0x4000  }
0x4e: {  	[sflag:s22] =	ssyncset.done $0x0  }
0x4f: {  	[sflag:s22] =	ssyncadd.s32 $0xFFFFC000  }
0x50: {  	[spmem:s3] =	stream.indirect.scatter.add.f32 [tilespmem:s19], [sflag:$0x4], $0x80, s24, s17, $0xb8;
	[tilespmem:$0x1E800] =	vst v63  }
0x51: {  	_ =	swait.ge [sflag:s15], $0x4000  }
0x52: {  	[sflag:s15] =	ssyncset.done $0x0  }
0x53: {  	s26 =	simm.s32 $0x0;
	[sflag:s15] =	ssyncadd.s32 $0xFFFFC000  }
0x54: {  	[tilespmem:s26], [sflag:$0x4] =	stream.linear.gather [hbm4b:s10+s26], $0x1400, $0x38;
	[tilespmem:$0x1E800] =	vst v63  }
0x55: {  	_ =	swait.ge [sflag:s15], $0x1400  }
0x56: {  	[sflag:s15] =	ssyncset.done $0x0  }
0x57: {  	[sflag:s15] =	ssyncadd.s32 $0xFFFFEC00  }
0x58: {  	[tilespmem:s16], [sflag:$0x4] =	stream.linear.gather [hbm4b:s11+s26], $0x1400, $0x38;
	[tilespmem:$0x1E800] =	vst v63  }
0x59: {  	_ =	swait.ge [sflag:s15], $0x1400  }
0x5a: {  	[sflag:s15] =	ssyncset.done $0x0  }
0x5b: {  	[sflag:s15] =	ssyncadd.s32 $0xFFFFEC00  }
0x5c: {  	[tilespmem:s18], [sflag:$0x1] =	stream.indirect.gather [hbm4b:s2+s17], $0x80, s26, s17, $0xb8;
	[tilespmem:$0x1E800] =	vst v63  }
0x5d: {  	_ = 	snop  }
0x5e: {  	[tilespmem:s19], [sflag:$0x2] =	stream.indirect.gather [hbm4b:s2+s17], $0x80, s17, s17, $0xb8;
	[tilespmem:$0x1E800] =	vst v63  }
0x5f: {  	_ =	swait.ge [sflag:s21], $0x4000  }
0x60: {  	[sflag:s21] =	ssyncset.done $0x0  }
0x61: {  	s29 =	simm.s32 $0x1400;
	[sflag:s21] =	ssyncadd.s32 $0xFFFFC000  }
0x62: {  	[spmem:s3] =	stream.indirect.scatter.add.f32 [tilespmem:s18], [sflag:$0x4], $0x80, s29, s17, $0xb8;
	[tilespmem:$0x1E800] =	vst v63  }
0x63: {  	_ =	swait.ge [sflag:s15], $0x4000  }
0x64: {  	[sflag:s15] =	ssyncset.done $0x0  }
0x65: {  	s30 =	simm.s32 $0x100;
	[sflag:s15] =	ssyncadd.s32 $0xFFFFC000  }
0x66: {  	[tilespmem:s18], [sflag:$0x1] =	stream.indirect.gather [hbm4b:s2+s17], $0x80, s30, s17, $0xb8;
	[tilespmem:$0x1E800] =	vst v63  }
0x67: {  	_ =	swait.ge [sflag:s22], $0x4000  }
0x68: {  	[sflag:s22] =	ssyncset.done $0x0  }
0x69: {  	s31 =	simm.s32 $0x1480;
	[sflag:s22] =	ssyncadd.s32 $0xFFFFC000  }
0x6a: {  	[spmem:s3] =	stream.indirect.scatter.add.f32 [tilespmem:s19], [sflag:$0x4], $0x80, s31, s17, $0xb8;
	[tilespmem:$0x1E800] =	vst v63  }
0x6b: {  	_ =	swait.ge [sflag:s15], $0x4000  }
0x6c: {  	[sflag:s15] =	ssyncset.done $0x0  }
0x6d: {  	s28 =	simm.s32 $0x180;
	s26 =	simm.s32 $0x400;
	[sflag:s15] =	ssyncadd.s32 $0xFFFFC000  }
.LBB2_4:
0x6e: {  	[tilespmem:s19], [sflag:$0x2] =	stream.indirect.gather [hbm4b:s2+s17], $0x80, s28, s17, $0xb8;
	[tilespmem:$0x1E800] =	vst v63  }
0x6f: {  	s28 =	smov.u32 s26  }
0x70: {  	p0 =	sne.s32 s26, $0x4800;
	s26 =	sadd.s32 $0x400, s26;
	_ =	swait.ge [sflag:s21], $0x4000  }
0x71: {  	s28 =	sshra.s32 s28, $0x2;
	[sflag:s21] =	ssyncset.done $0x0  }
0x72: {  	s29 =	sadd.s32 $0x1400, s28;
	[sflag:s21] =	ssyncadd.s32 $0xFFFFC000  }
0x73: {  	[spmem:s3] =	stream.indirect.scatter.add.f32 [tilespmem:s18], [sflag:$0x4], $0x80, s29, s17, $0xb8;
	[tilespmem:$0x1E800] =	vst v63  }
0x74: {  	_ =	swait.ge [sflag:s15], $0x4000  }
0x75: {  	[sflag:s15] =	ssyncset.done $0x0  }
0x76: {  	s29 =	sadd.s32 $0x100, s28;
	[sflag:s15] =	ssyncadd.s32 $0xFFFFC000  }
0x77: {  	[tilespmem:s18], [sflag:$0x1] =	stream.indirect.gather [hbm4b:s2+s17], $0x80, s29, s17, $0xb8;
	[tilespmem:$0x1E800] =	vst v63  }
0x78: {  	_ =	swait.ge [sflag:s22], $0x4000  }
0x79: {  	[sflag:s22] =	ssyncset.done $0x0  }
.Ltmp1:
0x7a: {  	s29 =	sadd.s32 $0x1480, s28;
	[sflag:s22] =	ssyncadd.s32 $0xFFFFC000;
	(pc) =	sbr.rel @p0 .LBB2_4-.Ltmp1, $4  }
0x7b: {  	[spmem:s3] =	stream.indirect.scatter.add.f32 [tilespmem:s19], [sflag:$0x4], $0x80, s29, s17, $0xb8;
	[tilespmem:$0x1E800] =	vst v63  }
0x7c: {  	_ =	swait.ge [sflag:s15], $0x4000  }
0x7d: {  	[sflag:s15] =	ssyncset.done $0x0  }
0x7e: {  	s28 =	sadd.s32 $0x180, s28;
	[sflag:s15] =	ssyncadd.s32 $0xFFFFC000  }
0x7f: {  	[tilespmem:s19], [sflag:$0x2] =	stream.indirect.gather [hbm4b:s2+s17], $0x80, s28, s17, $0xb8;
	[tilespmem:$0x1E800] =	vst v63  }
0x80: {  	_ =	swait.ge [sflag:s21], $0x4000  }
0x81: {  	[sflag:s21] =	ssyncset.done $0x0  }
0x82: {  	[sflag:s21] =	ssyncadd.s32 $0xFFFFC000  }
0x83: {  	[spmem:s3] =	stream.indirect.scatter.add.f32 [tilespmem:s18], [sflag:$0x4], $0x80, s23, s17, $0xb8;
	[tilespmem:$0x1E800] =	vst v63  }
0x84: {  	_ =	swait.ge [sflag:s15], $0x4000  }
0x85: {  	[sflag:s15] =	ssyncset.done $0x0  }
0x86: {  	[sflag:s15] =	ssyncadd.s32 $0xFFFFC000  }
0x87: {  	_ =	swait.ge [sflag:s22], $0x4000  }
0x88: {  	[sflag:s22] =	ssyncset.done $0x0  }
0x89: {  	[sflag:s22] =	ssyncadd.s32 $0xFFFFC000  }
0x8a: {  	[spmem:s3] =	stream.indirect.scatter.add.f32 [tilespmem:s19], [sflag:$0x4], $0x80, s24, s17, $0xb8;
	[tilespmem:$0x1E800] =	vst v63  }
0x8b: {  	_ =	swait.ge [sflag:s15], $0x4000  }
0x8c: {  	s25 =	sadd.s32 $0x1, s25;
	[sflag:s15] =	ssyncset.done $0x0  }
0x8d: {  	p0 =	sne.s32 s25, s13;
	[sflag:s15] =	ssyncadd.s32 $0xFFFFC000  }
.Ltmp2:
0x8e: {  	s26 =	sor.u32 $0x1C04, s5;
	[bflag:$0x0] =	sbarrier.arrive $0xFFFF;
	(pc) =	sbr.rel @p0 .LBB2_1-.Ltmp2, $4  }
0x8f: {  	[hbm:s12], [sflag:s26] =	dma.local [spmem:s14], $0x2800  }
0x90: {  	_ =	swait.ge [sflag:s15], $0x2800  }
0x91: {  	[sflag:s15] =	ssyncset.done $0x0  }
0x92: {  	[sflag:s15] =	ssyncadd.s32 $0xFFFFD800  }
0x93: {  	_ =	sfence.sel $0x180000  }
0x94: {  	[bflag:$0x0] =	sbarrier.arrive $0xFFFF  }
0x95: {  	p0 =	sne.s32 s1, $0x0;
	_ =	strace $0x90000050  }
0x96: {  	s0 =	sadd.s32 @!p0 $0x100000, s0;
	[bflag:$0x2] =	sbarrier.arrive $0xFFFF  }
0x97: {  	[sflag:s0] =	ssyncadd.tile.s32 @!p0 $0x1;
	_ =	shalt  }
.Lfunc_end2:
_tile_overlayer_lowered:
.L_overlay_start_2:
0x98: {  	(tag) =	ssettag $0x2  }
0x99: {  	s0 =	rddreg [dreg:$0x0];
	s2 =	stileid.u32  }
0x9a: {  	s1 =	rddreg [dreg:$0x1];
	p0 =	sne.s32 s2, $0x0  }
0x9b: {  	s3 =	rddreg [dreg:$0x2];
	[bflag:$0x3] =	sbarrier.arrive $0xFFFF;
	s2 =	simm.s32 @!p0 $0x1C04  }
0x9c: {  	[timem:s3], [sflag:s2] =	dma.local @!p0 [hbm:s0], s1  }
0x9d: {  	s0 =	simm.s32 @!p0 $0x4  }
0x9e: {  	_ =	swait.ge @!p0 [sflag:s0], s1  }
0x9f: {  	s1 =	ssub.s32 @!p0 $0x0, s1;
	[sflag:s0] =	ssyncset.done @!p0 $0x0  }
0xa0: {  	[sflag:s0] =	ssyncadd.s32 @!p0 s1  }
0xa1: {  	[bflag:$0x3] =	sbarrier.arrive $0xFFFF  }
0xa2: {  	_ =	shalt  }

</sc_bundles>
